<compile_context>
chip_gen: v7x
topology: tpu7x:2x2x1
jax: 0.10.2.dev20260603
libtpu: 0.0.44.dev20260713+nightly
codegen_flags: <defaults>
</compile_context>

<pallas_src>
import functools

import jax
import jax.numpy as jnp
from jax import lax
from jax.experimental import pallas as pl
from jax.experimental.pallas import tpu as pltpu
from jax.experimental.pallas import tpu_sc as plsc

N = 10000
E = 320000
DIN = 128
DH = 256
DOUT = 128

NC = 2
NS = 16
NW = NC * NS
CH = 128
STAGES = 3
HALF = 28
STEPS = STAGES * HALF
N_TRASH = 8
N_ACC = N + N_TRASH

RPT = 624
R_TAIL_BASE = 16 * RPT
R_TAIL = N_ACC - 16 * RPT
W_TAIL = N - 16 * RPT
NP = 10240


def _row_ranges(sid):
    return sid * RPT


def _seg_sum_body(with_deg, *refs):
    if with_deg:
        (feat_hbm, src_hbm, dst_hbm, zf_hbm, ones_hbm,
         aggp_hbm, degp_hbm,
         src_v, dst_v, rows_a, rows_b, ones_v, dbuf, agg_sh, deg_sh,
         sem) = refs
    else:
        (feat_hbm, src_hbm, dst_hbm, zf_hbm,
         aggp_hbm,
         src_v, dst_v, rows_a, rows_b, agg_sh, sem) = refs

    cid = lax.axis_index("c")
    sid = lax.axis_index("s")
    wid = sid * NC + cid
    r0 = sid * RPT

    pltpu.sync_copy(zf_hbm.at[pl.ds(r0, RPT)], agg_sh.at[pl.ds(r0, RPT)])
    if with_deg:
        @pl.loop(0, RPT // 16)
        def _(i):
            dbuf[pl.ds(i * 16, 16)] = jnp.zeros((16,), jnp.float32)
        pltpu.sync_copy(dbuf, deg_sh.at[pl.ds(r0, RPT)])

    @pl.when(sid == NS - 1)
    def _():
        pltpu.sync_copy(zf_hbm.at[pl.ds(R_TAIL_BASE, R_TAIL)],
                        agg_sh.at[pl.ds(R_TAIL_BASE, R_TAIL)])
        if with_deg:
            pltpu.sync_copy(dbuf.at[pl.ds(0, R_TAIL)],
                            deg_sh.at[pl.ds(R_TAIL_BASE, R_TAIL)])

    if with_deg:
        pltpu.sync_copy(ones_hbm, ones_v)

    plsc.subcore_barrier()

    def issue(s, buf):
        return pltpu.async_copy(feat_hbm.at[src_v.at[s]], buf, sem)

    def scatter(s, buf):
        pltpu.sync_copy(buf, agg_sh.at[dst_v.at[s]], add=True)
        if with_deg:
            pltpu.sync_copy(ones_v, deg_sh.at[dst_v.at[s]], add=True)

    for h in range(STAGES):
        pltpu.sync_copy(src_hbm.at[STAGES * wid + h], src_v)
        pltpu.sync_copy(dst_hbm.at[STAGES * wid + h], dst_v)
        issue(0, rows_a)

        @pl.loop(0, HALF // 2)
        def _(t):
            s0 = 2 * t
            s1 = s0 + 1
            pltpu.make_async_copy(feat_hbm.at[pl.ds(0, CH)],
                                  rows_a, sem).wait()
            db = issue(s1, rows_b)
            scatter(s0, rows_a)
            db.wait()

            @pl.when(s1 + 1 < HALF)
            def _():
                issue(s1 + 1, rows_a)
            scatter(s1, rows_b)

    plsc.subcore_barrier()

    pltpu.sync_copy(agg_sh.at[pl.ds(r0, RPT)],
                    aggp_hbm.at[pl.ds(cid * NP + r0, RPT)])
    if with_deg:
        pltpu.sync_copy(deg_sh.at[pl.ds(r0, RPT)], dbuf)
        pltpu.sync_copy(dbuf, degp_hbm.at[pl.ds(cid * NP + r0, RPT)])

    @pl.when(sid == NS - 1)
    def _():
        pltpu.sync_copy(agg_sh.at[pl.ds(R_TAIL_BASE, W_TAIL)],
                        aggp_hbm.at[pl.ds(cid * NP + R_TAIL_BASE, W_TAIL)])
        if with_deg:
            pltpu.sync_copy(deg_sh.at[pl.ds(R_TAIL_BASE, W_TAIL)],
                            dbuf.at[pl.ds(0, W_TAIL)])
            pltpu.sync_copy(dbuf.at[pl.ds(0, W_TAIL)],
                            degp_hbm.at[pl.ds(cid * NP + R_TAIL_BASE, W_TAIL)])


def _make_seg_sum(with_deg):
    mesh = plsc.VectorSubcoreMesh(core_axis_name="c", subcore_axis_name="s",
                                  num_cores=NC, num_subcores=NS)
    if with_deg:
        out_type = (
            jax.ShapeDtypeStruct((NC * NP, DIN), jnp.float32),
            jax.ShapeDtypeStruct((NC * NP,), jnp.float32),
        )
    else:
        out_type = jax.ShapeDtypeStruct((NC * NP, DIN), jnp.float32)
    scratch = [
        pltpu.VMEM((HALF, CH), jnp.int32),
        pltpu.VMEM((HALF, CH), jnp.int32),
        pltpu.VMEM((CH, DIN), jnp.float32),
        pltpu.VMEM((CH, DIN), jnp.float32),
    ]
    if with_deg:
        scratch.append(pltpu.VMEM((CH,), jnp.float32))
        scratch.append(pltpu.VMEM((RPT,), jnp.float32))
    scratch.append(pltpu.VMEM_SHARED((N_ACC, DIN), jnp.float32))
    if with_deg:
        scratch.append(pltpu.VMEM_SHARED((N_ACC,), jnp.float32))
    scratch.append(pltpu.SemaphoreType.DMA)
    return pl.kernel(
        functools.partial(_seg_sum_body, with_deg),
        out_type=out_type,
        mesh=mesh,
        scratch_types=scratch,
    )


@functools.cache
def _get_seg_sum(with_deg):
    return _make_seg_sum(with_deg)


def _seg_sum_deg(*args):
    return _get_seg_sum(True)(*args)


def _seg_sum(*args):
    return _get_seg_sum(False)(*args)


RB = 1024
GRID = NP // RB


def _layer1_body(a0, a1, d0, d1, x, w1l, w1r, w2l, w2r, b1, b2, hl_o, hr_o):
    agg = a0[...] + a1[...]
    deg = jnp.maximum(d0[...] + d1[...], 1.0)
    mean = agg * (1.0 / deg)[:, None]
    h = mean @ w1l[...] + x[...] @ w1r[...] + b1[...]
    h = jnp.maximum(h, 0.0)
    hl_o[...] = h @ w2l[...]
    hr_o[...] = h @ w2r[...] + b2[...]


def _layer1(aggp, degp, x, w1l, w1r, w2l, w2r, b1, b2):
    return pl.pallas_call(
        _layer1_body,
        grid=(GRID,),
        in_specs=[
            pl.BlockSpec((RB, DIN), lambda i: (i, 0)),
            pl.BlockSpec((RB, DIN), lambda i: (GRID + i, 0)),
            pl.BlockSpec((RB,), lambda i: (i,)),
            pl.BlockSpec((RB,), lambda i: (GRID + i,)),
            pl.BlockSpec((RB, DIN), lambda i: (i, 0)),
            pl.BlockSpec((DIN, DH), lambda i: (0, 0)),
            pl.BlockSpec((DIN, DH), lambda i: (0, 0)),
            pl.BlockSpec((DH, DOUT), lambda i: (0, 0)),
            pl.BlockSpec((DH, DOUT), lambda i: (0, 0)),
            pl.BlockSpec((1, DH), lambda i: (0, 0)),
            pl.BlockSpec((1, DOUT), lambda i: (0, 0)),
        ],
        out_specs=[
            pl.BlockSpec((RB, DOUT), lambda i: (i, 0)),
            pl.BlockSpec((RB, DOUT), lambda i: (i, 0)),
        ],
        out_shape=[
            jax.ShapeDtypeStruct((N, DOUT), jnp.float32),
            jax.ShapeDtypeStruct((N, DOUT), jnp.float32),
        ],
    )(aggp, aggp, degp, degp, x, w1l, w1r, w2l, w2r, b1, b2)


def _final_body(a0, a1, d0, d1, hr, out_o, lsm_o):
    agg = a0[...] + a1[...]
    deg = jnp.maximum(d0[...] + d1[...], 1.0)
    o = agg * (1.0 / deg)[:, None] + hr[...]
    m = jnp.max(o, axis=1, keepdims=True)
    e = jnp.exp(o - m)
    s = jnp.sum(e, axis=1, keepdims=True)
    out_o[...] = o
    lsm_o[...] = (o - m) - jnp.log(s)


def _final(aggp2, degp, hr):
    return pl.pallas_call(
        _final_body,
        grid=(GRID,),
        in_specs=[
            pl.BlockSpec((RB, DOUT), lambda i: (i, 0)),
            pl.BlockSpec((RB, DOUT), lambda i: (GRID + i, 0)),
            pl.BlockSpec((RB,), lambda i: (i,)),
            pl.BlockSpec((RB,), lambda i: (GRID + i,)),
            pl.BlockSpec((RB, DOUT), lambda i: (i, 0)),
        ],
        out_specs=[
            pl.BlockSpec((RB, DOUT), lambda i: (i, 0)),
            pl.BlockSpec((RB, DOUT), lambda i: (i, 0)),
        ],
        out_shape=[
            jax.ShapeDtypeStruct((N, DOUT), jnp.float32),
            jax.ShapeDtypeStruct((N, DOUT), jnp.float32),
        ],
    )(aggp2, aggp2, degp, degp, hr)


def _pad_edges(edge_index, steps, ch):
    npad = NW * steps * ch - E
    pad_src = (jnp.arange(npad, dtype=jnp.int32) * 37) % N
    pad_dst = N + (jnp.arange(npad, dtype=jnp.int32) % N_TRASH)
    src = jnp.concatenate([edge_index[0], pad_src]).reshape(NW, steps, ch)
    dst = jnp.concatenate([edge_index[1], pad_dst]).reshape(NW, steps, ch)
    return src, dst


def kernel(x, edge_index, W1l, b1, W1r, W2l, b2, W2r):
    src2, dst2 = _pad_edges(edge_index, STEPS, CH)
    src2 = src2.reshape(NW * STAGES, HALF, CH)
    dst2 = dst2.reshape(NW * STAGES, HALF, CH)
    src1, dst1 = src2, dst2
    zf = jnp.zeros((N_ACC, DIN), jnp.float32)
    ones = jnp.ones((CH,), jnp.float32)

    aggp1, degp = _seg_sum_deg(x, src1, dst1, zf, ones)
    hl, hr = _layer1(aggp1, degp, x, W1l.T, W1r.T, W2l.T, W2r.T,
                     b1.reshape(1, DH), b2.reshape(1, DOUT))
    aggp2 = _seg_sum(hl, src2, dst2, zf)
    out, lsm = _final(aggp2, degp, hr)
    return (out, lsm)

# --- scband reference (transcript-rebuilt; emitter-appended) ---
"""Pipeline reference for scband-graph-sage-46712064311558 (READ-ONLY COPY).

The authoritative reference and input builder live on the scoring server;
editing this copy changes nothing except your own understanding.
"""

import jax, jax.numpy as jnp
import numpy as np

N = 10000
E = 320000
DIN = 128
DH = 256
DOUT = 128


def _sage_conv(x, edge_index, Wl, bl, Wr, num_nodes):
    # PyG-style SAGEConv: mean aggregation of neighbor messages, plus root transform.
    src = edge_index[0]
    dst = edge_index[1]
    msgs = x[src]  # gather
    agg = jax.ops.segment_sum(msgs, dst, num_segments=num_nodes)  # scatter-add
    deg = jax.ops.segment_sum(jnp.ones((edge_index.shape[1],), dtype=x.dtype), dst, num_segments=num_nodes)
    mean = agg / jnp.clip(deg, 1.0)[:, None]
    return mean @ Wl.T + bl + x @ Wr.T


def setup_inputs(seed: int = 0) -> dict:
    key = jax.random.key(seed)
    ks = jax.random.split(key, 8)
    x = jax.random.normal(ks[0], (N, DIN), dtype=jnp.float32)
    edge_index = jax.random.randint(ks[1], (2, E), 0, N, dtype=jnp.int32)
    s1 = 1.0 / np.sqrt(DIN)
    s2 = 1.0 / np.sqrt(DH)
    W1l = jax.random.uniform(ks[2], (DH, DIN), dtype=jnp.float32, minval=-s1, maxval=s1)
    b1 = jnp.zeros((DH,), dtype=jnp.float32)
    W1r = jax.random.uniform(ks[3], (DH, DIN), dtype=jnp.float32, minval=-s1, maxval=s1)
    W2l = jax.random.uniform(ks[4], (DOUT, DH), dtype=jnp.float32, minval=-s2, maxval=s2)
    b2 = jnp.zeros((DOUT,), dtype=jnp.float32)
    W2r = jax.random.uniform(ks[5], (DOUT, DH), dtype=jnp.float32, minval=-s2, maxval=s2)
    return {"x": x, "edge_index": edge_index, "W1l": W1l, "b1": b1, "W1r": W1r, "W2l": W2l, "b2": b2, "W2r": W2r}


def reference(x, edge_index, W1l, b1, W1r, W2l, b2, W2r):
    h = _sage_conv(x, edge_index, W1l, b1, W1r, N)
    h = jax.nn.relu(h)
    # dropout p=0.5 is identity in eval mode
    h = _sage_conv(h, edge_index, W2l, b2, W2r, N)
    return (h, jax.nn.log_softmax(h, axis=1))

if __name__ == "__main__":
    import jax
    _d = setup_inputs()
    print(jax.jit(kernel)(*tuple(_d.values())))

</pallas_src>

<mosaic_0001>
#map = affine_map<(d0, d1) -> (0, 0)>
#map1 = affine_map<(d0, d1) -> (0, 0, 0)>
#map2 = affine_map<(d0, d1) -> (0)>
module attributes {stable_mosaic.version = 14 : i64} {
  func.func @_seg_sum_body(%arg0: i32, %arg1: i32, %arg2: memref<10000x128xf32, #tpu.memory_space<hbm>>, %arg3: memref<96x28x128xi32, #tpu.memory_space<hbm>>, %arg4: memref<96x28x128xi32, #tpu.memory_space<hbm>>, %arg5: memref<10008x128xf32, #tpu.memory_space<hbm>>, %arg6: memref<128xf32, #tpu.memory_space<hbm>>, %arg7: memref<20480x128xf32, #tpu.memory_space<hbm>>, %arg8: memref<20480xf32, #tpu.memory_space<hbm>>, %arg9: memref<28x128xi32, #tpu.memory_space<vmem>>, %arg10: memref<28x128xi32, #tpu.memory_space<vmem>>, %arg11: memref<128x128xf32, #tpu.memory_space<vmem>>, %arg12: memref<128x128xf32, #tpu.memory_space<vmem>>, %arg13: memref<128xf32, #tpu.memory_space<vmem>>, %arg14: memref<624xf32, #tpu.memory_space<vmem>>, %arg15: memref<10008x128xf32, #tpu.memory_space<vmem_shared>>, %arg16: memref<10008xf32, #tpu.memory_space<vmem_shared>>, %arg17: memref<!tpu.dma_semaphore, #tpu.memory_space<semaphore_mem>>) attributes {dimension_semantics = [#tpu.dimension_semantics<core_parallel>, #tpu.dimension_semantics<subcore_parallel>], iteration_bounds = array<i64: 2, 16>, scalar_prefetch = 0 : i64, scratch_operands = 9 : i64, tpu.core_type = #tpu.core_type<sc_vector_subcore>, window_params = [{transform_indices = #map}, {transform_indices = #map1}, {transform_indices = #map1}, {transform_indices = #map}, {transform_indices = #map2}, {transform_indices = #map}, {transform_indices = #map2}]} {
    %mul3A = arith.constant 2 : i32
    %mul3A_0 = arith.muli %arg1, %mul3A : i32
    %add3A = arith.addi %mul3A_0, %arg0 : i32
    %mul3A_1 = arith.constant 624 : i32
    %mul3A_2 = arith.muli %arg1, %mul3A_1 : i32
    "tpu.region"() ({
      %run_scoped3A = tpu.sem_alloc : memref<!tpu.dma_semaphore, #tpu.memory_space<semaphore_mem>>
      %dma_start3A_80 = arith.constant 0 : i32
      %dma_start3A_81 = tpu.memref_slice %arg15[%mul3A_2, %dma_start3A_80] : memref<10008x128xf32, #tpu.memory_space<vmem_shared>> -> memref<624x128xf32, #tpu.memory_space<vmem_shared>>
      %dma_start3A_82 = arith.constant 0 : i32
      %dma_start3A_83 = tpu.memref_slice %arg5[%mul3A_2, %dma_start3A_82] : memref<10008x128xf32, #tpu.memory_space<hbm>> -> memref<624x128xf32, #tpu.memory_space<hbm>>
      tpu.enqueue_dma source(%dma_start3A_83 : memref<624x128xf32, #tpu.memory_space<hbm>>) target(%dma_start3A_81 : memref<624x128xf32, #tpu.memory_space<vmem_shared>>) target_semaphore(%run_scoped3A : memref<!tpu.dma_semaphore, #tpu.memory_space<semaphore_mem>>)
      %dma_wait3A = arith.constant 0 : i32
      %dma_wait3A_84 = tpu.memref_slice %arg15[%mul3A_2, %dma_wait3A] : memref<10008x128xf32, #tpu.memory_space<vmem_shared>> -> memref<624x128xf32, #tpu.memory_space<vmem_shared>>
      %dma_wait3A_85 = arith.constant 0 : i32
      %dma_wait3A_86 = tpu.memref_slice %arg5[%mul3A_2, %dma_wait3A_85] : memref<10008x128xf32, #tpu.memory_space<hbm>> -> memref<624x128xf32, #tpu.memory_space<hbm>>
      tpu.wait_dma2 semaphore(%run_scoped3A : memref<!tpu.dma_semaphore, #tpu.memory_space<semaphore_mem>>) src(%dma_wait3A_86 : memref<624x128xf32, #tpu.memory_space<hbm>>) dst(%dma_wait3A_84 : memref<624x128xf32, #tpu.memory_space<vmem_shared>>)
      tpu.yield
    }) : () -> ()
    %scan3A = arith.constant 0 : i32
    %scan3A_3 = arith.constant 39 : i32
    %scan3A_4 = arith.addi %scan3A, %scan3A_3 : i32
    %scan3A_5 = arith.constant 1 : i32
    scf.for %scan3A_80 = %scan3A to %scan3A_4 step %scan3A_5  : i32 {
      %mul3A_81 = arith.constant 1 : i32
      %mul3A_82 = arith.muli %scan3A_80, %mul3A_81 : i32
      %add3A_83 = arith.constant 0 : i32
      %add3A_84 = arith.addi %add3A_83, %mul3A_82 : i32
      %broadcast_in_dim3A = arith.constant 0.000000e+00 : f32
      %broadcast_in_dim3A_85 = vector.broadcast %broadcast_in_dim3A : f32 to vector<16xf32>
      %mul3A_86 = arith.constant 16 : i32
      %mul3A_87 = arith.muli %add3A_84, %mul3A_86 : i32
      %swap3A = arith.index_cast %mul3A_87 : i32 to index
      %swap3A_88 = tpu.vector_load %arg14[%swap3A] {strides = array<i32>} : memref<624xf32, #tpu.memory_space<vmem>>, vector<16xf32>,
      %swap3A_89 = vector.shape_cast %swap3A_88 : vector<16xf32> to vector<16xf32>
      %swap3A_90 = vector.shape_cast %broadcast_in_dim3A_85 : vector<16xf32> to vector<16xf32>
      tpu.vector_store %arg14[%swap3A], %swap3A_90 {strides = array<i32>} : memref<624xf32, #tpu.memory_space<vmem>>, vector<16xf32>,
    }
    %scan3A_6 = arith.constant 39 : i32
    "tpu.region"() ({
      %run_scoped3A = tpu.sem_alloc : memref<!tpu.dma_semaphore, #tpu.memory_space<semaphore_mem>>
      %dma_start3A_80 = tpu.memref_slice %arg16[%mul3A_2] : memref<10008xf32, #tpu.memory_space<vmem_shared>> -> memref<624xf32, #tpu.memory_space<vmem_shared>>
      %dma_start3A_81 = tpu.memref_slice %arg16[%mul3A_2] : memref<10008xf32, #tpu.memory_space<vmem_shared>> -> memref<624xf32, #tpu.memory_space<vmem_shared>>
      tpu.enqueue_dma source(%arg14 : memref<624xf32, #tpu.memory_space<vmem>>) target(%dma_start3A_81 : memref<624xf32, #tpu.memory_space<vmem_shared>>) target_semaphore(%run_scoped3A : memref<!tpu.dma_semaphore, #tpu.memory_space<semaphore_mem>>)
      %dma_wait3A = tpu.memref_slice %arg16[%mul3A_2] : memref<10008xf32, #tpu.memory_space<vmem_shared>> -> memref<624xf32, #tpu.memory_space<vmem_shared>>
      %dma_wait3A_82 = tpu.memref_slice %arg16[%mul3A_2] : memref<10008xf32, #tpu.memory_space<vmem_shared>> -> memref<624xf32, #tpu.memory_space<vmem_shared>>
      tpu.wait_dma2 semaphore(%run_scoped3A : memref<!tpu.dma_semaphore, #tpu.memory_space<semaphore_mem>>) src(%arg14 : memref<624xf32, #tpu.memory_space<vmem>>) dst(%dma_wait3A_82 : memref<624xf32, #tpu.memory_space<vmem_shared>>)
      tpu.yield
    }) : () -> ()
    %eq3A = arith.constant 15 : i32
    %eq3A_7 = arith.cmpi eq, %arg1, %eq3A : i32
    %convert_element_type3A = arith.extui %eq3A_7 : i1 to i32
    %cond3A = arith.constant 0 : i32
    %cond3A_8 = arith.cmpi ne, %convert_element_type3A, %cond3A : i32
    scf.if %cond3A_8 {
      "tpu.region"() ({
        %run_scoped3A = tpu.sem_alloc : memref<!tpu.dma_semaphore, #tpu.memory_space<semaphore_mem>>
        %dma_start3A_80 = arith.constant 9984 : i32
        %dma_start3A_81 = arith.constant 0 : i32
        %dma_start3A_82 = tpu.memref_slice %arg15[%dma_start3A_80, %dma_start3A_81] : memref<10008x128xf32, #tpu.memory_space<vmem_shared>> -> memref<24x128xf32, #tpu.memory_space<vmem_shared>>
        %dma_start3A_83 = arith.constant 9984 : i32
        %dma_start3A_84 = arith.constant 0 : i32
        %dma_start3A_85 = tpu.memref_slice %arg5[%dma_start3A_83, %dma_start3A_84] : memref<10008x128xf32, #tpu.memory_space<hbm>> -> memref<24x128xf32, #tpu.memory_space<hbm>>
        tpu.enqueue_dma source(%dma_start3A_85 : memref<24x128xf32, #tpu.memory_space<hbm>>) target(%dma_start3A_82 : memref<24x128xf32, #tpu.memory_space<vmem_shared>>) target_semaphore(%run_scoped3A : memref<!tpu.dma_semaphore, #tpu.memory_space<semaphore_mem>>)
        %dma_wait3A = arith.constant 9984 : i32
        %dma_wait3A_86 = arith.constant 0 : i32
        %dma_wait3A_87 = tpu.memref_slice %arg15[%dma_wait3A, %dma_wait3A_86] : memref<10008x128xf32, #tpu.memory_space<vmem_shared>> -> memref<24x128xf32, #tpu.memory_space<vmem_shared>>
        %dma_wait3A_88 = arith.constant 9984 : i32
        %dma_wait3A_89 = arith.constant 0 : i32
        %dma_wait3A_90 = tpu.memref_slice %arg5[%dma_wait3A_88, %dma_wait3A_89] : memref<10008x128xf32, #tpu.memory_space<hbm>> -> memref<24x128xf32, #tpu.memory_space<hbm>>
        tpu.wait_dma2 semaphore(%run_scoped3A : memref<!tpu.dma_semaphore, #tpu.memory_space<semaphore_mem>>) src(%dma_wait3A_90 : memref<24x128xf32, #tpu.memory_space<hbm>>) dst(%dma_wait3A_87 : memref<24x128xf32, #tpu.memory_space<vmem_shared>>)
        tpu.yield
      }) : () -> ()
      "tpu.region"() ({
        %run_scoped3A = tpu.sem_alloc : memref<!tpu.dma_semaphore, #tpu.memory_space<semaphore_mem>>
        %dma_start3A_80 = arith.constant 0 : i32
        %dma_start3A_81 = tpu.memref_slice %arg14[%dma_start3A_80] : memref<624xf32, #tpu.memory_space<vmem>> -> memref<24xf32, #tpu.memory_space<vmem>>
        %dma_start3A_82 = arith.constant 9984 : i32
        %dma_start3A_83 = tpu.memref_slice %arg16[%dma_start3A_82] : memref<10008xf32, #tpu.memory_space<vmem_shared>> -> memref<24xf32, #tpu.memory_space<vmem_shared>>
        %dma_start3A_84 = arith.constant 9984 : i32
        %dma_start3A_85 = tpu.memref_slice %arg16[%dma_start3A_84] : memref<10008xf32, #tpu.memory_space<vmem_shared>> -> memref<24xf32, #tpu.memory_space<vmem_shared>>
        %dma_start3A_86 = arith.constant 0 : i32
        %dma_start3A_87 = tpu.memref_slice %arg14[%dma_start3A_86] : memref<624xf32, #tpu.memory_space<vmem>> -> memref<24xf32, #tpu.memory_space<vmem>>
        tpu.enqueue_dma source(%dma_start3A_87 : memref<24xf32, #tpu.memory_space<vmem>>) target(%dma_start3A_85 : memref<24xf32, #tpu.memory_space<vmem_shared>>) target_semaphore(%run_scoped3A : memref<!tpu.dma_semaphore, #tpu.memory_space<semaphore_mem>>)
        %dma_wait3A = arith.constant 0 : i32
        %dma_wait3A_88 = tpu.memref_slice %arg14[%dma_wait3A] : memref<624xf32, #tpu.memory_space<vmem>> -> memref<24xf32, #tpu.memory_space<vmem>>
        %dma_wait3A_89 = arith.constant 9984 : i32
        %dma_wait3A_90 = tpu.memref_slice %arg16[%dma_wait3A_89] : memref<10008xf32, #tpu.memory_space<vmem_shared>> -> memref<24xf32, #tpu.memory_space<vmem_shared>>
        %dma_wait3A_91 = arith.constant 9984 : i32
        %dma_wait3A_92 = tpu.memref_slice %arg16[%dma_wait3A_91] : memref<10008xf32, #tpu.memory_space<vmem_shared>> -> memref<24xf32, #tpu.memory_space<vmem_shared>>
        %dma_wait3A_93 = arith.constant 0 : i32
        %dma_wait3A_94 = tpu.memref_slice %arg14[%dma_wait3A_93] : memref<624xf32, #tpu.memory_space<vmem>> -> memref<24xf32, #tpu.memory_space<vmem>>
        tpu.wait_dma2 semaphore(%run_scoped3A : memref<!tpu.dma_semaphore, #tpu.memory_space<semaphore_mem>>) src(%dma_wait3A_94 : memref<24xf32, #tpu.memory_space<vmem>>) dst(%dma_wait3A_92 : memref<24xf32, #tpu.memory_space<vmem_shared>>)
        tpu.yield
      }) : () -> ()
    } else {
    }
    "tpu.region"() ({
      %run_scoped3A = tpu.sem_alloc : memref<!tpu.dma_semaphore, #tpu.memory_space<semaphore_mem>>
      tpu.enqueue_dma source(%arg6 : memref<128xf32, #tpu.memory_space<hbm>>) target(%arg13 : memref<128xf32, #tpu.memory_space<vmem>>) target_semaphore(%run_scoped3A : memref<!tpu.dma_semaphore, #tpu.memory_space<semaphore_mem>>)
      tpu.wait_dma2 semaphore(%run_scoped3A : memref<!tpu.dma_semaphore, #tpu.memory_space<semaphore_mem>>) src(%arg6 : memref<128xf32, #tpu.memory_space<hbm>>) dst(%arg13 : memref<128xf32, #tpu.memory_space<vmem>>)
      tpu.yield
    }) : () -> ()
    %barrier3A = arith.constant 0 : index
    tpu.barrier barrier_id(%barrier3A)
    %mul3A_9 = arith.constant 3 : i32
    %mul3A_10 = arith.muli %mul3A_9, %add3A : i32
    %add3A_11 = arith.constant 0 : i32
    %add3A_12 = arith.addi %mul3A_10, %add3A_11 : i32
    "tpu.region"() ({
      %run_scoped3A = tpu.sem_alloc : memref<!tpu.dma_semaphore, #tpu.memory_space<semaphore_mem>>
      %dma_start3A_80 = arith.constant 0 : i32
      %dma_start3A_81 = arith.constant 0 : i32
      %dma_start3A_82 = tpu.memref_slice %arg3[%add3A_12, %dma_start3A_80, %dma_start3A_81] : memref<96x28x128xi32, #tpu.memory_space<hbm>> -> memref<1x28x128xi32, #tpu.memory_space<hbm>>
      %dma_start3A_83 = tpu.memref_squeeze %dma_start3A_82 : memref<1x28x128xi32, #tpu.memory_space<hbm>> -> memref<28x128xi32, #tpu.memory_space<hbm>>
      %dma_start3A_84 = arith.constant 0 : i32
      %dma_start3A_85 = arith.constant 0 : i32
      %dma_start3A_86 = tpu.memref_slice %arg3[%add3A_12, %dma_start3A_84, %dma_start3A_85] : memref<96x28x128xi32, #tpu.memory_space<hbm>> -> memref<1x28x128xi32, #tpu.memory_space<hbm>>
      %dma_start3A_87 = tpu.memref_squeeze %dma_start3A_86 : memref<1x28x128xi32, #tpu.memory_space<hbm>> -> memref<28x128xi32, #tpu.memory_space<hbm>>
      tpu.enqueue_dma source(%dma_start3A_87 : memref<28x128xi32, #tpu.memory_space<hbm>>) target(%arg9 : memref<28x128xi32, #tpu.memory_space<vmem>>) target_semaphore(%run_scoped3A : memref<!tpu.dma_semaphore, #tpu.memory_space<semaphore_mem>>)
      %dma_wait3A = arith.constant 0 : i32
      %dma_wait3A_88 = arith.constant 0 : i32
      %dma_wait3A_89 = tpu.memref_slice %arg3[%add3A_12, %dma_wait3A, %dma_wait3A_88] : memref<96x28x128xi32, #tpu.memory_space<hbm>> -> memref<1x28x128xi32, #tpu.memory_space<hbm>>
      %dma_wait3A_90 = tpu.memref_squeeze %dma_wait3A_89 : memref<1x28x128xi32, #tpu.memory_space<hbm>> -> memref<28x128xi32, #tpu.memory_space<hbm>>
      %dma_wait3A_91 = arith.constant 0 : i32
      %dma_wait3A_92 = arith.constant 0 : i32
      %dma_wait3A_93 = tpu.memref_slice %arg3[%add3A_12, %dma_wait3A_91, %dma_wait3A_92] : memref<96x28x128xi32, #tpu.memory_space<hbm>> -> memref<1x28x128xi32, #tpu.memory_space<hbm>>
      %dma_wait3A_94 = tpu.memref_squeeze %dma_wait3A_93 : memref<1x28x128xi32, #tpu.memory_space<hbm>> -> memref<28x128xi32, #tpu.memory_space<hbm>>
      tpu.wait_dma2 semaphore(%run_scoped3A : memref<!tpu.dma_semaphore, #tpu.memory_space<semaphore_mem>>) src(%dma_wait3A_94 : memref<28x128xi32, #tpu.memory_space<hbm>>) dst(%arg9 : memref<28x128xi32, #tpu.memory_space<vmem>>)
      tpu.yield
    }) : () -> ()
    %mul3A_13 = arith.constant 3 : i32
    %mul3A_14 = arith.muli %mul3A_13, %add3A : i32
    %add3A_15 = arith.constant 0 : i32
    %add3A_16 = arith.addi %mul3A_14, %add3A_15 : i32
    "tpu.region"() ({
      %run_scoped3A = tpu.sem_alloc : memref<!tpu.dma_semaphore, #tpu.memory_space<semaphore_mem>>
      %dma_start3A_80 = arith.constant 0 : i32
      %dma_start3A_81 = arith.constant 0 : i32
      %dma_start3A_82 = tpu.memref_slice %arg4[%add3A_16, %dma_start3A_80, %dma_start3A_81] : memref<96x28x128xi32, #tpu.memory_space<hbm>> -> memref<1x28x128xi32, #tpu.memory_space<hbm>>
      %dma_start3A_83 = tpu.memref_squeeze %dma_start3A_82 : memref<1x28x128xi32, #tpu.memory_space<hbm>> -> memref<28x128xi32, #tpu.memory_space<hbm>>
      %dma_start3A_84 = arith.constant 0 : i32
      %dma_start3A_85 = arith.constant 0 : i32
      %dma_start3A_86 = tpu.memref_slice %arg4[%add3A_16, %dma_start3A_84, %dma_start3A_85] : memref<96x28x128xi32, #tpu.memory_space<hbm>> -> memref<1x28x128xi32, #tpu.memory_space<hbm>>
      %dma_start3A_87 = tpu.memref_squeeze %dma_start3A_86 : memref<1x28x128xi32, #tpu.memory_space<hbm>> -> memref<28x128xi32, #tpu.memory_space<hbm>>
      tpu.enqueue_dma source(%dma_start3A_87 : memref<28x128xi32, #tpu.memory_space<hbm>>) target(%arg10 : memref<28x128xi32, #tpu.memory_space<vmem>>) target_semaphore(%run_scoped3A : memref<!tpu.dma_semaphore, #tpu.memory_space<semaphore_mem>>)
      %dma_wait3A = arith.constant 0 : i32
      %dma_wait3A_88 = arith.constant 0 : i32
      %dma_wait3A_89 = tpu.memref_slice %arg4[%add3A_16, %dma_wait3A, %dma_wait3A_88] : memref<96x28x128xi32, #tpu.memory_space<hbm>> -> memref<1x28x128xi32, #tpu.memory_space<hbm>>
      %dma_wait3A_90 = tpu.memref_squeeze %dma_wait3A_89 : memref<1x28x128xi32, #tpu.memory_space<hbm>> -> memref<28x128xi32, #tpu.memory_space<hbm>>
      %dma_wait3A_91 = arith.constant 0 : i32
      %dma_wait3A_92 = arith.constant 0 : i32
      %dma_wait3A_93 = tpu.memref_slice %arg4[%add3A_16, %dma_wait3A_91, %dma_wait3A_92] : memref<96x28x128xi32, #tpu.memory_space<hbm>> -> memref<1x28x128xi32, #tpu.memory_space<hbm>>
      %dma_wait3A_94 = tpu.memref_squeeze %dma_wait3A_93 : memref<1x28x128xi32, #tpu.memory_space<hbm>> -> memref<28x128xi32, #tpu.memory_space<hbm>>
      tpu.wait_dma2 semaphore(%run_scoped3A : memref<!tpu.dma_semaphore, #tpu.memory_space<semaphore_mem>>) src(%dma_wait3A_94 : memref<28x128xi32, #tpu.memory_space<hbm>>) dst(%arg10 : memref<28x128xi32, #tpu.memory_space<vmem>>)
      tpu.yield
    }) : () -> ()
    %dma_start3A = arith.constant 0 : i32
    %dma_start3A_17 = arith.constant 0 : i32
    %dma_start3A_18 = tpu.memref_slice %arg9[%dma_start3A, %dma_start3A_17] : memref<28x128xi32, #tpu.memory_space<vmem>> -> memref<1x128xi32, #tpu.memory_space<vmem>>
    %dma_start3A_19 = tpu.memref_squeeze %dma_start3A_18 : memref<1x128xi32, #tpu.memory_space<vmem>> -> memref<128xi32, #tpu.memory_space<vmem>>
    %dma_start3A_20 = arith.constant 0 : i32
    %dma_start3A_21 = arith.constant 0 : i32
    %dma_start3A_22 = tpu.memref_slice %arg2[%dma_start3A_20, %dma_start3A_21] : memref<10000x128xf32, #tpu.memory_space<hbm>> -> memref<10000x128xf32, #tpu.memory_space<hbm>>
    tpu.enqueue_indirect_dma source(%dma_start3A_22 : memref<10000x128xf32, #tpu.memory_space<hbm>>) target(%arg11 : memref<128x128xf32, #tpu.memory_space<vmem>>) offsets(%dma_start3A_19 : memref<128xi32, #tpu.memory_space<vmem>>) semaphore(%arg17 : memref<!tpu.dma_semaphore, #tpu.memory_space<semaphore_mem>>)
    %scan3A_23 = arith.constant 0 : i32
    %scan3A_24 = arith.constant 14 : i32
    %scan3A_25 = arith.addi %scan3A_23, %scan3A_24 : i32
    %scan3A_26 = arith.constant 1 : i32
    scf.for %scan3A_80 = %scan3A_23 to %scan3A_25 step %scan3A_26  : i32 {
      %mul3A_81 = arith.constant 1 : i32
      %mul3A_82 = arith.muli %scan3A_80, %mul3A_81 : i32
      %add3A_83 = arith.constant 0 : i32
      %add3A_84 = arith.addi %add3A_83, %mul3A_82 : i32
      %mul3A_85 = arith.constant 2 : i32
      %mul3A_86 = arith.muli %mul3A_85, %add3A_84 : i32
      %add3A_87 = arith.constant 1 : i32
      %add3A_88 = arith.addi %mul3A_86, %add3A_87 : i32
      %dma_wait3A = arith.constant 0 : i32
      %dma_wait3A_89 = arith.constant 0 : i32
      %dma_wait3A_90 = tpu.memref_slice %arg2[%dma_wait3A, %dma_wait3A_89] : memref<10000x128xf32, #tpu.memory_space<hbm>> -> memref<128x128xf32, #tpu.memory_space<hbm>>
      %dma_wait3A_91 = arith.constant 0 : i32
      %dma_wait3A_92 = arith.constant 0 : i32
      %dma_wait3A_93 = tpu.memref_slice %arg2[%dma_wait3A_91, %dma_wait3A_92] : memref<10000x128xf32, #tpu.memory_space<hbm>> -> memref<128x128xf32, #tpu.memory_space<hbm>>
      tpu.wait_dma2 semaphore(%arg17 : memref<!tpu.dma_semaphore, #tpu.memory_space<semaphore_mem>>) src(%dma_wait3A_93 : memref<128x128xf32, #tpu.memory_space<hbm>>) dst(%arg11 : memref<128x128xf32, #tpu.memory_space<vmem>>)
      %dma_start3A_94 = arith.constant 0 : i32
      %dma_start3A_95 = tpu.memref_slice %arg9[%add3A_88, %dma_start3A_94] : memref<28x128xi32, #tpu.memory_space<vmem>> -> memref<1x128xi32, #tpu.memory_space<vmem>>
      %dma_start3A_96 = tpu.memref_squeeze %dma_start3A_95 : memref<1x128xi32, #tpu.memory_space<vmem>> -> memref<128xi32, #tpu.memory_space<vmem>>
      %dma_start3A_97 = arith.constant 0 : i32
      %dma_start3A_98 = arith.constant 0 : i32
      %dma_start3A_99 = tpu.memref_slice %arg2[%dma_start3A_97, %dma_start3A_98] : memref<10000x128xf32, #tpu.memory_space<hbm>> -> memref<10000x128xf32, #tpu.memory_space<hbm>>
      tpu.enqueue_indirect_dma source(%dma_start3A_99 : memref<10000x128xf32, #tpu.memory_space<hbm>>) target(%arg12 : memref<128x128xf32, #tpu.memory_space<vmem>>) offsets(%dma_start3A_96 : memref<128xi32, #tpu.memory_space<vmem>>) semaphore(%arg17 : memref<!tpu.dma_semaphore, #tpu.memory_space<semaphore_mem>>)
      "tpu.region"() ({
        %run_scoped3A = tpu.sem_alloc : memref<!tpu.dma_semaphore, #tpu.memory_space<semaphore_mem>>
        %dma_start3A_112 = arith.constant 0 : i32
        %dma_start3A_113 = tpu.memref_slice %arg10[%mul3A_86, %dma_start3A_112] : memref<28x128xi32, #tpu.memory_space<vmem>> -> memref<1x128xi32, #tpu.memory_space<vmem>>
        %dma_start3A_114 = tpu.memref_squeeze %dma_start3A_113 : memref<1x128xi32, #tpu.memory_space<vmem>> -> memref<128xi32, #tpu.memory_space<vmem>>
        %dma_start3A_115 = arith.constant 0 : i32
        %dma_start3A_116 = arith.constant 0 : i32
        %dma_start3A_117 = tpu.memref_slice %arg15[%dma_start3A_115, %dma_start3A_116] : memref<10008x128xf32, #tpu.memory_space<vmem_shared>> -> memref<10008x128xf32, #tpu.memory_space<vmem_shared>>
        tpu.enqueue_indirect_dma source(%arg11 : memref<128x128xf32, #tpu.memory_space<vmem>>) target(%dma_start3A_117 : memref<10008x128xf32, #tpu.memory_space<vmem_shared>>) offsets(%dma_start3A_114 : memref<128xi32, #tpu.memory_space<vmem>>) semaphore(%run_scoped3A : memref<!tpu.dma_semaphore, #tpu.memory_space<semaphore_mem>>) {add = true}
        %dma_wait3A_118 = arith.constant 0 : i32
        %dma_wait3A_119 = tpu.memref_slice %arg10[%mul3A_86, %dma_wait3A_118] : memref<28x128xi32, #tpu.memory_space<vmem>> -> memref<1x128xi32, #tpu.memory_space<vmem>>
        %dma_wait3A_120 = tpu.memref_squeeze %dma_wait3A_119 : memref<1x128xi32, #tpu.memory_space<vmem>> -> memref<128xi32, #tpu.memory_space<vmem>>
        %dma_wait3A_121 = arith.constant 0 : i32
        %dma_wait3A_122 = arith.constant 0 : i32
        %dma_wait3A_123 = tpu.memref_slice %arg15[%dma_wait3A_121, %dma_wait3A_122] : memref<10008x128xf32, #tpu.memory_space<vmem_shared>> -> memref<10008x128xf32, #tpu.memory_space<vmem_shared>>
        tpu.wait_indirect_dma semaphore(%run_scoped3A : memref<!tpu.dma_semaphore, #tpu.memory_space<semaphore_mem>>) src(%arg11 : memref<128x128xf32, #tpu.memory_space<vmem>>) dst(%dma_wait3A_123 : memref<10008x128xf32, #tpu.memory_space<vmem_shared>>)
        tpu.yield
      }) : () -> ()
      "tpu.region"() ({
        %run_scoped3A = tpu.sem_alloc : memref<!tpu.dma_semaphore, #tpu.memory_space<semaphore_mem>>
        %dma_start3A_112 = arith.constant 0 : i32
        %dma_start3A_113 = tpu.memref_slice %arg10[%mul3A_86, %dma_start3A_112] : memref<28x128xi32, #tpu.memory_space<vmem>> -> memref<1x128xi32, #tpu.memory_space<vmem>>
        %dma_start3A_114 = tpu.memref_squeeze %dma_start3A_113 : memref<1x128xi32, #tpu.memory_space<vmem>> -> memref<128xi32, #tpu.memory_space<vmem>>
        %dma_start3A_115 = arith.constant 0 : i32
        %dma_start3A_116 = tpu.memref_slice %arg16[%dma_start3A_115] : memref<10008xf32, #tpu.memory_space<vmem_shared>> -> memref<10008xf32, #tpu.memory_space<vmem_shared>>
        tpu.enqueue_indirect_dma source(%arg13 : memref<128xf32, #tpu.memory_space<vmem>>) target(%dma_start3A_116 : memref<10008xf32, #tpu.memory_space<vmem_shared>>) offsets(%dma_start3A_114 : memref<128xi32, #tpu.memory_space<vmem>>) semaphore(%run_scoped3A : memref<!tpu.dma_semaphore, #tpu.memory_space<semaphore_mem>>) {add = true}
        %dma_wait3A_117 = arith.constant 0 : i32
        %dma_wait3A_118 = tpu.memref_slice %arg10[%mul3A_86, %dma_wait3A_117] : memref<28x128xi32, #tpu.memory_space<vmem>> -> memref<1x128xi32, #tpu.memory_space<vmem>>
        %dma_wait3A_119 = tpu.memref_squeeze %dma_wait3A_118 : memref<1x128xi32, #tpu.memory_space<vmem>> -> memref<128xi32, #tpu.memory_space<vmem>>
        %dma_wait3A_120 = arith.constant 0 : i32
        %dma_wait3A_121 = tpu.memref_slice %arg16[%dma_wait3A_120] : memref<10008xf32, #tpu.memory_space<vmem_shared>> -> memref<10008xf32, #tpu.memory_space<vmem_shared>>
        tpu.wait_indirect_dma semaphore(%run_scoped3A : memref<!tpu.dma_semaphore, #tpu.memory_space<semaphore_mem>>) src(%arg13 : memref<128xf32, #tpu.memory_space<vmem>>) dst(%dma_wait3A_121 : memref<10008xf32, #tpu.memory_space<vmem_shared>>)
        tpu.yield
      }) : () -> ()
      %dma_wait3A_100 = arith.constant 0 : i32
      %dma_wait3A_101 = tpu.memref_slice %arg9[%add3A_88, %dma_wait3A_100] : memref<28x128xi32, #tpu.memory_space<vmem>> -> memref<1x128xi32, #tpu.memory_space<vmem>>
      %dma_wait3A_102 = tpu.memref_squeeze %dma_wait3A_101 : memref<1x128xi32, #tpu.memory_space<vmem>> -> memref<128xi32, #tpu.memory_space<vmem>>
      %dma_wait3A_103 = arith.constant 0 : i32
      %dma_wait3A_104 = arith.constant 0 : i32
      %dma_wait3A_105 = tpu.memref_slice %arg2[%dma_wait3A_103, %dma_wait3A_104] : memref<10000x128xf32, #tpu.memory_space<hbm>> -> memref<10000x128xf32, #tpu.memory_space<hbm>>
      tpu.wait_indirect_dma semaphore(%arg17 : memref<!tpu.dma_semaphore, #tpu.memory_space<semaphore_mem>>) src(%dma_wait3A_105 : memref<10000x128xf32, #tpu.memory_space<hbm>>) dst(%arg12 : memref<128x128xf32, #tpu.memory_space<vmem>>)
      %add3A_106 = arith.constant 1 : i32
      %add3A_107 = arith.addi %add3A_88, %add3A_106 : i32
      %lt3A = arith.constant 28 : i32
      %lt3A_108 = arith.cmpi slt, %add3A_107, %lt3A : i32
      %convert_element_type3A_109 = arith.extui %lt3A_108 : i1 to i32
      %cond3A_110 = arith.constant 0 : i32
      %cond3A_111 = arith.cmpi ne, %convert_element_type3A_109, %cond3A_110 : i32
      scf.if %cond3A_111 {
        %add3A_112 = arith.constant 1 : i32
        %add3A_113 = arith.addi %add3A_88, %add3A_112 : i32
        %dma_start3A_114 = arith.constant 0 : i32
        %dma_start3A_115 = tpu.memref_slice %arg9[%add3A_113, %dma_start3A_114] : memref<28x128xi32, #tpu.memory_space<vmem>> -> memref<1x128xi32, #tpu.memory_space<vmem>>
        %dma_start3A_116 = tpu.memref_squeeze %dma_start3A_115 : memref<1x128xi32, #tpu.memory_space<vmem>> -> memref<128xi32, #tpu.memory_space<vmem>>
        %dma_start3A_117 = arith.constant 0 : i32
        %dma_start3A_118 = arith.constant 0 : i32
        %dma_start3A_119 = tpu.memref_slice %arg2[%dma_start3A_117, %dma_start3A_118] : memref<10000x128xf32, #tpu.memory_space<hbm>> -> memref<10000x128xf32, #tpu.memory_space<hbm>>
        tpu.enqueue_indirect_dma source(%dma_start3A_119 : memref<10000x128xf32, #tpu.memory_space<hbm>>) target(%arg11 : memref<128x128xf32, #tpu.memory_space<vmem>>) offsets(%dma_start3A_116 : memref<128xi32, #tpu.memory_space<vmem>>) semaphore(%arg17 : memref<!tpu.dma_semaphore, #tpu.memory_space<semaphore_mem>>)
      } else {
      }
      "tpu.region"() ({
        %run_scoped3A = tpu.sem_alloc : memref<!tpu.dma_semaphore, #tpu.memory_space<semaphore_mem>>
        %dma_start3A_112 = arith.constant 0 : i32
        %dma_start3A_113 = tpu.memref_slice %arg10[%add3A_88, %dma_start3A_112] : memref<28x128xi32, #tpu.memory_space<vmem>> -> memref<1x128xi32, #tpu.memory_space<vmem>>
        %dma_start3A_114 = tpu.memref_squeeze %dma_start3A_113 : memref<1x128xi32, #tpu.memory_space<vmem>> -> memref<128xi32, #tpu.memory_space<vmem>>
        %dma_start3A_115 = arith.constant 0 : i32
        %dma_start3A_116 = arith.constant 0 : i32
        %dma_start3A_117 = tpu.memref_slice %arg15[%dma_start3A_115, %dma_start3A_116] : memref<10008x128xf32, #tpu.memory_space<vmem_shared>> -> memref<10008x128xf32, #tpu.memory_space<vmem_shared>>
        tpu.enqueue_indirect_dma source(%arg12 : memref<128x128xf32, #tpu.memory_space<vmem>>) target(%dma_start3A_117 : memref<10008x128xf32, #tpu.memory_space<vmem_shared>>) offsets(%dma_start3A_114 : memref<128xi32, #tpu.memory_space<vmem>>) semaphore(%run_scoped3A : memref<!tpu.dma_semaphore, #tpu.memory_space<semaphore_mem>>) {add = true}
        %dma_wait3A_118 = arith.constant 0 : i32
        %dma_wait3A_119 = tpu.memref_slice %arg10[%add3A_88, %dma_wait3A_118] : memref<28x128xi32, #tpu.memory_space<vmem>> -> memref<1x128xi32, #tpu.memory_space<vmem>>
        %dma_wait3A_120 = tpu.memref_squeeze %dma_wait3A_119 : memref<1x128xi32, #tpu.memory_space<vmem>> -> memref<128xi32, #tpu.memory_space<vmem>>
        %dma_wait3A_121 = arith.constant 0 : i32
        %dma_wait3A_122 = arith.constant 0 : i32
        %dma_wait3A_123 = tpu.memref_slice %arg15[%dma_wait3A_121, %dma_wait3A_122] : memref<10008x128xf32, #tpu.memory_space<vmem_shared>> -> memref<10008x128xf32, #tpu.memory_space<vmem_shared>>
        tpu.wait_indirect_dma semaphore(%run_scoped3A : memref<!tpu.dma_semaphore, #tpu.memory_space<semaphore_mem>>) src(%arg12 : memref<128x128xf32, #tpu.memory_space<vmem>>) dst(%dma_wait3A_123 : memref<10008x128xf32, #tpu.memory_space<vmem_shared>>)
        tpu.yield
      }) : () -> ()
      "tpu.region"() ({
        %run_scoped3A = tpu.sem_alloc : memref<!tpu.dma_semaphore, #tpu.memory_space<semaphore_mem>>
        %dma_start3A_112 = arith.constant 0 : i32
        %dma_start3A_113 = tpu.memref_slice %arg10[%add3A_88, %dma_start3A_112] : memref<28x128xi32, #tpu.memory_space<vmem>> -> memref<1x128xi32, #tpu.memory_space<vmem>>
        %dma_start3A_114 = tpu.memref_squeeze %dma_start3A_113 : memref<1x128xi32, #tpu.memory_space<vmem>> -> memref<128xi32, #tpu.memory_space<vmem>>
        %dma_start3A_115 = arith.constant 0 : i32
        %dma_start3A_116 = tpu.memref_slice %arg16[%dma_start3A_115] : memref<10008xf32, #tpu.memory_space<vmem_shared>> -> memref<10008xf32, #tpu.memory_space<vmem_shared>>
        tpu.enqueue_indirect_dma source(%arg13 : memref<128xf32, #tpu.memory_space<vmem>>) target(%dma_start3A_116 : memref<10008xf32, #tpu.memory_space<vmem_shared>>) offsets(%dma_start3A_114 : memref<128xi32, #tpu.memory_space<vmem>>) semaphore(%run_scoped3A : memref<!tpu.dma_semaphore, #tpu.memory_space<semaphore_mem>>) {add = true}
        %dma_wait3A_117 = arith.constant 0 : i32
        %dma_wait3A_118 = tpu.memref_slice %arg10[%add3A_88, %dma_wait3A_117] : memref<28x128xi32, #tpu.memory_space<vmem>> -> memref<1x128xi32, #tpu.memory_space<vmem>>
        %dma_wait3A_119 = tpu.memref_squeeze %dma_wait3A_118 : memref<1x128xi32, #tpu.memory_space<vmem>> -> memref<128xi32, #tpu.memory_space<vmem>>
        %dma_wait3A_120 = arith.constant 0 : i32
        %dma_wait3A_121 = tpu.memref_slice %arg16[%dma_wait3A_120] : memref<10008xf32, #tpu.memory_space<vmem_shared>> -> memref<10008xf32, #tpu.memory_space<vmem_shared>>
        tpu.wait_indirect_dma semaphore(%run_scoped3A : memref<!tpu.dma_semaphore, #tpu.memory_space<semaphore_mem>>) src(%arg13 : memref<128xf32, #tpu.memory_space<vmem>>) dst(%dma_wait3A_121 : memref<10008xf32, #tpu.memory_space<vmem_shared>>)
        tpu.yield
      }) : () -> ()
    }
    %scan3A_27 = arith.constant 14 : i32
    %mul3A_28 = arith.constant 3 : i32
    %mul3A_29 = arith.muli %mul3A_28, %add3A : i32
    %add3A_30 = arith.constant 1 : i32
    %add3A_31 = arith.addi %mul3A_29, %add3A_30 : i32
    "tpu.region"() ({
      %run_scoped3A = tpu.sem_alloc : memref<!tpu.dma_semaphore, #tpu.memory_space<semaphore_mem>>
      %dma_start3A_80 = arith.constant 0 : i32
      %dma_start3A_81 = arith.constant 0 : i32
      %dma_start3A_82 = tpu.memref_slice %arg3[%add3A_31, %dma_start3A_80, %dma_start3A_81] : memref<96x28x128xi32, #tpu.memory_space<hbm>> -> memref<1x28x128xi32, #tpu.memory_space<hbm>>
      %dma_start3A_83 = tpu.memref_squeeze %dma_start3A_82 : memref<1x28x128xi32, #tpu.memory_space<hbm>> -> memref<28x128xi32, #tpu.memory_space<hbm>>
      %dma_start3A_84 = arith.constant 0 : i32
      %dma_start3A_85 = arith.constant 0 : i32
      %dma_start3A_86 = tpu.memref_slice %arg3[%add3A_31, %dma_start3A_84, %dma_start3A_85] : memref<96x28x128xi32, #tpu.memory_space<hbm>> -> memref<1x28x128xi32, #tpu.memory_space<hbm>>
      %dma_start3A_87 = tpu.memref_squeeze %dma_start3A_86 : memref<1x28x128xi32, #tpu.memory_space<hbm>> -> memref<28x128xi32, #tpu.memory_space<hbm>>
      tpu.enqueue_dma source(%dma_start3A_87 : memref<28x128xi32, #tpu.memory_space<hbm>>) target(%arg9 : memref<28x128xi32, #tpu.memory_space<vmem>>) target_semaphore(%run_scoped3A : memref<!tpu.dma_semaphore, #tpu.memory_space<semaphore_mem>>)
      %dma_wait3A = arith.constant 0 : i32
      %dma_wait3A_88 = arith.constant 0 : i32
      %dma_wait3A_89 = tpu.memref_slice %arg3[%add3A_31, %dma_wait3A, %dma_wait3A_88] : memref<96x28x128xi32, #tpu.memory_space<hbm>> -> memref<1x28x128xi32, #tpu.memory_space<hbm>>
      %dma_wait3A_90 = tpu.memref_squeeze %dma_wait3A_89 : memref<1x28x128xi32, #tpu.memory_space<hbm>> -> memref<28x128xi32, #tpu.memory_space<hbm>>
      %dma_wait3A_91 = arith.constant 0 : i32
      %dma_wait3A_92 = arith.constant 0 : i32
      %dma_wait3A_93 = tpu.memref_slice %arg3[%add3A_31, %dma_wait3A_91, %dma_wait3A_92] : memref<96x28x128xi32, #tpu.memory_space<hbm>> -> memref<1x28x128xi32, #tpu.memory_space<hbm>>
      %dma_wait3A_94 = tpu.memref_squeeze %dma_wait3A_93 : memref<1x28x128xi32, #tpu.memory_space<hbm>> -> memref<28x128xi32, #tpu.memory_space<hbm>>
      tpu.wait_dma2 semaphore(%run_scoped3A : memref<!tpu.dma_semaphore, #tpu.memory_space<semaphore_mem>>) src(%dma_wait3A_94 : memref<28x128xi32, #tpu.memory_space<hbm>>) dst(%arg9 : memref<28x128xi32, #tpu.memory_space<vmem>>)
      tpu.yield
    }) : () -> ()
    %mul3A_32 = arith.constant 3 : i32
    %mul3A_33 = arith.muli %mul3A_32, %add3A : i32
    %add3A_34 = arith.constant 1 : i32
    %add3A_35 = arith.addi %mul3A_33, %add3A_34 : i32
    "tpu.region"() ({
      %run_scoped3A = tpu.sem_alloc : memref<!tpu.dma_semaphore, #tpu.memory_space<semaphore_mem>>
      %dma_start3A_80 = arith.constant 0 : i32
      %dma_start3A_81 = arith.constant 0 : i32
      %dma_start3A_82 = tpu.memref_slice %arg4[%add3A_35, %dma_start3A_80, %dma_start3A_81] : memref<96x28x128xi32, #tpu.memory_space<hbm>> -> memref<1x28x128xi32, #tpu.memory_space<hbm>>
      %dma_start3A_83 = tpu.memref_squeeze %dma_start3A_82 : memref<1x28x128xi32, #tpu.memory_space<hbm>> -> memref<28x128xi32, #tpu.memory_space<hbm>>
      %dma_start3A_84 = arith.constant 0 : i32
      %dma_start3A_85 = arith.constant 0 : i32
      %dma_start3A_86 = tpu.memref_slice %arg4[%add3A_35, %dma_start3A_84, %dma_start3A_85] : memref<96x28x128xi32, #tpu.memory_space<hbm>> -> memref<1x28x128xi32, #tpu.memory_space<hbm>>
      %dma_start3A_87 = tpu.memref_squeeze %dma_start3A_86 : memref<1x28x128xi32, #tpu.memory_space<hbm>> -> memref<28x128xi32, #tpu.memory_space<hbm>>
      tpu.enqueue_dma source(%dma_start3A_87 : memref<28x128xi32, #tpu.memory_space<hbm>>) target(%arg10 : memref<28x128xi32, #tpu.memory_space<vmem>>) target_semaphore(%run_scoped3A : memref<!tpu.dma_semaphore, #tpu.memory_space<semaphore_mem>>)
      %dma_wait3A = arith.constant 0 : i32
      %dma_wait3A_88 = arith.constant 0 : i32
      %dma_wait3A_89 = tpu.memref_slice %arg4[%add3A_35, %dma_wait3A, %dma_wait3A_88] : memref<96x28x128xi32, #tpu.memory_space<hbm>> -> memref<1x28x128xi32, #tpu.memory_space<hbm>>
      %dma_wait3A_90 = tpu.memref_squeeze %dma_wait3A_89 : memref<1x28x128xi32, #tpu.memory_space<hbm>> -> memref<28x128xi32, #tpu.memory_space<hbm>>
      %dma_wait3A_91 = arith.constant 0 : i32
      %dma_wait3A_92 = arith.constant 0 : i32
      %dma_wait3A_93 = tpu.memref_slice %arg4[%add3A_35, %dma_wait3A_91, %dma_wait3A_92] : memref<96x28x128xi32, #tpu.memory_space<hbm>> -> memref<1x28x128xi32, #tpu.memory_space<hbm>>
      %dma_wait3A_94 = tpu.memref_squeeze %dma_wait3A_93 : memref<1x28x128xi32, #tpu.memory_space<hbm>> -> memref<28x128xi32, #tpu.memory_space<hbm>>
      tpu.wait_dma2 semaphore(%run_scoped3A : memref<!tpu.dma_semaphore, #tpu.memory_space<semaphore_mem>>) src(%dma_wait3A_94 : memref<28x128xi32, #tpu.memory_space<hbm>>) dst(%arg10 : memref<28x128xi32, #tpu.memory_space<vmem>>)
      tpu.yield
    }) : () -> ()
    %dma_start3A_36 = arith.constant 0 : i32
    %dma_start3A_37 = arith.constant 0 : i32
    %dma_start3A_38 = tpu.memref_slice %arg9[%dma_start3A_36, %dma_start3A_37] : memref<28x128xi32, #tpu.memory_space<vmem>> -> memref<1x128xi32, #tpu.memory_space<vmem>>
    %dma_start3A_39 = tpu.memref_squeeze %dma_start3A_38 : memref<1x128xi32, #tpu.memory_space<vmem>> -> memref<128xi32, #tpu.memory_space<vmem>>
    %dma_start3A_40 = arith.constant 0 : i32
    %dma_start3A_41 = arith.constant 0 : i32
    %dma_start3A_42 = tpu.memref_slice %arg2[%dma_start3A_40, %dma_start3A_41] : memref<10000x128xf32, #tpu.memory_space<hbm>> -> memref<10000x128xf32, #tpu.memory_space<hbm>>
    tpu.enqueue_indirect_dma source(%dma_start3A_42 : memref<10000x128xf32, #tpu.memory_space<hbm>>) target(%arg11 : memref<128x128xf32, #tpu.memory_space<vmem>>) offsets(%dma_start3A_39 : memref<128xi32, #tpu.memory_space<vmem>>) semaphore(%arg17 : memref<!tpu.dma_semaphore, #tpu.memory_space<semaphore_mem>>)
    %scan3A_43 = arith.constant 0 : i32
    %scan3A_44 = arith.constant 14 : i32
    %scan3A_45 = arith.addi %scan3A_43, %scan3A_44 : i32
    %scan3A_46 = arith.constant 1 : i32
    scf.for %scan3A_80 = %scan3A_43 to %scan3A_45 step %scan3A_46  : i32 {
      %mul3A_81 = arith.constant 1 : i32
      %mul3A_82 = arith.muli %scan3A_80, %mul3A_81 : i32
      %add3A_83 = arith.constant 0 : i32
      %add3A_84 = arith.addi %add3A_83, %mul3A_82 : i32
      %mul3A_85 = arith.constant 2 : i32
      %mul3A_86 = arith.muli %mul3A_85, %add3A_84 : i32
      %add3A_87 = arith.constant 1 : i32
      %add3A_88 = arith.addi %mul3A_86, %add3A_87 : i32
      %dma_wait3A = arith.constant 0 : i32
      %dma_wait3A_89 = arith.constant 0 : i32
      %dma_wait3A_90 = tpu.memref_slice %arg2[%dma_wait3A, %dma_wait3A_89] : memref<10000x128xf32, #tpu.memory_space<hbm>> -> memref<128x128xf32, #tpu.memory_space<hbm>>
      %dma_wait3A_91 = arith.constant 0 : i32
      %dma_wait3A_92 = arith.constant 0 : i32
      %dma_wait3A_93 = tpu.memref_slice %arg2[%dma_wait3A_91, %dma_wait3A_92] : memref<10000x128xf32, #tpu.memory_space<hbm>> -> memref<128x128xf32, #tpu.memory_space<hbm>>
      tpu.wait_dma2 semaphore(%arg17 : memref<!tpu.dma_semaphore, #tpu.memory_space<semaphore_mem>>) src(%dma_wait3A_93 : memref<128x128xf32, #tpu.memory_space<hbm>>) dst(%arg11 : memref<128x128xf32, #tpu.memory_space<vmem>>)
      %dma_start3A_94 = arith.constant 0 : i32
      %dma_start3A_95 = tpu.memref_slice %arg9[%add3A_88, %dma_start3A_94] : memref<28x128xi32, #tpu.memory_space<vmem>> -> memref<1x128xi32, #tpu.memory_space<vmem>>
      %dma_start3A_96 = tpu.memref_squeeze %dma_start3A_95 : memref<1x128xi32, #tpu.memory_space<vmem>> -> memref<128xi32, #tpu.memory_space<vmem>>
      %dma_start3A_97 = arith.constant 0 : i32
      %dma_start3A_98 = arith.constant 0 : i32
      %dma_start3A_99 = tpu.memref_slice %arg2[%dma_start3A_97, %dma_start3A_98] : memref<10000x128xf32, #tpu.memory_space<hbm>> -> memref<10000x128xf32, #tpu.memory_space<hbm>>
      tpu.enqueue_indirect_dma source(%dma_start3A_99 : memref<10000x128xf32, #tpu.memory_space<hbm>>) target(%arg12 : memref<128x128xf32, #tpu.memory_space<vmem>>) offsets(%dma_start3A_96 : memref<128xi32, #tpu.memory_space<vmem>>) semaphore(%arg17 : memref<!tpu.dma_semaphore, #tpu.memory_space<semaphore_mem>>)
      "tpu.region"() ({
        %run_scoped3A = tpu.sem_alloc : memref<!tpu.dma_semaphore, #tpu.memory_space<semaphore_mem>>
        %dma_start3A_112 = arith.constant 0 : i32
        %dma_start3A_113 = tpu.memref_slice %arg10[%mul3A_86, %dma_start3A_112] : memref<28x128xi32, #tpu.memory_space<vmem>> -> memref<1x128xi32, #tpu.memory_space<vmem>>
        %dma_start3A_114 = tpu.memref_squeeze %dma_start3A_113 : memref<1x128xi32, #tpu.memory_space<vmem>> -> memref<128xi32, #tpu.memory_space<vmem>>
        %dma_start3A_115 = arith.constant 0 : i32
        %dma_start3A_116 = arith.constant 0 : i32
        %dma_start3A_117 = tpu.memref_slice %arg15[%dma_start3A_115, %dma_start3A_116] : memref<10008x128xf32, #tpu.memory_space<vmem_shared>> -> memref<10008x128xf32, #tpu.memory_space<vmem_shared>>
        tpu.enqueue_indirect_dma source(%arg11 : memref<128x128xf32, #tpu.memory_space<vmem>>) target(%dma_start3A_117 : memref<10008x128xf32, #tpu.memory_space<vmem_shared>>) offsets(%dma_start3A_114 : memref<128xi32, #tpu.memory_space<vmem>>) semaphore(%run_scoped3A : memref<!tpu.dma_semaphore, #tpu.memory_space<semaphore_mem>>) {add = true}
        %dma_wait3A_118 = arith.constant 0 : i32
        %dma_wait3A_119 = tpu.memref_slice %arg10[%mul3A_86, %dma_wait3A_118] : memref<28x128xi32, #tpu.memory_space<vmem>> -> memref<1x128xi32, #tpu.memory_space<vmem>>
        %dma_wait3A_120 = tpu.memref_squeeze %dma_wait3A_119 : memref<1x128xi32, #tpu.memory_space<vmem>> -> memref<128xi32, #tpu.memory_space<vmem>>
        %dma_wait3A_121 = arith.constant 0 : i32
        %dma_wait3A_122 = arith.constant 0 : i32
        %dma_wait3A_123 = tpu.memref_slice %arg15[%dma_wait3A_121, %dma_wait3A_122] : memref<10008x128xf32, #tpu.memory_space<vmem_shared>> -> memref<10008x128xf32, #tpu.memory_space<vmem_shared>>
        tpu.wait_indirect_dma semaphore(%run_scoped3A : memref<!tpu.dma_semaphore, #tpu.memory_space<semaphore_mem>>) src(%arg11 : memref<128x128xf32, #tpu.memory_space<vmem>>) dst(%dma_wait3A_123 : memref<10008x128xf32, #tpu.memory_space<vmem_shared>>)
        tpu.yield
      }) : () -> ()
      "tpu.region"() ({
        %run_scoped3A = tpu.sem_alloc : memref<!tpu.dma_semaphore, #tpu.memory_space<semaphore_mem>>
        %dma_start3A_112 = arith.constant 0 : i32
        %dma_start3A_113 = tpu.memref_slice %arg10[%mul3A_86, %dma_start3A_112] : memref<28x128xi32, #tpu.memory_space<vmem>> -> memref<1x128xi32, #tpu.memory_space<vmem>>
        %dma_start3A_114 = tpu.memref_squeeze %dma_start3A_113 : memref<1x128xi32, #tpu.memory_space<vmem>> -> memref<128xi32, #tpu.memory_space<vmem>>
        %dma_start3A_115 = arith.constant 0 : i32
        %dma_start3A_116 = tpu.memref_slice %arg16[%dma_start3A_115] : memref<10008xf32, #tpu.memory_space<vmem_shared>> -> memref<10008xf32, #tpu.memory_space<vmem_shared>>
        tpu.enqueue_indirect_dma source(%arg13 : memref<128xf32, #tpu.memory_space<vmem>>) target(%dma_start3A_116 : memref<10008xf32, #tpu.memory_space<vmem_shared>>) offsets(%dma_start3A_114 : memref<128xi32, #tpu.memory_space<vmem>>) semaphore(%run_scoped3A : memref<!tpu.dma_semaphore, #tpu.memory_space<semaphore_mem>>) {add = true}
        %dma_wait3A_117 = arith.constant 0 : i32
        %dma_wait3A_118 = tpu.memref_slice %arg10[%mul3A_86, %dma_wait3A_117] : memref<28x128xi32, #tpu.memory_space<vmem>> -> memref<1x128xi32, #tpu.memory_space<vmem>>
        %dma_wait3A_119 = tpu.memref_squeeze %dma_wait3A_118 : memref<1x128xi32, #tpu.memory_space<vmem>> -> memref<128xi32, #tpu.memory_space<vmem>>
        %dma_wait3A_120 = arith.constant 0 : i32
        %dma_wait3A_121 = tpu.memref_slice %arg16[%dma_wait3A_120] : memref<10008xf32, #tpu.memory_space<vmem_shared>> -> memref<10008xf32, #tpu.memory_space<vmem_shared>>
        tpu.wait_indirect_dma semaphore(%run_scoped3A : memref<!tpu.dma_semaphore, #tpu.memory_space<semaphore_mem>>) src(%arg13 : memref<128xf32, #tpu.memory_space<vmem>>) dst(%dma_wait3A_121 : memref<10008xf32, #tpu.memory_space<vmem_shared>>)
        tpu.yield
      }) : () -> ()
      %dma_wait3A_100 = arith.constant 0 : i32
      %dma_wait3A_101 = tpu.memref_slice %arg9[%add3A_88, %dma_wait3A_100] : memref<28x128xi32, #tpu.memory_space<vmem>> -> memref<1x128xi32, #tpu.memory_space<vmem>>
      %dma_wait3A_102 = tpu.memref_squeeze %dma_wait3A_101 : memref<1x128xi32, #tpu.memory_space<vmem>> -> memref<128xi32, #tpu.memory_space<vmem>>
      %dma_wait3A_103 = arith.constant 0 : i32
      %dma_wait3A_104 = arith.constant 0 : i32
      %dma_wait3A_105 = tpu.memref_slice %arg2[%dma_wait3A_103, %dma_wait3A_104] : memref<10000x128xf32, #tpu.memory_space<hbm>> -> memref<10000x128xf32, #tpu.memory_space<hbm>>
      tpu.wait_indirect_dma semaphore(%arg17 : memref<!tpu.dma_semaphore, #tpu.memory_space<semaphore_mem>>) src(%dma_wait3A_105 : memref<10000x128xf32, #tpu.memory_space<hbm>>) dst(%arg12 : memref<128x128xf32, #tpu.memory_space<vmem>>)
      %add3A_106 = arith.constant 1 : i32
      %add3A_107 = arith.addi %add3A_88, %add3A_106 : i32
      %lt3A = arith.constant 28 : i32
      %lt3A_108 = arith.cmpi slt, %add3A_107, %lt3A : i32
      %convert_element_type3A_109 = arith.extui %lt3A_108 : i1 to i32
      %cond3A_110 = arith.constant 0 : i32
      %cond3A_111 = arith.cmpi ne, %convert_element_type3A_109, %cond3A_110 : i32
      scf.if %cond3A_111 {
        %add3A_112 = arith.constant 1 : i32
        %add3A_113 = arith.addi %add3A_88, %add3A_112 : i32
        %dma_start3A_114 = arith.constant 0 : i32
        %dma_start3A_115 = tpu.memref_slice %arg9[%add3A_113, %dma_start3A_114] : memref<28x128xi32, #tpu.memory_space<vmem>> -> memref<1x128xi32, #tpu.memory_space<vmem>>
        %dma_start3A_116 = tpu.memref_squeeze %dma_start3A_115 : memref<1x128xi32, #tpu.memory_space<vmem>> -> memref<128xi32, #tpu.memory_space<vmem>>
        %dma_start3A_117 = arith.constant 0 : i32
        %dma_start3A_118 = arith.constant 0 : i32
        %dma_start3A_119 = tpu.memref_slice %arg2[%dma_start3A_117, %dma_start3A_118] : memref<10000x128xf32, #tpu.memory_space<hbm>> -> memref<10000x128xf32, #tpu.memory_space<hbm>>
        tpu.enqueue_indirect_dma source(%dma_start3A_119 : memref<10000x128xf32, #tpu.memory_space<hbm>>) target(%arg11 : memref<128x128xf32, #tpu.memory_space<vmem>>) offsets(%dma_start3A_116 : memref<128xi32, #tpu.memory_space<vmem>>) semaphore(%arg17 : memref<!tpu.dma_semaphore, #tpu.memory_space<semaphore_mem>>)
      } else {
      }
      "tpu.region"() ({
        %run_scoped3A = tpu.sem_alloc : memref<!tpu.dma_semaphore, #tpu.memory_space<semaphore_mem>>
        %dma_start3A_112 = arith.constant 0 : i32
        %dma_start3A_113 = tpu.memref_slice %arg10[%add3A_88, %dma_start3A_112] : memref<28x128xi32, #tpu.memory_space<vmem>> -> memref<1x128xi32, #tpu.memory_space<vmem>>
        %dma_start3A_114 = tpu.memref_squeeze %dma_start3A_113 : memref<1x128xi32, #tpu.memory_space<vmem>> -> memref<128xi32, #tpu.memory_space<vmem>>
        %dma_start3A_115 = arith.constant 0 : i32
        %dma_start3A_116 = arith.constant 0 : i32
        %dma_start3A_117 = tpu.memref_slice %arg15[%dma_start3A_115, %dma_start3A_116] : memref<10008x128xf32, #tpu.memory_space<vmem_shared>> -> memref<10008x128xf32, #tpu.memory_space<vmem_shared>>
        tpu.enqueue_indirect_dma source(%arg12 : memref<128x128xf32, #tpu.memory_space<vmem>>) target(%dma_start3A_117 : memref<10008x128xf32, #tpu.memory_space<vmem_shared>>) offsets(%dma_start3A_114 : memref<128xi32, #tpu.memory_space<vmem>>) semaphore(%run_scoped3A : memref<!tpu.dma_semaphore, #tpu.memory_space<semaphore_mem>>) {add = true}
        %dma_wait3A_118 = arith.constant 0 : i32
        %dma_wait3A_119 = tpu.memref_slice %arg10[%add3A_88, %dma_wait3A_118] : memref<28x128xi32, #tpu.memory_space<vmem>> -> memref<1x128xi32, #tpu.memory_space<vmem>>
        %dma_wait3A_120 = tpu.memref_squeeze %dma_wait3A_119 : memref<1x128xi32, #tpu.memory_space<vmem>> -> memref<128xi32, #tpu.memory_space<vmem>>
        %dma_wait3A_121 = arith.constant 0 : i32
        %dma_wait3A_122 = arith.constant 0 : i32
        %dma_wait3A_123 = tpu.memref_slice %arg15[%dma_wait3A_121, %dma_wait3A_122] : memref<10008x128xf32, #tpu.memory_space<vmem_shared>> -> memref<10008x128xf32, #tpu.memory_space<vmem_shared>>
        tpu.wait_indirect_dma semaphore(%run_scoped3A : memref<!tpu.dma_semaphore, #tpu.memory_space<semaphore_mem>>) src(%arg12 : memref<128x128xf32, #tpu.memory_space<vmem>>) dst(%dma_wait3A_123 : memref<10008x128xf32, #tpu.memory_space<vmem_shared>>)
        tpu.yield
      }) : () -> ()
      "tpu.region"() ({
        %run_scoped3A = tpu.sem_alloc : memref<!tpu.dma_semaphore, #tpu.memory_space<semaphore_mem>>
        %dma_start3A_112 = arith.constant 0 : i32
        %dma_start3A_113 = tpu.memref_slice %arg10[%add3A_88, %dma_start3A_112] : memref<28x128xi32, #tpu.memory_space<vmem>> -> memref<1x128xi32, #tpu.memory_space<vmem>>
        %dma_start3A_114 = tpu.memref_squeeze %dma_start3A_113 : memref<1x128xi32, #tpu.memory_space<vmem>> -> memref<128xi32, #tpu.memory_space<vmem>>
        %dma_start3A_115 = arith.constant 0 : i32
        %dma_start3A_116 = tpu.memref_slice %arg16[%dma_start3A_115] : memref<10008xf32, #tpu.memory_space<vmem_shared>> -> memref<10008xf32, #tpu.memory_space<vmem_shared>>
        tpu.enqueue_indirect_dma source(%arg13 : memref<128xf32, #tpu.memory_space<vmem>>) target(%dma_start3A_116 : memref<10008xf32, #tpu.memory_space<vmem_shared>>) offsets(%dma_start3A_114 : memref<128xi32, #tpu.memory_space<vmem>>) semaphore(%run_scoped3A : memref<!tpu.dma_semaphore, #tpu.memory_space<semaphore_mem>>) {add = true}
        %dma_wait3A_117 = arith.constant 0 : i32
        %dma_wait3A_118 = tpu.memref_slice %arg10[%add3A_88, %dma_wait3A_117] : memref<28x128xi32, #tpu.memory_space<vmem>> -> memref<1x128xi32, #tpu.memory_space<vmem>>
        %dma_wait3A_119 = tpu.memref_squeeze %dma_wait3A_118 : memref<1x128xi32, #tpu.memory_space<vmem>> -> memref<128xi32, #tpu.memory_space<vmem>>
        %dma_wait3A_120 = arith.constant 0 : i32
        %dma_wait3A_121 = tpu.memref_slice %arg16[%dma_wait3A_120] : memref<10008xf32, #tpu.memory_space<vmem_shared>> -> memref<10008xf32, #tpu.memory_space<vmem_shared>>
        tpu.wait_indirect_dma semaphore(%run_scoped3A : memref<!tpu.dma_semaphore, #tpu.memory_space<semaphore_mem>>) src(%arg13 : memref<128xf32, #tpu.memory_space<vmem>>) dst(%dma_wait3A_121 : memref<10008xf32, #tpu.memory_space<vmem_shared>>)
        tpu.yield
      }) : () -> ()
    }
    %scan3A_47 = arith.constant 14 : i32
    %mul3A_48 = arith.constant 3 : i32
    %mul3A_49 = arith.muli %mul3A_48, %add3A : i32
    %add3A_50 = arith.constant 2 : i32
    %add3A_51 = arith.addi %mul3A_49, %add3A_50 : i32
    "tpu.region"() ({
      %run_scoped3A = tpu.sem_alloc : memref<!tpu.dma_semaphore, #tpu.memory_space<semaphore_mem>>
      %dma_start3A_80 = arith.constant 0 : i32
      %dma_start3A_81 = arith.constant 0 : i32
      %dma_start3A_82 = tpu.memref_slice %arg3[%add3A_51, %dma_start3A_80, %dma_start3A_81] : memref<96x28x128xi32, #tpu.memory_space<hbm>> -> memref<1x28x128xi32, #tpu.memory_space<hbm>>
      %dma_start3A_83 = tpu.memref_squeeze %dma_start3A_82 : memref<1x28x128xi32, #tpu.memory_space<hbm>> -> memref<28x128xi32, #tpu.memory_space<hbm>>
      %dma_start3A_84 = arith.constant 0 : i32
      %dma_start3A_85 = arith.constant 0 : i32
      %dma_start3A_86 = tpu.memref_slice %arg3[%add3A_51, %dma_start3A_84, %dma_start3A_85] : memref<96x28x128xi32, #tpu.memory_space<hbm>> -> memref<1x28x128xi32, #tpu.memory_space<hbm>>
      %dma_start3A_87 = tpu.memref_squeeze %dma_start3A_86 : memref<1x28x128xi32, #tpu.memory_space<hbm>> -> memref<28x128xi32, #tpu.memory_space<hbm>>
      tpu.enqueue_dma source(%dma_start3A_87 : memref<28x128xi32, #tpu.memory_space<hbm>>) target(%arg9 : memref<28x128xi32, #tpu.memory_space<vmem>>) target_semaphore(%run_scoped3A : memref<!tpu.dma_semaphore, #tpu.memory_space<semaphore_mem>>)
      %dma_wait3A = arith.constant 0 : i32
      %dma_wait3A_88 = arith.constant 0 : i32
      %dma_wait3A_89 = tpu.memref_slice %arg3[%add3A_51, %dma_wait3A, %dma_wait3A_88] : memref<96x28x128xi32, #tpu.memory_space<hbm>> -> memref<1x28x128xi32, #tpu.memory_space<hbm>>
      %dma_wait3A_90 = tpu.memref_squeeze %dma_wait3A_89 : memref<1x28x128xi32, #tpu.memory_space<hbm>> -> memref<28x128xi32, #tpu.memory_space<hbm>>
      %dma_wait3A_91 = arith.constant 0 : i32
      %dma_wait3A_92 = arith.constant 0 : i32
      %dma_wait3A_93 = tpu.memref_slice %arg3[%add3A_51, %dma_wait3A_91, %dma_wait3A_92] : memref<96x28x128xi32, #tpu.memory_space<hbm>> -> memref<1x28x128xi32, #tpu.memory_space<hbm>>
      %dma_wait3A_94 = tpu.memref_squeeze %dma_wait3A_93 : memref<1x28x128xi32, #tpu.memory_space<hbm>> -> memref<28x128xi32, #tpu.memory_space<hbm>>
      tpu.wait_dma2 semaphore(%run_scoped3A : memref<!tpu.dma_semaphore, #tpu.memory_space<semaphore_mem>>) src(%dma_wait3A_94 : memref<28x128xi32, #tpu.memory_space<hbm>>) dst(%arg9 : memref<28x128xi32, #tpu.memory_space<vmem>>)
      tpu.yield
    }) : () -> ()
    %mul3A_52 = arith.constant 3 : i32
    %mul3A_53 = arith.muli %mul3A_52, %add3A : i32
    %add3A_54 = arith.constant 2 : i32
    %add3A_55 = arith.addi %mul3A_53, %add3A_54 : i32
    "tpu.region"() ({
      %run_scoped3A = tpu.sem_alloc : memref<!tpu.dma_semaphore, #tpu.memory_space<semaphore_mem>>
      %dma_start3A_80 = arith.constant 0 : i32
      %dma_start3A_81 = arith.constant 0 : i32
      %dma_start3A_82 = tpu.memref_slice %arg4[%add3A_55, %dma_start3A_80, %dma_start3A_81] : memref<96x28x128xi32, #tpu.memory_space<hbm>> -> memref<1x28x128xi32, #tpu.memory_space<hbm>>
      %dma_start3A_83 = tpu.memref_squeeze %dma_start3A_82 : memref<1x28x128xi32, #tpu.memory_space<hbm>> -> memref<28x128xi32, #tpu.memory_space<hbm>>
      %dma_start3A_84 = arith.constant 0 : i32
      %dma_start3A_85 = arith.constant 0 : i32
      %dma_start3A_86 = tpu.memref_slice %arg4[%add3A_55, %dma_start3A_84, %dma_start3A_85] : memref<96x28x128xi32, #tpu.memory_space<hbm>> -> memref<1x28x128xi32, #tpu.memory_space<hbm>>
      %dma_start3A_87 = tpu.memref_squeeze %dma_start3A_86 : memref<1x28x128xi32, #tpu.memory_space<hbm>> -> memref<28x128xi32, #tpu.memory_space<hbm>>
      tpu.enqueue_dma source(%dma_start3A_87 : memref<28x128xi32, #tpu.memory_space<hbm>>) target(%arg10 : memref<28x128xi32, #tpu.memory_space<vmem>>) target_semaphore(%run_scoped3A : memref<!tpu.dma_semaphore, #tpu.memory_space<semaphore_mem>>)
      %dma_wait3A = arith.constant 0 : i32
      %dma_wait3A_88 = arith.constant 0 : i32
      %dma_wait3A_89 = tpu.memref_slice %arg4[%add3A_55, %dma_wait3A, %dma_wait3A_88] : memref<96x28x128xi32, #tpu.memory_space<hbm>> -> memref<1x28x128xi32, #tpu.memory_space<hbm>>
      %dma_wait3A_90 = tpu.memref_squeeze %dma_wait3A_89 : memref<1x28x128xi32, #tpu.memory_space<hbm>> -> memref<28x128xi32, #tpu.memory_space<hbm>>
      %dma_wait3A_91 = arith.constant 0 : i32
      %dma_wait3A_92 = arith.constant 0 : i32
      %dma_wait3A_93 = tpu.memref_slice %arg4[%add3A_55, %dma_wait3A_91, %dma_wait3A_92] : memref<96x28x128xi32, #tpu.memory_space<hbm>> -> memref<1x28x128xi32, #tpu.memory_space<hbm>>
      %dma_wait3A_94 = tpu.memref_squeeze %dma_wait3A_93 : memref<1x28x128xi32, #tpu.memory_space<hbm>> -> memref<28x128xi32, #tpu.memory_space<hbm>>
      tpu.wait_dma2 semaphore(%run_scoped3A : memref<!tpu.dma_semaphore, #tpu.memory_space<semaphore_mem>>) src(%dma_wait3A_94 : memref<28x128xi32, #tpu.memory_space<hbm>>) dst(%arg10 : memref<28x128xi32, #tpu.memory_space<vmem>>)
      tpu.yield
    }) : () -> ()
    %dma_start3A_56 = arith.constant 0 : i32
    %dma_start3A_57 = arith.constant 0 : i32
    %dma_start3A_58 = tpu.memref_slice %arg9[%dma_start3A_56, %dma_start3A_57] : memref<28x128xi32, #tpu.memory_space<vmem>> -> memref<1x128xi32, #tpu.memory_space<vmem>>
    %dma_start3A_59 = tpu.memref_squeeze %dma_start3A_58 : memref<1x128xi32, #tpu.memory_space<vmem>> -> memref<128xi32, #tpu.memory_space<vmem>>
    %dma_start3A_60 = arith.constant 0 : i32
    %dma_start3A_61 = arith.constant 0 : i32
    %dma_start3A_62 = tpu.memref_slice %arg2[%dma_start3A_60, %dma_start3A_61] : memref<10000x128xf32, #tpu.memory_space<hbm>> -> memref<10000x128xf32, #tpu.memory_space<hbm>>
    tpu.enqueue_indirect_dma source(%dma_start3A_62 : memref<10000x128xf32, #tpu.memory_space<hbm>>) target(%arg11 : memref<128x128xf32, #tpu.memory_space<vmem>>) offsets(%dma_start3A_59 : memref<128xi32, #tpu.memory_space<vmem>>) semaphore(%arg17 : memref<!tpu.dma_semaphore, #tpu.memory_space<semaphore_mem>>)
    %scan3A_63 = arith.constant 0 : i32
    %scan3A_64 = arith.constant 14 : i32
    %scan3A_65 = arith.addi %scan3A_63, %scan3A_64 : i32
    %scan3A_66 = arith.constant 1 : i32
    scf.for %scan3A_80 = %scan3A_63 to %scan3A_65 step %scan3A_66  : i32 {
      %mul3A_81 = arith.constant 1 : i32
      %mul3A_82 = arith.muli %scan3A_80, %mul3A_81 : i32
      %add3A_83 = arith.constant 0 : i32
      %add3A_84 = arith.addi %add3A_83, %mul3A_82 : i32
      %mul3A_85 = arith.constant 2 : i32
      %mul3A_86 = arith.muli %mul3A_85, %add3A_84 : i32
      %add3A_87 = arith.constant 1 : i32
      %add3A_88 = arith.addi %mul3A_86, %add3A_87 : i32
      %dma_wait3A = arith.constant 0 : i32
      %dma_wait3A_89 = arith.constant 0 : i32
      %dma_wait3A_90 = tpu.memref_slice %arg2[%dma_wait3A, %dma_wait3A_89] : memref<10000x128xf32, #tpu.memory_space<hbm>> -> memref<128x128xf32, #tpu.memory_space<hbm>>
      %dma_wait3A_91 = arith.constant 0 : i32
      %dma_wait3A_92 = arith.constant 0 : i32
      %dma_wait3A_93 = tpu.memref_slice %arg2[%dma_wait3A_91, %dma_wait3A_92] : memref<10000x128xf32, #tpu.memory_space<hbm>> -> memref<128x128xf32, #tpu.memory_space<hbm>>
      tpu.wait_dma2 semaphore(%arg17 : memref<!tpu.dma_semaphore, #tpu.memory_space<semaphore_mem>>) src(%dma_wait3A_93 : memref<128x128xf32, #tpu.memory_space<hbm>>) dst(%arg11 : memref<128x128xf32, #tpu.memory_space<vmem>>)
      %dma_start3A_94 = arith.constant 0 : i32
      %dma_start3A_95 = tpu.memref_slice %arg9[%add3A_88, %dma_start3A_94] : memref<28x128xi32, #tpu.memory_space<vmem>> -> memref<1x128xi32, #tpu.memory_space<vmem>>
      %dma_start3A_96 = tpu.memref_squeeze %dma_start3A_95 : memref<1x128xi32, #tpu.memory_space<vmem>> -> memref<128xi32, #tpu.memory_space<vmem>>
      %dma_start3A_97 = arith.constant 0 : i32
      %dma_start3A_98 = arith.constant 0 : i32
      %dma_start3A_99 = tpu.memref_slice %arg2[%dma_start3A_97, %dma_start3A_98] : memref<10000x128xf32, #tpu.memory_space<hbm>> -> memref<10000x128xf32, #tpu.memory_space<hbm>>
      tpu.enqueue_indirect_dma source(%dma_start3A_99 : memref<10000x128xf32, #tpu.memory_space<hbm>>) target(%arg12 : memref<128x128xf32, #tpu.memory_space<vmem>>) offsets(%dma_start3A_96 : memref<128xi32, #tpu.memory_space<vmem>>) semaphore(%arg17 : memref<!tpu.dma_semaphore, #tpu.memory_space<semaphore_mem>>)
      "tpu.region"() ({
        %run_scoped3A = tpu.sem_alloc : memref<!tpu.dma_semaphore, #tpu.memory_space<semaphore_mem>>
        %dma_start3A_112 = arith.constant 0 : i32
        %dma_start3A_113 = tpu.memref_slice %arg10[%mul3A_86, %dma_start3A_112] : memref<28x128xi32, #tpu.memory_space<vmem>> -> memref<1x128xi32, #tpu.memory_space<vmem>>
        %dma_start3A_114 = tpu.memref_squeeze %dma_start3A_113 : memref<1x128xi32, #tpu.memory_space<vmem>> -> memref<128xi32, #tpu.memory_space<vmem>>
        %dma_start3A_115 = arith.constant 0 : i32
        %dma_start3A_116 = arith.constant 0 : i32
        %dma_start3A_117 = tpu.memref_slice %arg15[%dma_start3A_115, %dma_start3A_116] : memref<10008x128xf32, #tpu.memory_space<vmem_shared>> -> memref<10008x128xf32, #tpu.memory_space<vmem_shared>>
        tpu.enqueue_indirect_dma source(%arg11 : memref<128x128xf32, #tpu.memory_space<vmem>>) target(%dma_start3A_117 : memref<10008x128xf32, #tpu.memory_space<vmem_shared>>) offsets(%dma_start3A_114 : memref<128xi32, #tpu.memory_space<vmem>>) semaphore(%run_scoped3A : memref<!tpu.dma_semaphore, #tpu.memory_space<semaphore_mem>>) {add = true}
        %dma_wait3A_118 = arith.constant 0 : i32
        %dma_wait3A_119 = tpu.memref_slice %arg10[%mul3A_86, %dma_wait3A_118] : memref<28x128xi32, #tpu.memory_space<vmem>> -> memref<1x128xi32, #tpu.memory_space<vmem>>
        %dma_wait3A_120 = tpu.memref_squeeze %dma_wait3A_119 : memref<1x128xi32, #tpu.memory_space<vmem>> -> memref<128xi32, #tpu.memory_space<vmem>>
        %dma_wait3A_121 = arith.constant 0 : i32
        %dma_wait3A_122 = arith.constant 0 : i32
        %dma_wait3A_123 = tpu.memref_slice %arg15[%dma_wait3A_121, %dma_wait3A_122] : memref<10008x128xf32, #tpu.memory_space<vmem_shared>> -> memref<10008x128xf32, #tpu.memory_space<vmem_shared>>
        tpu.wait_indirect_dma semaphore(%run_scoped3A : memref<!tpu.dma_semaphore, #tpu.memory_space<semaphore_mem>>) src(%arg11 : memref<128x128xf32, #tpu.memory_space<vmem>>) dst(%dma_wait3A_123 : memref<10008x128xf32, #tpu.memory_space<vmem_shared>>)
        tpu.yield
      }) : () -> ()
      "tpu.region"() ({
        %run_scoped3A = tpu.sem_alloc : memref<!tpu.dma_semaphore, #tpu.memory_space<semaphore_mem>>
        %dma_start3A_112 = arith.constant 0 : i32
        %dma_start3A_113 = tpu.memref_slice %arg10[%mul3A_86, %dma_start3A_112] : memref<28x128xi32, #tpu.memory_space<vmem>> -> memref<1x128xi32, #tpu.memory_space<vmem>>
        %dma_start3A_114 = tpu.memref_squeeze %dma_start3A_113 : memref<1x128xi32, #tpu.memory_space<vmem>> -> memref<128xi32, #tpu.memory_space<vmem>>
        %dma_start3A_115 = arith.constant 0 : i32
        %dma_start3A_116 = tpu.memref_slice %arg16[%dma_start3A_115] : memref<10008xf32, #tpu.memory_space<vmem_shared>> -> memref<10008xf32, #tpu.memory_space<vmem_shared>>
        tpu.enqueue_indirect_dma source(%arg13 : memref<128xf32, #tpu.memory_space<vmem>>) target(%dma_start3A_116 : memref<10008xf32, #tpu.memory_space<vmem_shared>>) offsets(%dma_start3A_114 : memref<128xi32, #tpu.memory_space<vmem>>) semaphore(%run_scoped3A : memref<!tpu.dma_semaphore, #tpu.memory_space<semaphore_mem>>) {add = true}
        %dma_wait3A_117 = arith.constant 0 : i32
        %dma_wait3A_118 = tpu.memref_slice %arg10[%mul3A_86, %dma_wait3A_117] : memref<28x128xi32, #tpu.memory_space<vmem>> -> memref<1x128xi32, #tpu.memory_space<vmem>>
        %dma_wait3A_119 = tpu.memref_squeeze %dma_wait3A_118 : memref<1x128xi32, #tpu.memory_space<vmem>> -> memref<128xi32, #tpu.memory_space<vmem>>
        %dma_wait3A_120 = arith.constant 0 : i32
        %dma_wait3A_121 = tpu.memref_slice %arg16[%dma_wait3A_120] : memref<10008xf32, #tpu.memory_space<vmem_shared>> -> memref<10008xf32, #tpu.memory_space<vmem_shared>>
        tpu.wait_indirect_dma semaphore(%run_scoped3A : memref<!tpu.dma_semaphore, #tpu.memory_space<semaphore_mem>>) src(%arg13 : memref<128xf32, #tpu.memory_space<vmem>>) dst(%dma_wait3A_121 : memref<10008xf32, #tpu.memory_space<vmem_shared>>)
        tpu.yield
      }) : () -> ()
      %dma_wait3A_100 = arith.constant 0 : i32
      %dma_wait3A_101 = tpu.memref_slice %arg9[%add3A_88, %dma_wait3A_100] : memref<28x128xi32, #tpu.memory_space<vmem>> -> memref<1x128xi32, #tpu.memory_space<vmem>>
      %dma_wait3A_102 = tpu.memref_squeeze %dma_wait3A_101 : memref<1x128xi32, #tpu.memory_space<vmem>> -> memref<128xi32, #tpu.memory_space<vmem>>
      %dma_wait3A_103 = arith.constant 0 : i32
      %dma_wait3A_104 = arith.constant 0 : i32
      %dma_wait3A_105 = tpu.memref_slice %arg2[%dma_wait3A_103, %dma_wait3A_104] : memref<10000x128xf32, #tpu.memory_space<hbm>> -> memref<10000x128xf32, #tpu.memory_space<hbm>>
      tpu.wait_indirect_dma semaphore(%arg17 : memref<!tpu.dma_semaphore, #tpu.memory_space<semaphore_mem>>) src(%dma_wait3A_105 : memref<10000x128xf32, #tpu.memory_space<hbm>>) dst(%arg12 : memref<128x128xf32, #tpu.memory_space<vmem>>)
      %add3A_106 = arith.constant 1 : i32
      %add3A_107 = arith.addi %add3A_88, %add3A_106 : i32
      %lt3A = arith.constant 28 : i32
      %lt3A_108 = arith.cmpi slt, %add3A_107, %lt3A : i32
      %convert_element_type3A_109 = arith.extui %lt3A_108 : i1 to i32
      %cond3A_110 = arith.constant 0 : i32
      %cond3A_111 = arith.cmpi ne, %convert_element_type3A_109, %cond3A_110 : i32
      scf.if %cond3A_111 {
        %add3A_112 = arith.constant 1 : i32
        %add3A_113 = arith.addi %add3A_88, %add3A_112 : i32
        %dma_start3A_114 = arith.constant 0 : i32
        %dma_start3A_115 = tpu.memref_slice %arg9[%add3A_113, %dma_start3A_114] : memref<28x128xi32, #tpu.memory_space<vmem>> -> memref<1x128xi32, #tpu.memory_space<vmem>>
        %dma_start3A_116 = tpu.memref_squeeze %dma_start3A_115 : memref<1x128xi32, #tpu.memory_space<vmem>> -> memref<128xi32, #tpu.memory_space<vmem>>
        %dma_start3A_117 = arith.constant 0 : i32
        %dma_start3A_118 = arith.constant 0 : i32
        %dma_start3A_119 = tpu.memref_slice %arg2[%dma_start3A_117, %dma_start3A_118] : memref<10000x128xf32, #tpu.memory_space<hbm>> -> memref<10000x128xf32, #tpu.memory_space<hbm>>
        tpu.enqueue_indirect_dma source(%dma_start3A_119 : memref<10000x128xf32, #tpu.memory_space<hbm>>) target(%arg11 : memref<128x128xf32, #tpu.memory_space<vmem>>) offsets(%dma_start3A_116 : memref<128xi32, #tpu.memory_space<vmem>>) semaphore(%arg17 : memref<!tpu.dma_semaphore, #tpu.memory_space<semaphore_mem>>)
      } else {
      }
      "tpu.region"() ({
        %run_scoped3A = tpu.sem_alloc : memref<!tpu.dma_semaphore, #tpu.memory_space<semaphore_mem>>
        %dma_start3A_112 = arith.constant 0 : i32
        %dma_start3A_113 = tpu.memref_slice %arg10[%add3A_88, %dma_start3A_112] : memref<28x128xi32, #tpu.memory_space<vmem>> -> memref<1x128xi32, #tpu.memory_space<vmem>>
        %dma_start3A_114 = tpu.memref_squeeze %dma_start3A_113 : memref<1x128xi32, #tpu.memory_space<vmem>> -> memref<128xi32, #tpu.memory_space<vmem>>
        %dma_start3A_115 = arith.constant 0 : i32
        %dma_start3A_116 = arith.constant 0 : i32
        %dma_start3A_117 = tpu.memref_slice %arg15[%dma_start3A_115, %dma_start3A_116] : memref<10008x128xf32, #tpu.memory_space<vmem_shared>> -> memref<10008x128xf32, #tpu.memory_space<vmem_shared>>
        tpu.enqueue_indirect_dma source(%arg12 : memref<128x128xf32, #tpu.memory_space<vmem>>) target(%dma_start3A_117 : memref<10008x128xf32, #tpu.memory_space<vmem_shared>>) offsets(%dma_start3A_114 : memref<128xi32, #tpu.memory_space<vmem>>) semaphore(%run_scoped3A : memref<!tpu.dma_semaphore, #tpu.memory_space<semaphore_mem>>) {add = true}
        %dma_wait3A_118 = arith.constant 0 : i32
        %dma_wait3A_119 = tpu.memref_slice %arg10[%add3A_88, %dma_wait3A_118] : memref<28x128xi32, #tpu.memory_space<vmem>> -> memref<1x128xi32, #tpu.memory_space<vmem>>
        %dma_wait3A_120 = tpu.memref_squeeze %dma_wait3A_119 : memref<1x128xi32, #tpu.memory_space<vmem>> -> memref<128xi32, #tpu.memory_space<vmem>>
        %dma_wait3A_121 = arith.constant 0 : i32
        %dma_wait3A_122 = arith.constant 0 : i32
        %dma_wait3A_123 = tpu.memref_slice %arg15[%dma_wait3A_121, %dma_wait3A_122] : memref<10008x128xf32, #tpu.memory_space<vmem_shared>> -> memref<10008x128xf32, #tpu.memory_space<vmem_shared>>
        tpu.wait_indirect_dma semaphore(%run_scoped3A : memref<!tpu.dma_semaphore, #tpu.memory_space<semaphore_mem>>) src(%arg12 : memref<128x128xf32, #tpu.memory_space<vmem>>) dst(%dma_wait3A_123 : memref<10008x128xf32, #tpu.memory_space<vmem_shared>>)
        tpu.yield
      }) : () -> ()
      "tpu.region"() ({
        %run_scoped3A = tpu.sem_alloc : memref<!tpu.dma_semaphore, #tpu.memory_space<semaphore_mem>>
        %dma_start3A_112 = arith.constant 0 : i32
        %dma_start3A_113 = tpu.memref_slice %arg10[%add3A_88, %dma_start3A_112] : memref<28x128xi32, #tpu.memory_space<vmem>> -> memref<1x128xi32, #tpu.memory_space<vmem>>
        %dma_start3A_114 = tpu.memref_squeeze %dma_start3A_113 : memref<1x128xi32, #tpu.memory_space<vmem>> -> memref<128xi32, #tpu.memory_space<vmem>>
        %dma_start3A_115 = arith.constant 0 : i32
        %dma_start3A_116 = tpu.memref_slice %arg16[%dma_start3A_115] : memref<10008xf32, #tpu.memory_space<vmem_shared>> -> memref<10008xf32, #tpu.memory_space<vmem_shared>>
        tpu.enqueue_indirect_dma source(%arg13 : memref<128xf32, #tpu.memory_space<vmem>>) target(%dma_start3A_116 : memref<10008xf32, #tpu.memory_space<vmem_shared>>) offsets(%dma_start3A_114 : memref<128xi32, #tpu.memory_space<vmem>>) semaphore(%run_scoped3A : memref<!tpu.dma_semaphore, #tpu.memory_space<semaphore_mem>>) {add = true}
        %dma_wait3A_117 = arith.constant 0 : i32
        %dma_wait3A_118 = tpu.memref_slice %arg10[%add3A_88, %dma_wait3A_117] : memref<28x128xi32, #tpu.memory_space<vmem>> -> memref<1x128xi32, #tpu.memory_space<vmem>>
        %dma_wait3A_119 = tpu.memref_squeeze %dma_wait3A_118 : memref<1x128xi32, #tpu.memory_space<vmem>> -> memref<128xi32, #tpu.memory_space<vmem>>
        %dma_wait3A_120 = arith.constant 0 : i32
        %dma_wait3A_121 = tpu.memref_slice %arg16[%dma_wait3A_120] : memref<10008xf32, #tpu.memory_space<vmem_shared>> -> memref<10008xf32, #tpu.memory_space<vmem_shared>>
        tpu.wait_indirect_dma semaphore(%run_scoped3A : memref<!tpu.dma_semaphore, #tpu.memory_space<semaphore_mem>>) src(%arg13 : memref<128xf32, #tpu.memory_space<vmem>>) dst(%dma_wait3A_121 : memref<10008xf32, #tpu.memory_space<vmem_shared>>)
        tpu.yield
      }) : () -> ()
    }
    %scan3A_67 = arith.constant 14 : i32
    %barrier3A_68 = arith.constant 0 : index
    tpu.barrier barrier_id(%barrier3A_68)
    %mul3A_69 = arith.constant 10240 : i32
    %mul3A_70 = arith.muli %arg0, %mul3A_69 : i32
    %add3A_71 = arith.addi %mul3A_70, %mul3A_2 : i32
    "tpu.region"() ({
      %run_scoped3A = tpu.sem_alloc : memref<!tpu.dma_semaphore, #tpu.memory_space<semaphore_mem>>
      %dma_start3A_80 = arith.constant 0 : i32
      %dma_start3A_81 = tpu.memref_slice %arg7[%add3A_71, %dma_start3A_80] : memref<20480x128xf32, #tpu.memory_space<hbm>> -> memref<624x128xf32, #tpu.memory_space<hbm>>
      %dma_start3A_82 = arith.constant 0 : i32
      %dma_start3A_83 = tpu.memref_slice %arg15[%mul3A_2, %dma_start3A_82] : memref<10008x128xf32, #tpu.memory_space<vmem_shared>> -> memref<624x128xf32, #tpu.memory_space<vmem_shared>>
      tpu.enqueue_dma source(%dma_start3A_83 : memref<624x128xf32, #tpu.memory_space<vmem_shared>>) target(%dma_start3A_81 : memref<624x128xf32, #tpu.memory_space<hbm>>) target_semaphore(%run_scoped3A : memref<!tpu.dma_semaphore, #tpu.memory_space<semaphore_mem>>)
      %dma_wait3A = arith.constant 0 : i32
      %dma_wait3A_84 = tpu.memref_slice %arg7[%add3A_71, %dma_wait3A] : memref<20480x128xf32, #tpu.memory_space<hbm>> -> memref<624x128xf32, #tpu.memory_space<hbm>>
      %dma_wait3A_85 = arith.constant 0 : i32
      %dma_wait3A_86 = tpu.memref_slice %arg15[%mul3A_2, %dma_wait3A_85] : memref<10008x128xf32, #tpu.memory_space<vmem_shared>> -> memref<624x128xf32, #tpu.memory_space<vmem_shared>>
      tpu.wait_dma2 semaphore(%run_scoped3A : memref<!tpu.dma_semaphore, #tpu.memory_space<semaphore_mem>>) src(%dma_wait3A_86 : memref<624x128xf32, #tpu.memory_space<vmem_shared>>) dst(%dma_wait3A_84 : memref<624x128xf32, #tpu.memory_space<hbm>>)
      tpu.yield
    }) : () -> ()
    "tpu.region"() ({
      %run_scoped3A = tpu.sem_alloc : memref<!tpu.dma_semaphore, #tpu.memory_space<semaphore_mem>>
      %dma_start3A_80 = tpu.memref_slice %arg16[%mul3A_2] : memref<10008xf32, #tpu.memory_space<vmem_shared>> -> memref<624xf32, #tpu.memory_space<vmem_shared>>
      %dma_start3A_81 = tpu.memref_slice %arg16[%mul3A_2] : memref<10008xf32, #tpu.memory_space<vmem_shared>> -> memref<624xf32, #tpu.memory_space<vmem_shared>>
      tpu.enqueue_dma source(%dma_start3A_81 : memref<624xf32, #tpu.memory_space<vmem_shared>>) target(%arg14 : memref<624xf32, #tpu.memory_space<vmem>>) target_semaphore(%run_scoped3A : memref<!tpu.dma_semaphore, #tpu.memory_space<semaphore_mem>>)
      %dma_wait3A = tpu.memref_slice %arg16[%mul3A_2] : memref<10008xf32, #tpu.memory_space<vmem_shared>> -> memref<624xf32, #tpu.memory_space<vmem_shared>>
      %dma_wait3A_82 = tpu.memref_slice %arg16[%mul3A_2] : memref<10008xf32, #tpu.memory_space<vmem_shared>> -> memref<624xf32, #tpu.memory_space<vmem_shared>>
      tpu.wait_dma2 semaphore(%run_scoped3A : memref<!tpu.dma_semaphore, #tpu.memory_space<semaphore_mem>>) src(%dma_wait3A_82 : memref<624xf32, #tpu.memory_space<vmem_shared>>) dst(%arg14 : memref<624xf32, #tpu.memory_space<vmem>>)
      tpu.yield
    }) : () -> ()
    %mul3A_72 = arith.constant 10240 : i32
    %mul3A_73 = arith.muli %arg0, %mul3A_72 : i32
    %add3A_74 = arith.addi %mul3A_73, %mul3A_2 : i32
    "tpu.region"() ({
      %run_scoped3A = tpu.sem_alloc : memref<!tpu.dma_semaphore, #tpu.memory_space<semaphore_mem>>
      %dma_start3A_80 = tpu.memref_slice %arg8[%add3A_74] : memref<20480xf32, #tpu.memory_space<hbm>> -> memref<624xf32, #tpu.memory_space<hbm>>
      %dma_start3A_81 = tpu.memref_slice %arg8[%add3A_74] : memref<20480xf32, #tpu.memory_space<hbm>> -> memref<624xf32, #tpu.memory_space<hbm>>
      tpu.enqueue_dma source(%arg14 : memref<624xf32, #tpu.memory_space<vmem>>) target(%dma_start3A_81 : memref<624xf32, #tpu.memory_space<hbm>>) target_semaphore(%run_scoped3A : memref<!tpu.dma_semaphore, #tpu.memory_space<semaphore_mem>>)
      %dma_wait3A = tpu.memref_slice %arg8[%add3A_74] : memref<20480xf32, #tpu.memory_space<hbm>> -> memref<624xf32, #tpu.memory_space<hbm>>
      %dma_wait3A_82 = tpu.memref_slice %arg8[%add3A_74] : memref<20480xf32, #tpu.memory_space<hbm>> -> memref<624xf32, #tpu.memory_space<hbm>>
      tpu.wait_dma2 semaphore(%run_scoped3A : memref<!tpu.dma_semaphore, #tpu.memory_space<semaphore_mem>>) src(%arg14 : memref<624xf32, #tpu.memory_space<vmem>>) dst(%dma_wait3A_82 : memref<624xf32, #tpu.memory_space<hbm>>)
      tpu.yield
    }) : () -> ()
    %eq3A_75 = arith.constant 15 : i32
    %eq3A_76 = arith.cmpi eq, %arg1, %eq3A_75 : i32
    %convert_element_type3A_77 = arith.extui %eq3A_76 : i1 to i32
    %cond3A_78 = arith.constant 0 : i32
    %cond3A_79 = arith.cmpi ne, %convert_element_type3A_77, %cond3A_78 : i32
    scf.if %cond3A_79 {
      %mul3A_80 = arith.constant 10240 : i32
      %mul3A_81 = arith.muli %arg0, %mul3A_80 : i32
      %add3A_82 = arith.constant 9984 : i32
      %add3A_83 = arith.addi %mul3A_81, %add3A_82 : i32
      "tpu.region"() ({
        %run_scoped3A = tpu.sem_alloc : memref<!tpu.dma_semaphore, #tpu.memory_space<semaphore_mem>>
        %dma_start3A_88 = arith.constant 0 : i32
        %dma_start3A_89 = tpu.memref_slice %arg7[%add3A_83, %dma_start3A_88] : memref<20480x128xf32, #tpu.memory_space<hbm>> -> memref<16x128xf32, #tpu.memory_space<hbm>>
        %dma_start3A_90 = arith.constant 9984 : i32
        %dma_start3A_91 = arith.constant 0 : i32
        %dma_start3A_92 = tpu.memref_slice %arg15[%dma_start3A_90, %dma_start3A_91] : memref<10008x128xf32, #tpu.memory_space<vmem_shared>> -> memref<16x128xf32, #tpu.memory_space<vmem_shared>>
        tpu.enqueue_dma source(%dma_start3A_92 : memref<16x128xf32, #tpu.memory_space<vmem_shared>>) target(%dma_start3A_89 : memref<16x128xf32, #tpu.memory_space<hbm>>) target_semaphore(%run_scoped3A : memref<!tpu.dma_semaphore, #tpu.memory_space<semaphore_mem>>)
        %dma_wait3A = arith.constant 0 : i32
        %dma_wait3A_93 = tpu.memref_slice %arg7[%add3A_83, %dma_wait3A] : memref<20480x128xf32, #tpu.memory_space<hbm>> -> memref<16x128xf32, #tpu.memory_space<hbm>>
        %dma_wait3A_94 = arith.constant 9984 : i32
        %dma_wait3A_95 = arith.constant 0 : i32
        %dma_wait3A_96 = tpu.memref_slice %arg15[%dma_wait3A_94, %dma_wait3A_95] : memref<10008x128xf32, #tpu.memory_space<vmem_shared>> -> memref<16x128xf32, #tpu.memory_space<vmem_shared>>
        tpu.wait_dma2 semaphore(%run_scoped3A : memref<!tpu.dma_semaphore, #tpu.memory_space<semaphore_mem>>) src(%dma_wait3A_96 : memref<16x128xf32, #tpu.memory_space<vmem_shared>>) dst(%dma_wait3A_93 : memref<16x128xf32, #tpu.memory_space<hbm>>)
        tpu.yield
      }) : () -> ()
      "tpu.region"() ({
        %run_scoped3A = tpu.sem_alloc : memref<!tpu.dma_semaphore, #tpu.memory_space<semaphore_mem>>
        %dma_start3A_88 = arith.constant 0 : i32
        %dma_start3A_89 = tpu.memref_slice %arg14[%dma_start3A_88] : memref<624xf32, #tpu.memory_space<vmem>> -> memref<16xf32, #tpu.memory_space<vmem>>
        %dma_start3A_90 = arith.constant 9984 : i32
        %dma_start3A_91 = tpu.memref_slice %arg16[%dma_start3A_90] : memref<10008xf32, #tpu.memory_space<vmem_shared>> -> memref<16xf32, #tpu.memory_space<vmem_shared>>
        %dma_start3A_92 = arith.constant 0 : i32
        %dma_start3A_93 = tpu.memref_slice %arg14[%dma_start3A_92] : memref<624xf32, #tpu.memory_space<vmem>> -> memref<16xf32, #tpu.memory_space<vmem>>
        %dma_start3A_94 = arith.constant 9984 : i32
        %dma_start3A_95 = tpu.memref_slice %arg16[%dma_start3A_94] : memref<10008xf32, #tpu.memory_space<vmem_shared>> -> memref<16xf32, #tpu.memory_space<vmem_shared>>
        tpu.enqueue_dma source(%dma_start3A_95 : memref<16xf32, #tpu.memory_space<vmem_shared>>) target(%dma_start3A_93 : memref<16xf32, #tpu.memory_space<vmem>>) target_semaphore(%run_scoped3A : memref<!tpu.dma_semaphore, #tpu.memory_space<semaphore_mem>>)
        %dma_wait3A = arith.constant 0 : i32
        %dma_wait3A_96 = tpu.memref_slice %arg14[%dma_wait3A] : memref<624xf32, #tpu.memory_space<vmem>> -> memref<16xf32, #tpu.memory_space<vmem>>
        %dma_wait3A_97 = arith.constant 9984 : i32
        %dma_wait3A_98 = tpu.memref_slice %arg16[%dma_wait3A_97] : memref<10008xf32, #tpu.memory_space<vmem_shared>> -> memref<16xf32, #tpu.memory_space<vmem_shared>>
        %dma_wait3A_99 = arith.constant 0 : i32
        %dma_wait3A_100 = tpu.memref_slice %arg14[%dma_wait3A_99] : memref<624xf32, #tpu.memory_space<vmem>> -> memref<16xf32, #tpu.memory_space<vmem>>
        %dma_wait3A_101 = arith.constant 9984 : i32
        %dma_wait3A_102 = tpu.memref_slice %arg16[%dma_wait3A_101] : memref<10008xf32, #tpu.memory_space<vmem_shared>> -> memref<16xf32, #tpu.memory_space<vmem_shared>>
        tpu.wait_dma2 semaphore(%run_scoped3A : memref<!tpu.dma_semaphore, #tpu.memory_space<semaphore_mem>>) src(%dma_wait3A_102 : memref<16xf32, #tpu.memory_space<vmem_shared>>) dst(%dma_wait3A_100 : memref<16xf32, #tpu.memory_space<vmem>>)
        tpu.yield
      }) : () -> ()
      %mul3A_84 = arith.constant 10240 : i32
      %mul3A_85 = arith.muli %arg0, %mul3A_84 : i32
      %add3A_86 = arith.constant 9984 : i32
      %add3A_87 = arith.addi %mul3A_85, %add3A_86 : i32
      "tpu.region"() ({
        %run_scoped3A = tpu.sem_alloc : memref<!tpu.dma_semaphore, #tpu.memory_space<semaphore_mem>>
        %dma_start3A_88 = arith.constant 0 : i32
        %dma_start3A_89 = tpu.memref_slice %arg14[%dma_start3A_88] : memref<624xf32, #tpu.memory_space<vmem>> -> memref<16xf32, #tpu.memory_space<vmem>>
        %dma_start3A_90 = tpu.memref_slice %arg8[%add3A_87] : memref<20480xf32, #tpu.memory_space<hbm>> -> memref<16xf32, #tpu.memory_space<hbm>>
        %dma_start3A_91 = tpu.memref_slice %arg8[%add3A_87] : memref<20480xf32, #tpu.memory_space<hbm>> -> memref<16xf32, #tpu.memory_space<hbm>>
        %dma_start3A_92 = arith.constant 0 : i32
        %dma_start3A_93 = tpu.memref_slice %arg14[%dma_start3A_92] : memref<624xf32, #tpu.memory_space<vmem>> -> memref<16xf32, #tpu.memory_space<vmem>>
        tpu.enqueue_dma source(%dma_start3A_93 : memref<16xf32, #tpu.memory_space<vmem>>) target(%dma_start3A_91 : memref<16xf32, #tpu.memory_space<hbm>>) target_semaphore(%run_scoped3A : memref<!tpu.dma_semaphore, #tpu.memory_space<semaphore_mem>>)
        %dma_wait3A = arith.constant 0 : i32
        %dma_wait3A_94 = tpu.memref_slice %arg14[%dma_wait3A] : memref<624xf32, #tpu.memory_space<vmem>> -> memref<16xf32, #tpu.memory_space<vmem>>
        %dma_wait3A_95 = tpu.memref_slice %arg8[%add3A_87] : memref<20480xf32, #tpu.memory_space<hbm>> -> memref<16xf32, #tpu.memory_space<hbm>>
        %dma_wait3A_96 = tpu.memref_slice %arg8[%add3A_87] : memref<20480xf32, #tpu.memory_space<hbm>> -> memref<16xf32, #tpu.memory_space<hbm>>
        %dma_wait3A_97 = arith.constant 0 : i32
        %dma_wait3A_98 = tpu.memref_slice %arg14[%dma_wait3A_97] : memref<624xf32, #tpu.memory_space<vmem>> -> memref<16xf32, #tpu.memory_space<vmem>>
        tpu.wait_dma2 semaphore(%run_scoped3A : memref<!tpu.dma_semaphore, #tpu.memory_space<semaphore_mem>>) src(%dma_wait3A_98 : memref<16xf32, #tpu.memory_space<vmem>>) dst(%dma_wait3A_96 : memref<16xf32, #tpu.memory_space<hbm>>)
        tpu.yield
      }) : () -> ()
    } else {
    }
    return
  }
}

#map = affine_map<(d0, d1) -> (0, 0)>
#map1 = affine_map<(d0, d1) -> (0, 0, 0)>
module attributes {stable_mosaic.version = 14 : i64} {
  func.func @_seg_sum_body(%arg0: i32, %arg1: i32, %arg2: memref<10000x128xf32, #tpu.memory_space<hbm>>, %arg3: memref<96x28x128xi32, #tpu.memory_space<hbm>>, %arg4: memref<96x28x128xi32, #tpu.memory_space<hbm>>, %arg5: memref<10008x128xf32, #tpu.memory_space<hbm>>, %arg6: memref<20480x128xf32, #tpu.memory_space<hbm>>, %arg7: memref<28x128xi32, #tpu.memory_space<vmem>>, %arg8: memref<28x128xi32, #tpu.memory_space<vmem>>, %arg9: memref<128x128xf32, #tpu.memory_space<vmem>>, %arg10: memref<128x128xf32, #tpu.memory_space<vmem>>, %arg11: memref<10008x128xf32, #tpu.memory_space<vmem_shared>>, %arg12: memref<!tpu.dma_semaphore, #tpu.memory_space<semaphore_mem>>) attributes {dimension_semantics = [#tpu.dimension_semantics<core_parallel>, #tpu.dimension_semantics<subcore_parallel>], iteration_bounds = array<i64: 2, 16>, scalar_prefetch = 0 : i64, scratch_operands = 6 : i64, tpu.core_type = #tpu.core_type<sc_vector_subcore>, window_params = [{transform_indices = #map}, {transform_indices = #map1}, {transform_indices = #map1}, {transform_indices = #map}, {transform_indices = #map}]} {
    %mul3A = arith.constant 2 : i32
    %mul3A_0 = arith.muli %arg1, %mul3A : i32
    %add3A = arith.addi %mul3A_0, %arg0 : i32
    %mul3A_1 = arith.constant 624 : i32
    %mul3A_2 = arith.muli %arg1, %mul3A_1 : i32
    "tpu.region"() ({
      %run_scoped3A = tpu.sem_alloc : memref<!tpu.dma_semaphore, #tpu.memory_space<semaphore_mem>>
      %dma_start3A_72 = arith.constant 0 : i32
      %dma_start3A_73 = tpu.memref_slice %arg11[%mul3A_2, %dma_start3A_72] : memref<10008x128xf32, #tpu.memory_space<vmem_shared>> -> memref<624x128xf32, #tpu.memory_space<vmem_shared>>
      %dma_start3A_74 = arith.constant 0 : i32
      %dma_start3A_75 = tpu.memref_slice %arg5[%mul3A_2, %dma_start3A_74] : memref<10008x128xf32, #tpu.memory_space<hbm>> -> memref<624x128xf32, #tpu.memory_space<hbm>>
      tpu.enqueue_dma source(%dma_start3A_75 : memref<624x128xf32, #tpu.memory_space<hbm>>) target(%dma_start3A_73 : memref<624x128xf32, #tpu.memory_space<vmem_shared>>) target_semaphore(%run_scoped3A : memref<!tpu.dma_semaphore, #tpu.memory_space<semaphore_mem>>)
      %dma_wait3A = arith.constant 0 : i32
      %dma_wait3A_76 = tpu.memref_slice %arg11[%mul3A_2, %dma_wait3A] : memref<10008x128xf32, #tpu.memory_space<vmem_shared>> -> memref<624x128xf32, #tpu.memory_space<vmem_shared>>
      %dma_wait3A_77 = arith.constant 0 : i32
      %dma_wait3A_78 = tpu.memref_slice %arg5[%mul3A_2, %dma_wait3A_77] : memref<10008x128xf32, #tpu.memory_space<hbm>> -> memref<624x128xf32, #tpu.memory_space<hbm>>
      tpu.wait_dma2 semaphore(%run_scoped3A : memref<!tpu.dma_semaphore, #tpu.memory_space<semaphore_mem>>) src(%dma_wait3A_78 : memref<624x128xf32, #tpu.memory_space<hbm>>) dst(%dma_wait3A_76 : memref<624x128xf32, #tpu.memory_space<vmem_shared>>)
      tpu.yield
    }) : () -> ()
    %eq3A = arith.constant 15 : i32
    %eq3A_3 = arith.cmpi eq, %arg1, %eq3A : i32
    %convert_element_type3A = arith.extui %eq3A_3 : i1 to i32
    %cond3A = arith.constant 0 : i32
    %cond3A_4 = arith.cmpi ne, %convert_element_type3A, %cond3A : i32
    scf.if %cond3A_4 {
      "tpu.region"() ({
        %run_scoped3A = tpu.sem_alloc : memref<!tpu.dma_semaphore, #tpu.memory_space<semaphore_mem>>
        %dma_start3A_72 = arith.constant 9984 : i32
        %dma_start3A_73 = arith.constant 0 : i32
        %dma_start3A_74 = tpu.memref_slice %arg11[%dma_start3A_72, %dma_start3A_73] : memref<10008x128xf32, #tpu.memory_space<vmem_shared>> -> memref<24x128xf32, #tpu.memory_space<vmem_shared>>
        %dma_start3A_75 = arith.constant 9984 : i32
        %dma_start3A_76 = arith.constant 0 : i32
        %dma_start3A_77 = tpu.memref_slice %arg5[%dma_start3A_75, %dma_start3A_76] : memref<10008x128xf32, #tpu.memory_space<hbm>> -> memref<24x128xf32, #tpu.memory_space<hbm>>
        tpu.enqueue_dma source(%dma_start3A_77 : memref<24x128xf32, #tpu.memory_space<hbm>>) target(%dma_start3A_74 : memref<24x128xf32, #tpu.memory_space<vmem_shared>>) target_semaphore(%run_scoped3A : memref<!tpu.dma_semaphore, #tpu.memory_space<semaphore_mem>>)
        %dma_wait3A = arith.constant 9984 : i32
        %dma_wait3A_78 = arith.constant 0 : i32
        %dma_wait3A_79 = tpu.memref_slice %arg11[%dma_wait3A, %dma_wait3A_78] : memref<10008x128xf32, #tpu.memory_space<vmem_shared>> -> memref<24x128xf32, #tpu.memory_space<vmem_shared>>
        %dma_wait3A_80 = arith.constant 9984 : i32
        %dma_wait3A_81 = arith.constant 0 : i32
        %dma_wait3A_82 = tpu.memref_slice %arg5[%dma_wait3A_80, %dma_wait3A_81] : memref<10008x128xf32, #tpu.memory_space<hbm>> -> memref<24x128xf32, #tpu.memory_space<hbm>>
        tpu.wait_dma2 semaphore(%run_scoped3A : memref<!tpu.dma_semaphore, #tpu.memory_space<semaphore_mem>>) src(%dma_wait3A_82 : memref<24x128xf32, #tpu.memory_space<hbm>>) dst(%dma_wait3A_79 : memref<24x128xf32, #tpu.memory_space<vmem_shared>>)
        tpu.yield
      }) : () -> ()
    } else {
    }
    %barrier3A = arith.constant 0 : index
    tpu.barrier barrier_id(%barrier3A)
    %mul3A_5 = arith.constant 3 : i32
    %mul3A_6 = arith.muli %mul3A_5, %add3A : i32
    %add3A_7 = arith.constant 0 : i32
    %add3A_8 = arith.addi %mul3A_6, %add3A_7 : i32
    "tpu.region"() ({
      %run_scoped3A = tpu.sem_alloc : memref<!tpu.dma_semaphore, #tpu.memory_space<semaphore_mem>>
      %dma_start3A_72 = arith.constant 0 : i32
      %dma_start3A_73 = arith.constant 0 : i32
      %dma_start3A_74 = tpu.memref_slice %arg3[%add3A_8, %dma_start3A_72, %dma_start3A_73] : memref<96x28x128xi32, #tpu.memory_space<hbm>> -> memref<1x28x128xi32, #tpu.memory_space<hbm>>
      %dma_start3A_75 = tpu.memref_squeeze %dma_start3A_74 : memref<1x28x128xi32, #tpu.memory_space<hbm>> -> memref<28x128xi32, #tpu.memory_space<hbm>>
      %dma_start3A_76 = arith.constant 0 : i32
      %dma_start3A_77 = arith.constant 0 : i32
      %dma_start3A_78 = tpu.memref_slice %arg3[%add3A_8, %dma_start3A_76, %dma_start3A_77] : memref<96x28x128xi32, #tpu.memory_space<hbm>> -> memref<1x28x128xi32, #tpu.memory_space<hbm>>
      %dma_start3A_79 = tpu.memref_squeeze %dma_start3A_78 : memref<1x28x128xi32, #tpu.memory_space<hbm>> -> memref<28x128xi32, #tpu.memory_space<hbm>>
      tpu.enqueue_dma source(%dma_start3A_79 : memref<28x128xi32, #tpu.memory_space<hbm>>) target(%arg7 : memref<28x128xi32, #tpu.memory_space<vmem>>) target_semaphore(%run_scoped3A : memref<!tpu.dma_semaphore, #tpu.memory_space<semaphore_mem>>)
      %dma_wait3A = arith.constant 0 : i32
      %dma_wait3A_80 = arith.constant 0 : i32
      %dma_wait3A_81 = tpu.memref_slice %arg3[%add3A_8, %dma_wait3A, %dma_wait3A_80] : memref<96x28x128xi32, #tpu.memory_space<hbm>> -> memref<1x28x128xi32, #tpu.memory_space<hbm>>
      %dma_wait3A_82 = tpu.memref_squeeze %dma_wait3A_81 : memref<1x28x128xi32, #tpu.memory_space<hbm>> -> memref<28x128xi32, #tpu.memory_space<hbm>>
      %dma_wait3A_83 = arith.constant 0 : i32
      %dma_wait3A_84 = arith.constant 0 : i32
      %dma_wait3A_85 = tpu.memref_slice %arg3[%add3A_8, %dma_wait3A_83, %dma_wait3A_84] : memref<96x28x128xi32, #tpu.memory_space<hbm>> -> memref<1x28x128xi32, #tpu.memory_space<hbm>>
      %dma_wait3A_86 = tpu.memref_squeeze %dma_wait3A_85 : memref<1x28x128xi32, #tpu.memory_space<hbm>> -> memref<28x128xi32, #tpu.memory_space<hbm>>
      tpu.wait_dma2 semaphore(%run_scoped3A : memref<!tpu.dma_semaphore, #tpu.memory_space<semaphore_mem>>) src(%dma_wait3A_86 : memref<28x128xi32, #tpu.memory_space<hbm>>) dst(%arg7 : memref<28x128xi32, #tpu.memory_space<vmem>>)
      tpu.yield
    }) : () -> ()
    %mul3A_9 = arith.constant 3 : i32
    %mul3A_10 = arith.muli %mul3A_9, %add3A : i32
    %add3A_11 = arith.constant 0 : i32
    %add3A_12 = arith.addi %mul3A_10, %add3A_11 : i32
    "tpu.region"() ({
      %run_scoped3A = tpu.sem_alloc : memref<!tpu.dma_semaphore, #tpu.memory_space<semaphore_mem>>
      %dma_start3A_72 = arith.constant 0 : i32
      %dma_start3A_73 = arith.constant 0 : i32
      %dma_start3A_74 = tpu.memref_slice %arg4[%add3A_12, %dma_start3A_72, %dma_start3A_73] : memref<96x28x128xi32, #tpu.memory_space<hbm>> -> memref<1x28x128xi32, #tpu.memory_space<hbm>>
      %dma_start3A_75 = tpu.memref_squeeze %dma_start3A_74 : memref<1x28x128xi32, #tpu.memory_space<hbm>> -> memref<28x128xi32, #tpu.memory_space<hbm>>
      %dma_start3A_76 = arith.constant 0 : i32
      %dma_start3A_77 = arith.constant 0 : i32
      %dma_start3A_78 = tpu.memref_slice %arg4[%add3A_12, %dma_start3A_76, %dma_start3A_77] : memref<96x28x128xi32, #tpu.memory_space<hbm>> -> memref<1x28x128xi32, #tpu.memory_space<hbm>>
      %dma_start3A_79 = tpu.memref_squeeze %dma_start3A_78 : memref<1x28x128xi32, #tpu.memory_space<hbm>> -> memref<28x128xi32, #tpu.memory_space<hbm>>
      tpu.enqueue_dma source(%dma_start3A_79 : memref<28x128xi32, #tpu.memory_space<hbm>>) target(%arg8 : memref<28x128xi32, #tpu.memory_space<vmem>>) target_semaphore(%run_scoped3A : memref<!tpu.dma_semaphore, #tpu.memory_space<semaphore_mem>>)
      %dma_wait3A = arith.constant 0 : i32
      %dma_wait3A_80 = arith.constant 0 : i32
      %dma_wait3A_81 = tpu.memref_slice %arg4[%add3A_12, %dma_wait3A, %dma_wait3A_80] : memref<96x28x128xi32, #tpu.memory_space<hbm>> -> memref<1x28x128xi32, #tpu.memory_space<hbm>>
      %dma_wait3A_82 = tpu.memref_squeeze %dma_wait3A_81 : memref<1x28x128xi32, #tpu.memory_space<hbm>> -> memref<28x128xi32, #tpu.memory_space<hbm>>
      %dma_wait3A_83 = arith.constant 0 : i32
      %dma_wait3A_84 = arith.constant 0 : i32
      %dma_wait3A_85 = tpu.memref_slice %arg4[%add3A_12, %dma_wait3A_83, %dma_wait3A_84] : memref<96x28x128xi32, #tpu.memory_space<hbm>> -> memref<1x28x128xi32, #tpu.memory_space<hbm>>
      %dma_wait3A_86 = tpu.memref_squeeze %dma_wait3A_85 : memref<1x28x128xi32, #tpu.memory_space<hbm>> -> memref<28x128xi32, #tpu.memory_space<hbm>>
      tpu.wait_dma2 semaphore(%run_scoped3A : memref<!tpu.dma_semaphore, #tpu.memory_space<semaphore_mem>>) src(%dma_wait3A_86 : memref<28x128xi32, #tpu.memory_space<hbm>>) dst(%arg8 : memref<28x128xi32, #tpu.memory_space<vmem>>)
      tpu.yield
    }) : () -> ()
    %dma_start3A = arith.constant 0 : i32
    %dma_start3A_13 = arith.constant 0 : i32
    %dma_start3A_14 = tpu.memref_slice %arg7[%dma_start3A, %dma_start3A_13] : memref<28x128xi32, #tpu.memory_space<vmem>> -> memref<1x128xi32, #tpu.memory_space<vmem>>
    %dma_start3A_15 = tpu.memref_squeeze %dma_start3A_14 : memref<1x128xi32, #tpu.memory_space<vmem>> -> memref<128xi32, #tpu.memory_space<vmem>>
    %dma_start3A_16 = arith.constant 0 : i32
    %dma_start3A_17 = arith.constant 0 : i32
    %dma_start3A_18 = tpu.memref_slice %arg2[%dma_start3A_16, %dma_start3A_17] : memref<10000x128xf32, #tpu.memory_space<hbm>> -> memref<10000x128xf32, #tpu.memory_space<hbm>>
    tpu.enqueue_indirect_dma source(%dma_start3A_18 : memref<10000x128xf32, #tpu.memory_space<hbm>>) target(%arg9 : memref<128x128xf32, #tpu.memory_space<vmem>>) offsets(%dma_start3A_15 : memref<128xi32, #tpu.memory_space<vmem>>) semaphore(%arg12 : memref<!tpu.dma_semaphore, #tpu.memory_space<semaphore_mem>>)
    %scan3A = arith.constant 0 : i32
    %scan3A_19 = arith.constant 14 : i32
    %scan3A_20 = arith.addi %scan3A, %scan3A_19 : i32
    %scan3A_21 = arith.constant 1 : i32
    scf.for %scan3A_72 = %scan3A to %scan3A_20 step %scan3A_21  : i32 {
      %mul3A_73 = arith.constant 1 : i32
      %mul3A_74 = arith.muli %scan3A_72, %mul3A_73 : i32
      %add3A_75 = arith.constant 0 : i32
      %add3A_76 = arith.addi %add3A_75, %mul3A_74 : i32
      %mul3A_77 = arith.constant 2 : i32
      %mul3A_78 = arith.muli %mul3A_77, %add3A_76 : i32
      %add3A_79 = arith.constant 1 : i32
      %add3A_80 = arith.addi %mul3A_78, %add3A_79 : i32
      %dma_wait3A = arith.constant 0 : i32
      %dma_wait3A_81 = arith.constant 0 : i32
      %dma_wait3A_82 = tpu.memref_slice %arg2[%dma_wait3A, %dma_wait3A_81] : memref<10000x128xf32, #tpu.memory_space<hbm>> -> memref<128x128xf32, #tpu.memory_space<hbm>>
      %dma_wait3A_83 = arith.constant 0 : i32
      %dma_wait3A_84 = arith.constant 0 : i32
      %dma_wait3A_85 = tpu.memref_slice %arg2[%dma_wait3A_83, %dma_wait3A_84] : memref<10000x128xf32, #tpu.memory_space<hbm>> -> memref<128x128xf32, #tpu.memory_space<hbm>>
      tpu.wait_dma2 semaphore(%arg12 : memref<!tpu.dma_semaphore, #tpu.memory_space<semaphore_mem>>) src(%dma_wait3A_85 : memref<128x128xf32, #tpu.memory_space<hbm>>) dst(%arg9 : memref<128x128xf32, #tpu.memory_space<vmem>>)
      %dma_start3A_86 = arith.constant 0 : i32
      %dma_start3A_87 = tpu.memref_slice %arg7[%add3A_80, %dma_start3A_86] : memref<28x128xi32, #tpu.memory_space<vmem>> -> memref<1x128xi32, #tpu.memory_space<vmem>>
      %dma_start3A_88 = tpu.memref_squeeze %dma_start3A_87 : memref<1x128xi32, #tpu.memory_space<vmem>> -> memref<128xi32, #tpu.memory_space<vmem>>
      %dma_start3A_89 = arith.constant 0 : i32
      %dma_start3A_90 = arith.constant 0 : i32
      %dma_start3A_91 = tpu.memref_slice %arg2[%dma_start3A_89, %dma_start3A_90] : memref<10000x128xf32, #tpu.memory_space<hbm>> -> memref<10000x128xf32, #tpu.memory_space<hbm>>
      tpu.enqueue_indirect_dma source(%dma_start3A_91 : memref<10000x128xf32, #tpu.memory_space<hbm>>) target(%arg10 : memref<128x128xf32, #tpu.memory_space<vmem>>) offsets(%dma_start3A_88 : memref<128xi32, #tpu.memory_space<vmem>>) semaphore(%arg12 : memref<!tpu.dma_semaphore, #tpu.memory_space<semaphore_mem>>)
      "tpu.region"() ({
        %run_scoped3A = tpu.sem_alloc : memref<!tpu.dma_semaphore, #tpu.memory_space<semaphore_mem>>
        %dma_start3A_104 = arith.constant 0 : i32
        %dma_start3A_105 = tpu.memref_slice %arg8[%mul3A_78, %dma_start3A_104] : memref<28x128xi32, #tpu.memory_space<vmem>> -> memref<1x128xi32, #tpu.memory_space<vmem>>
        %dma_start3A_106 = tpu.memref_squeeze %dma_start3A_105 : memref<1x128xi32, #tpu.memory_space<vmem>> -> memref<128xi32, #tpu.memory_space<vmem>>
        %dma_start3A_107 = arith.constant 0 : i32
        %dma_start3A_108 = arith.constant 0 : i32
        %dma_start3A_109 = tpu.memref_slice %arg11[%dma_start3A_107, %dma_start3A_108] : memref<10008x128xf32, #tpu.memory_space<vmem_shared>> -> memref<10008x128xf32, #tpu.memory_space<vmem_shared>>
        tpu.enqueue_indirect_dma source(%arg9 : memref<128x128xf32, #tpu.memory_space<vmem>>) target(%dma_start3A_109 : memref<10008x128xf32, #tpu.memory_space<vmem_shared>>) offsets(%dma_start3A_106 : memref<128xi32, #tpu.memory_space<vmem>>) semaphore(%run_scoped3A : memref<!tpu.dma_semaphore, #tpu.memory_space<semaphore_mem>>) {add = true}
        %dma_wait3A_110 = arith.constant 0 : i32
        %dma_wait3A_111 = tpu.memref_slice %arg8[%mul3A_78, %dma_wait3A_110] : memref<28x128xi32, #tpu.memory_space<vmem>> -> memref<1x128xi32, #tpu.memory_space<vmem>>
        %dma_wait3A_112 = tpu.memref_squeeze %dma_wait3A_111 : memref<1x128xi32, #tpu.memory_space<vmem>> -> memref<128xi32, #tpu.memory_space<vmem>>
        %dma_wait3A_113 = arith.constant 0 : i32
        %dma_wait3A_114 = arith.constant 0 : i32
        %dma_wait3A_115 = tpu.memref_slice %arg11[%dma_wait3A_113, %dma_wait3A_114] : memref<10008x128xf32, #tpu.memory_space<vmem_shared>> -> memref<10008x128xf32, #tpu.memory_space<vmem_shared>>
        tpu.wait_indirect_dma semaphore(%run_scoped3A : memref<!tpu.dma_semaphore, #tpu.memory_space<semaphore_mem>>) src(%arg9 : memref<128x128xf32, #tpu.memory_space<vmem>>) dst(%dma_wait3A_115 : memref<10008x128xf32, #tpu.memory_space<vmem_shared>>)
        tpu.yield
      }) : () -> ()
      %dma_wait3A_92 = arith.constant 0 : i32
      %dma_wait3A_93 = tpu.memref_slice %arg7[%add3A_80, %dma_wait3A_92] : memref<28x128xi32, #tpu.memory_space<vmem>> -> memref<1x128xi32, #tpu.memory_space<vmem>>
      %dma_wait3A_94 = tpu.memref_squeeze %dma_wait3A_93 : memref<1x128xi32, #tpu.memory_space<vmem>> -> memref<128xi32, #tpu.memory_space<vmem>>
      %dma_wait3A_95 = arith.constant 0 : i32
      %dma_wait3A_96 = arith.constant 0 : i32
      %dma_wait3A_97 = tpu.memref_slice %arg2[%dma_wait3A_95, %dma_wait3A_96] : memref<10000x128xf32, #tpu.memory_space<hbm>> -> memref<10000x128xf32, #tpu.memory_space<hbm>>
      tpu.wait_indirect_dma semaphore(%arg12 : memref<!tpu.dma_semaphore, #tpu.memory_space<semaphore_mem>>) src(%dma_wait3A_97 : memref<10000x128xf32, #tpu.memory_space<hbm>>) dst(%arg10 : memref<128x128xf32, #tpu.memory_space<vmem>>)
      %add3A_98 = arith.constant 1 : i32
      %add3A_99 = arith.addi %add3A_80, %add3A_98 : i32
      %lt3A = arith.constant 28 : i32
      %lt3A_100 = arith.cmpi slt, %add3A_99, %lt3A : i32
      %convert_element_type3A_101 = arith.extui %lt3A_100 : i1 to i32
      %cond3A_102 = arith.constant 0 : i32
      %cond3A_103 = arith.cmpi ne, %convert_element_type3A_101, %cond3A_102 : i32
      scf.if %cond3A_103 {
        %add3A_104 = arith.constant 1 : i32
        %add3A_105 = arith.addi %add3A_80, %add3A_104 : i32
        %dma_start3A_106 = arith.constant 0 : i32
        %dma_start3A_107 = tpu.memref_slice %arg7[%add3A_105, %dma_start3A_106] : memref<28x128xi32, #tpu.memory_space<vmem>> -> memref<1x128xi32, #tpu.memory_space<vmem>>
        %dma_start3A_108 = tpu.memref_squeeze %dma_start3A_107 : memref<1x128xi32, #tpu.memory_space<vmem>> -> memref<128xi32, #tpu.memory_space<vmem>>
        %dma_start3A_109 = arith.constant 0 : i32
        %dma_start3A_110 = arith.constant 0 : i32
        %dma_start3A_111 = tpu.memref_slice %arg2[%dma_start3A_109, %dma_start3A_110] : memref<10000x128xf32, #tpu.memory_space<hbm>> -> memref<10000x128xf32, #tpu.memory_space<hbm>>
        tpu.enqueue_indirect_dma source(%dma_start3A_111 : memref<10000x128xf32, #tpu.memory_space<hbm>>) target(%arg9 : memref<128x128xf32, #tpu.memory_space<vmem>>) offsets(%dma_start3A_108 : memref<128xi32, #tpu.memory_space<vmem>>) semaphore(%arg12 : memref<!tpu.dma_semaphore, #tpu.memory_space<semaphore_mem>>)
      } else {
      }
      "tpu.region"() ({
        %run_scoped3A = tpu.sem_alloc : memref<!tpu.dma_semaphore, #tpu.memory_space<semaphore_mem>>
        %dma_start3A_104 = arith.constant 0 : i32
        %dma_start3A_105 = tpu.memref_slice %arg8[%add3A_80, %dma_start3A_104] : memref<28x128xi32, #tpu.memory_space<vmem>> -> memref<1x128xi32, #tpu.memory_space<vmem>>
        %dma_start3A_106 = tpu.memref_squeeze %dma_start3A_105 : memref<1x128xi32, #tpu.memory_space<vmem>> -> memref<128xi32, #tpu.memory_space<vmem>>
        %dma_start3A_107 = arith.constant 0 : i32
        %dma_start3A_108 = arith.constant 0 : i32
        %dma_start3A_109 = tpu.memref_slice %arg11[%dma_start3A_107, %dma_start3A_108] : memref<10008x128xf32, #tpu.memory_space<vmem_shared>> -> memref<10008x128xf32, #tpu.memory_space<vmem_shared>>
        tpu.enqueue_indirect_dma source(%arg10 : memref<128x128xf32, #tpu.memory_space<vmem>>) target(%dma_start3A_109 : memref<10008x128xf32, #tpu.memory_space<vmem_shared>>) offsets(%dma_start3A_106 : memref<128xi32, #tpu.memory_space<vmem>>) semaphore(%run_scoped3A : memref<!tpu.dma_semaphore, #tpu.memory_space<semaphore_mem>>) {add = true}
        %dma_wait3A_110 = arith.constant 0 : i32
        %dma_wait3A_111 = tpu.memref_slice %arg8[%add3A_80, %dma_wait3A_110] : memref<28x128xi32, #tpu.memory_space<vmem>> -> memref<1x128xi32, #tpu.memory_space<vmem>>
        %dma_wait3A_112 = tpu.memref_squeeze %dma_wait3A_111 : memref<1x128xi32, #tpu.memory_space<vmem>> -> memref<128xi32, #tpu.memory_space<vmem>>
        %dma_wait3A_113 = arith.constant 0 : i32
        %dma_wait3A_114 = arith.constant 0 : i32
        %dma_wait3A_115 = tpu.memref_slice %arg11[%dma_wait3A_113, %dma_wait3A_114] : memref<10008x128xf32, #tpu.memory_space<vmem_shared>> -> memref<10008x128xf32, #tpu.memory_space<vmem_shared>>
        tpu.wait_indirect_dma semaphore(%run_scoped3A : memref<!tpu.dma_semaphore, #tpu.memory_space<semaphore_mem>>) src(%arg10 : memref<128x128xf32, #tpu.memory_space<vmem>>) dst(%dma_wait3A_115 : memref<10008x128xf32, #tpu.memory_space<vmem_shared>>)
        tpu.yield
      }) : () -> ()
    }
    %scan3A_22 = arith.constant 14 : i32
    %mul3A_23 = arith.constant 3 : i32
    %mul3A_24 = arith.muli %mul3A_23, %add3A : i32
    %add3A_25 = arith.constant 1 : i32
    %add3A_26 = arith.addi %mul3A_24, %add3A_25 : i32
    "tpu.region"() ({
      %run_scoped3A = tpu.sem_alloc : memref<!tpu.dma_semaphore, #tpu.memory_space<semaphore_mem>>
      %dma_start3A_72 = arith.constant 0 : i32
      %dma_start3A_73 = arith.constant 0 : i32
      %dma_start3A_74 = tpu.memref_slice %arg3[%add3A_26, %dma_start3A_72, %dma_start3A_73] : memref<96x28x128xi32, #tpu.memory_space<hbm>> -> memref<1x28x128xi32, #tpu.memory_space<hbm>>
      %dma_start3A_75 = tpu.memref_squeeze %dma_start3A_74 : memref<1x28x128xi32, #tpu.memory_space<hbm>> -> memref<28x128xi32, #tpu.memory_space<hbm>>
      %dma_start3A_76 = arith.constant 0 : i32
      %dma_start3A_77 = arith.constant 0 : i32
      %dma_start3A_78 = tpu.memref_slice %arg3[%add3A_26, %dma_start3A_76, %dma_start3A_77] : memref<96x28x128xi32, #tpu.memory_space<hbm>> -> memref<1x28x128xi32, #tpu.memory_space<hbm>>
      %dma_start3A_79 = tpu.memref_squeeze %dma_start3A_78 : memref<1x28x128xi32, #tpu.memory_space<hbm>> -> memref<28x128xi32, #tpu.memory_space<hbm>>
      tpu.enqueue_dma source(%dma_start3A_79 : memref<28x128xi32, #tpu.memory_space<hbm>>) target(%arg7 : memref<28x128xi32, #tpu.memory_space<vmem>>) target_semaphore(%run_scoped3A : memref<!tpu.dma_semaphore, #tpu.memory_space<semaphore_mem>>)
      %dma_wait3A = arith.constant 0 : i32
      %dma_wait3A_80 = arith.constant 0 : i32
      %dma_wait3A_81 = tpu.memref_slice %arg3[%add3A_26, %dma_wait3A, %dma_wait3A_80] : memref<96x28x128xi32, #tpu.memory_space<hbm>> -> memref<1x28x128xi32, #tpu.memory_space<hbm>>
      %dma_wait3A_82 = tpu.memref_squeeze %dma_wait3A_81 : memref<1x28x128xi32, #tpu.memory_space<hbm>> -> memref<28x128xi32, #tpu.memory_space<hbm>>
      %dma_wait3A_83 = arith.constant 0 : i32
      %dma_wait3A_84 = arith.constant 0 : i32
      %dma_wait3A_85 = tpu.memref_slice %arg3[%add3A_26, %dma_wait3A_83, %dma_wait3A_84] : memref<96x28x128xi32, #tpu.memory_space<hbm>> -> memref<1x28x128xi32, #tpu.memory_space<hbm>>
      %dma_wait3A_86 = tpu.memref_squeeze %dma_wait3A_85 : memref<1x28x128xi32, #tpu.memory_space<hbm>> -> memref<28x128xi32, #tpu.memory_space<hbm>>
      tpu.wait_dma2 semaphore(%run_scoped3A : memref<!tpu.dma_semaphore, #tpu.memory_space<semaphore_mem>>) src(%dma_wait3A_86 : memref<28x128xi32, #tpu.memory_space<hbm>>) dst(%arg7 : memref<28x128xi32, #tpu.memory_space<vmem>>)
      tpu.yield
    }) : () -> ()
    %mul3A_27 = arith.constant 3 : i32
    %mul3A_28 = arith.muli %mul3A_27, %add3A : i32
    %add3A_29 = arith.constant 1 : i32
    %add3A_30 = arith.addi %mul3A_28, %add3A_29 : i32
    "tpu.region"() ({
      %run_scoped3A = tpu.sem_alloc : memref<!tpu.dma_semaphore, #tpu.memory_space<semaphore_mem>>
      %dma_start3A_72 = arith.constant 0 : i32
      %dma_start3A_73 = arith.constant 0 : i32
      %dma_start3A_74 = tpu.memref_slice %arg4[%add3A_30, %dma_start3A_72, %dma_start3A_73] : memref<96x28x128xi32, #tpu.memory_space<hbm>> -> memref<1x28x128xi32, #tpu.memory_space<hbm>>
      %dma_start3A_75 = tpu.memref_squeeze %dma_start3A_74 : memref<1x28x128xi32, #tpu.memory_space<hbm>> -> memref<28x128xi32, #tpu.memory_space<hbm>>
      %dma_start3A_76 = arith.constant 0 : i32
      %dma_start3A_77 = arith.constant 0 : i32
      %dma_start3A_78 = tpu.memref_slice %arg4[%add3A_30, %dma_start3A_76, %dma_start3A_77] : memref<96x28x128xi32, #tpu.memory_space<hbm>> -> memref<1x28x128xi32, #tpu.memory_space<hbm>>
      %dma_start3A_79 = tpu.memref_squeeze %dma_start3A_78 : memref<1x28x128xi32, #tpu.memory_space<hbm>> -> memref<28x128xi32, #tpu.memory_space<hbm>>
      tpu.enqueue_dma source(%dma_start3A_79 : memref<28x128xi32, #tpu.memory_space<hbm>>) target(%arg8 : memref<28x128xi32, #tpu.memory_space<vmem>>) target_semaphore(%run_scoped3A : memref<!tpu.dma_semaphore, #tpu.memory_space<semaphore_mem>>)
      %dma_wait3A = arith.constant 0 : i32
      %dma_wait3A_80 = arith.constant 0 : i32
      %dma_wait3A_81 = tpu.memref_slice %arg4[%add3A_30, %dma_wait3A, %dma_wait3A_80] : memref<96x28x128xi32, #tpu.memory_space<hbm>> -> memref<1x28x128xi32, #tpu.memory_space<hbm>>
      %dma_wait3A_82 = tpu.memref_squeeze %dma_wait3A_81 : memref<1x28x128xi32, #tpu.memory_space<hbm>> -> memref<28x128xi32, #tpu.memory_space<hbm>>
      %dma_wait3A_83 = arith.constant 0 : i32
      %dma_wait3A_84 = arith.constant 0 : i32
      %dma_wait3A_85 = tpu.memref_slice %arg4[%add3A_30, %dma_wait3A_83, %dma_wait3A_84] : memref<96x28x128xi32, #tpu.memory_space<hbm>> -> memref<1x28x128xi32, #tpu.memory_space<hbm>>
      %dma_wait3A_86 = tpu.memref_squeeze %dma_wait3A_85 : memref<1x28x128xi32, #tpu.memory_space<hbm>> -> memref<28x128xi32, #tpu.memory_space<hbm>>
      tpu.wait_dma2 semaphore(%run_scoped3A : memref<!tpu.dma_semaphore, #tpu.memory_space<semaphore_mem>>) src(%dma_wait3A_86 : memref<28x128xi32, #tpu.memory_space<hbm>>) dst(%arg8 : memref<28x128xi32, #tpu.memory_space<vmem>>)
      tpu.yield
    }) : () -> ()
    %dma_start3A_31 = arith.constant 0 : i32
    %dma_start3A_32 = arith.constant 0 : i32
    %dma_start3A_33 = tpu.memref_slice %arg7[%dma_start3A_31, %dma_start3A_32] : memref<28x128xi32, #tpu.memory_space<vmem>> -> memref<1x128xi32, #tpu.memory_space<vmem>>
    %dma_start3A_34 = tpu.memref_squeeze %dma_start3A_33 : memref<1x128xi32, #tpu.memory_space<vmem>> -> memref<128xi32, #tpu.memory_space<vmem>>
    %dma_start3A_35 = arith.constant 0 : i32
    %dma_start3A_36 = arith.constant 0 : i32
    %dma_start3A_37 = tpu.memref_slice %arg2[%dma_start3A_35, %dma_start3A_36] : memref<10000x128xf32, #tpu.memory_space<hbm>> -> memref<10000x128xf32, #tpu.memory_space<hbm>>
    tpu.enqueue_indirect_dma source(%dma_start3A_37 : memref<10000x128xf32, #tpu.memory_space<hbm>>) target(%arg9 : memref<128x128xf32, #tpu.memory_space<vmem>>) offsets(%dma_start3A_34 : memref<128xi32, #tpu.memory_space<vmem>>) semaphore(%arg12 : memref<!tpu.dma_semaphore, #tpu.memory_space<semaphore_mem>>)
    %scan3A_38 = arith.constant 0 : i32
    %scan3A_39 = arith.constant 14 : i32
    %scan3A_40 = arith.addi %scan3A_38, %scan3A_39 : i32
    %scan3A_41 = arith.constant 1 : i32
    scf.for %scan3A_72 = %scan3A_38 to %scan3A_40 step %scan3A_41  : i32 {
      %mul3A_73 = arith.constant 1 : i32
      %mul3A_74 = arith.muli %scan3A_72, %mul3A_73 : i32
      %add3A_75 = arith.constant 0 : i32
      %add3A_76 = arith.addi %add3A_75, %mul3A_74 : i32
      %mul3A_77 = arith.constant 2 : i32
      %mul3A_78 = arith.muli %mul3A_77, %add3A_76 : i32
      %add3A_79 = arith.constant 1 : i32
      %add3A_80 = arith.addi %mul3A_78, %add3A_79 : i32
      %dma_wait3A = arith.constant 0 : i32
      %dma_wait3A_81 = arith.constant 0 : i32
      %dma_wait3A_82 = tpu.memref_slice %arg2[%dma_wait3A, %dma_wait3A_81] : memref<10000x128xf32, #tpu.memory_space<hbm>> -> memref<128x128xf32, #tpu.memory_space<hbm>>
      %dma_wait3A_83 = arith.constant 0 : i32
      %dma_wait3A_84 = arith.constant 0 : i32
      %dma_wait3A_85 = tpu.memref_slice %arg2[%dma_wait3A_83, %dma_wait3A_84] : memref<10000x128xf32, #tpu.memory_space<hbm>> -> memref<128x128xf32, #tpu.memory_space<hbm>>
      tpu.wait_dma2 semaphore(%arg12 : memref<!tpu.dma_semaphore, #tpu.memory_space<semaphore_mem>>) src(%dma_wait3A_85 : memref<128x128xf32, #tpu.memory_space<hbm>>) dst(%arg9 : memref<128x128xf32, #tpu.memory_space<vmem>>)
      %dma_start3A_86 = arith.constant 0 : i32
      %dma_start3A_87 = tpu.memref_slice %arg7[%add3A_80, %dma_start3A_86] : memref<28x128xi32, #tpu.memory_space<vmem>> -> memref<1x128xi32, #tpu.memory_space<vmem>>
      %dma_start3A_88 = tpu.memref_squeeze %dma_start3A_87 : memref<1x128xi32, #tpu.memory_space<vmem>> -> memref<128xi32, #tpu.memory_space<vmem>>
      %dma_start3A_89 = arith.constant 0 : i32
      %dma_start3A_90 = arith.constant 0 : i32
      %dma_start3A_91 = tpu.memref_slice %arg2[%dma_start3A_89, %dma_start3A_90] : memref<10000x128xf32, #tpu.memory_space<hbm>> -> memref<10000x128xf32, #tpu.memory_space<hbm>>
      tpu.enqueue_indirect_dma source(%dma_start3A_91 : memref<10000x128xf32, #tpu.memory_space<hbm>>) target(%arg10 : memref<128x128xf32, #tpu.memory_space<vmem>>) offsets(%dma_start3A_88 : memref<128xi32, #tpu.memory_space<vmem>>) semaphore(%arg12 : memref<!tpu.dma_semaphore, #tpu.memory_space<semaphore_mem>>)
      "tpu.region"() ({
        %run_scoped3A = tpu.sem_alloc : memref<!tpu.dma_semaphore, #tpu.memory_space<semaphore_mem>>
        %dma_start3A_104 = arith.constant 0 : i32
        %dma_start3A_105 = tpu.memref_slice %arg8[%mul3A_78, %dma_start3A_104] : memref<28x128xi32, #tpu.memory_space<vmem>> -> memref<1x128xi32, #tpu.memory_space<vmem>>
        %dma_start3A_106 = tpu.memref_squeeze %dma_start3A_105 : memref<1x128xi32, #tpu.memory_space<vmem>> -> memref<128xi32, #tpu.memory_space<vmem>>
        %dma_start3A_107 = arith.constant 0 : i32
        %dma_start3A_108 = arith.constant 0 : i32
        %dma_start3A_109 = tpu.memref_slice %arg11[%dma_start3A_107, %dma_start3A_108] : memref<10008x128xf32, #tpu.memory_space<vmem_shared>> -> memref<10008x128xf32, #tpu.memory_space<vmem_shared>>
        tpu.enqueue_indirect_dma source(%arg9 : memref<128x128xf32, #tpu.memory_space<vmem>>) target(%dma_start3A_109 : memref<10008x128xf32, #tpu.memory_space<vmem_shared>>) offsets(%dma_start3A_106 : memref<128xi32, #tpu.memory_space<vmem>>) semaphore(%run_scoped3A : memref<!tpu.dma_semaphore, #tpu.memory_space<semaphore_mem>>) {add = true}
        %dma_wait3A_110 = arith.constant 0 : i32
        %dma_wait3A_111 = tpu.memref_slice %arg8[%mul3A_78, %dma_wait3A_110] : memref<28x128xi32, #tpu.memory_space<vmem>> -> memref<1x128xi32, #tpu.memory_space<vmem>>
        %dma_wait3A_112 = tpu.memref_squeeze %dma_wait3A_111 : memref<1x128xi32, #tpu.memory_space<vmem>> -> memref<128xi32, #tpu.memory_space<vmem>>
        %dma_wait3A_113 = arith.constant 0 : i32
        %dma_wait3A_114 = arith.constant 0 : i32
        %dma_wait3A_115 = tpu.memref_slice %arg11[%dma_wait3A_113, %dma_wait3A_114] : memref<10008x128xf32, #tpu.memory_space<vmem_shared>> -> memref<10008x128xf32, #tpu.memory_space<vmem_shared>>
        tpu.wait_indirect_dma semaphore(%run_scoped3A : memref<!tpu.dma_semaphore, #tpu.memory_space<semaphore_mem>>) src(%arg9 : memref<128x128xf32, #tpu.memory_space<vmem>>) dst(%dma_wait3A_115 : memref<10008x128xf32, #tpu.memory_space<vmem_shared>>)
        tpu.yield
      }) : () -> ()
      %dma_wait3A_92 = arith.constant 0 : i32
      %dma_wait3A_93 = tpu.memref_slice %arg7[%add3A_80, %dma_wait3A_92] : memref<28x128xi32, #tpu.memory_space<vmem>> -> memref<1x128xi32, #tpu.memory_space<vmem>>
      %dma_wait3A_94 = tpu.memref_squeeze %dma_wait3A_93 : memref<1x128xi32, #tpu.memory_space<vmem>> -> memref<128xi32, #tpu.memory_space<vmem>>
      %dma_wait3A_95 = arith.constant 0 : i32
      %dma_wait3A_96 = arith.constant 0 : i32
      %dma_wait3A_97 = tpu.memref_slice %arg2[%dma_wait3A_95, %dma_wait3A_96] : memref<10000x128xf32, #tpu.memory_space<hbm>> -> memref<10000x128xf32, #tpu.memory_space<hbm>>
      tpu.wait_indirect_dma semaphore(%arg12 : memref<!tpu.dma_semaphore, #tpu.memory_space<semaphore_mem>>) src(%dma_wait3A_97 : memref<10000x128xf32, #tpu.memory_space<hbm>>) dst(%arg10 : memref<128x128xf32, #tpu.memory_space<vmem>>)
      %add3A_98 = arith.constant 1 : i32
      %add3A_99 = arith.addi %add3A_80, %add3A_98 : i32
      %lt3A = arith.constant 28 : i32
      %lt3A_100 = arith.cmpi slt, %add3A_99, %lt3A : i32
      %convert_element_type3A_101 = arith.extui %lt3A_100 : i1 to i32
      %cond3A_102 = arith.constant 0 : i32
      %cond3A_103 = arith.cmpi ne, %convert_element_type3A_101, %cond3A_102 : i32
      scf.if %cond3A_103 {
        %add3A_104 = arith.constant 1 : i32
        %add3A_105 = arith.addi %add3A_80, %add3A_104 : i32
        %dma_start3A_106 = arith.constant 0 : i32
        %dma_start3A_107 = tpu.memref_slice %arg7[%add3A_105, %dma_start3A_106] : memref<28x128xi32, #tpu.memory_space<vmem>> -> memref<1x128xi32, #tpu.memory_space<vmem>>
        %dma_start3A_108 = tpu.memref_squeeze %dma_start3A_107 : memref<1x128xi32, #tpu.memory_space<vmem>> -> memref<128xi32, #tpu.memory_space<vmem>>
        %dma_start3A_109 = arith.constant 0 : i32
        %dma_start3A_110 = arith.constant 0 : i32
        %dma_start3A_111 = tpu.memref_slice %arg2[%dma_start3A_109, %dma_start3A_110] : memref<10000x128xf32, #tpu.memory_space<hbm>> -> memref<10000x128xf32, #tpu.memory_space<hbm>>
        tpu.enqueue_indirect_dma source(%dma_start3A_111 : memref<10000x128xf32, #tpu.memory_space<hbm>>) target(%arg9 : memref<128x128xf32, #tpu.memory_space<vmem>>) offsets(%dma_start3A_108 : memref<128xi32, #tpu.memory_space<vmem>>) semaphore(%arg12 : memref<!tpu.dma_semaphore, #tpu.memory_space<semaphore_mem>>)
      } else {
      }
      "tpu.region"() ({
        %run_scoped3A = tpu.sem_alloc : memref<!tpu.dma_semaphore, #tpu.memory_space<semaphore_mem>>
        %dma_start3A_104 = arith.constant 0 : i32
        %dma_start3A_105 = tpu.memref_slice %arg8[%add3A_80, %dma_start3A_104] : memref<28x128xi32, #tpu.memory_space<vmem>> -> memref<1x128xi32, #tpu.memory_space<vmem>>
        %dma_start3A_106 = tpu.memref_squeeze %dma_start3A_105 : memref<1x128xi32, #tpu.memory_space<vmem>> -> memref<128xi32, #tpu.memory_space<vmem>>
        %dma_start3A_107 = arith.constant 0 : i32
        %dma_start3A_108 = arith.constant 0 : i32
        %dma_start3A_109 = tpu.memref_slice %arg11[%dma_start3A_107, %dma_start3A_108] : memref<10008x128xf32, #tpu.memory_space<vmem_shared>> -> memref<10008x128xf32, #tpu.memory_space<vmem_shared>>
        tpu.enqueue_indirect_dma source(%arg10 : memref<128x128xf32, #tpu.memory_space<vmem>>) target(%dma_start3A_109 : memref<10008x128xf32, #tpu.memory_space<vmem_shared>>) offsets(%dma_start3A_106 : memref<128xi32, #tpu.memory_space<vmem>>) semaphore(%run_scoped3A : memref<!tpu.dma_semaphore, #tpu.memory_space<semaphore_mem>>) {add = true}
        %dma_wait3A_110 = arith.constant 0 : i32
        %dma_wait3A_111 = tpu.memref_slice %arg8[%add3A_80, %dma_wait3A_110] : memref<28x128xi32, #tpu.memory_space<vmem>> -> memref<1x128xi32, #tpu.memory_space<vmem>>
        %dma_wait3A_112 = tpu.memref_squeeze %dma_wait3A_111 : memref<1x128xi32, #tpu.memory_space<vmem>> -> memref<128xi32, #tpu.memory_space<vmem>>
        %dma_wait3A_113 = arith.constant 0 : i32
        %dma_wait3A_114 = arith.constant 0 : i32
        %dma_wait3A_115 = tpu.memref_slice %arg11[%dma_wait3A_113, %dma_wait3A_114] : memref<10008x128xf32, #tpu.memory_space<vmem_shared>> -> memref<10008x128xf32, #tpu.memory_space<vmem_shared>>
        tpu.wait_indirect_dma semaphore(%run_scoped3A : memref<!tpu.dma_semaphore, #tpu.memory_space<semaphore_mem>>) src(%arg10 : memref<128x128xf32, #tpu.memory_space<vmem>>) dst(%dma_wait3A_115 : memref<10008x128xf32, #tpu.memory_space<vmem_shared>>)
        tpu.yield
      }) : () -> ()
    }
    %scan3A_42 = arith.constant 14 : i32
    %mul3A_43 = arith.constant 3 : i32
    %mul3A_44 = arith.muli %mul3A_43, %add3A : i32
    %add3A_45 = arith.constant 2 : i32
    %add3A_46 = arith.addi %mul3A_44, %add3A_45 : i32
    "tpu.region"() ({
      %run_scoped3A = tpu.sem_alloc : memref<!tpu.dma_semaphore, #tpu.memory_space<semaphore_mem>>
      %dma_start3A_72 = arith.constant 0 : i32
      %dma_start3A_73 = arith.constant 0 : i32
      %dma_start3A_74 = tpu.memref_slice %arg3[%add3A_46, %dma_start3A_72, %dma_start3A_73] : memref<96x28x128xi32, #tpu.memory_space<hbm>> -> memref<1x28x128xi32, #tpu.memory_space<hbm>>
      %dma_start3A_75 = tpu.memref_squeeze %dma_start3A_74 : memref<1x28x128xi32, #tpu.memory_space<hbm>> -> memref<28x128xi32, #tpu.memory_space<hbm>>
      %dma_start3A_76 = arith.constant 0 : i32
      %dma_start3A_77 = arith.constant 0 : i32
      %dma_start3A_78 = tpu.memref_slice %arg3[%add3A_46, %dma_start3A_76, %dma_start3A_77] : memref<96x28x128xi32, #tpu.memory_space<hbm>> -> memref<1x28x128xi32, #tpu.memory_space<hbm>>
      %dma_start3A_79 = tpu.memref_squeeze %dma_start3A_78 : memref<1x28x128xi32, #tpu.memory_space<hbm>> -> memref<28x128xi32, #tpu.memory_space<hbm>>
      tpu.enqueue_dma source(%dma_start3A_79 : memref<28x128xi32, #tpu.memory_space<hbm>>) target(%arg7 : memref<28x128xi32, #tpu.memory_space<vmem>>) target_semaphore(%run_scoped3A : memref<!tpu.dma_semaphore, #tpu.memory_space<semaphore_mem>>)
      %dma_wait3A = arith.constant 0 : i32
      %dma_wait3A_80 = arith.constant 0 : i32
      %dma_wait3A_81 = tpu.memref_slice %arg3[%add3A_46, %dma_wait3A, %dma_wait3A_80] : memref<96x28x128xi32, #tpu.memory_space<hbm>> -> memref<1x28x128xi32, #tpu.memory_space<hbm>>
      %dma_wait3A_82 = tpu.memref_squeeze %dma_wait3A_81 : memref<1x28x128xi32, #tpu.memory_space<hbm>> -> memref<28x128xi32, #tpu.memory_space<hbm>>
      %dma_wait3A_83 = arith.constant 0 : i32
      %dma_wait3A_84 = arith.constant 0 : i32
      %dma_wait3A_85 = tpu.memref_slice %arg3[%add3A_46, %dma_wait3A_83, %dma_wait3A_84] : memref<96x28x128xi32, #tpu.memory_space<hbm>> -> memref<1x28x128xi32, #tpu.memory_space<hbm>>
      %dma_wait3A_86 = tpu.memref_squeeze %dma_wait3A_85 : memref<1x28x128xi32, #tpu.memory_space<hbm>> -> memref<28x128xi32, #tpu.memory_space<hbm>>
      tpu.wait_dma2 semaphore(%run_scoped3A : memref<!tpu.dma_semaphore, #tpu.memory_space<semaphore_mem>>) src(%dma_wait3A_86 : memref<28x128xi32, #tpu.memory_space<hbm>>) dst(%arg7 : memref<28x128xi32, #tpu.memory_space<vmem>>)
      tpu.yield
    }) : () -> ()
    %mul3A_47 = arith.constant 3 : i32
    %mul3A_48 = arith.muli %mul3A_47, %add3A : i32
    %add3A_49 = arith.constant 2 : i32
    %add3A_50 = arith.addi %mul3A_48, %add3A_49 : i32
    "tpu.region"() ({
      %run_scoped3A = tpu.sem_alloc : memref<!tpu.dma_semaphore, #tpu.memory_space<semaphore_mem>>
      %dma_start3A_72 = arith.constant 0 : i32
      %dma_start3A_73 = arith.constant 0 : i32
      %dma_start3A_74 = tpu.memref_slice %arg4[%add3A_50, %dma_start3A_72, %dma_start3A_73] : memref<96x28x128xi32, #tpu.memory_space<hbm>> -> memref<1x28x128xi32, #tpu.memory_space<hbm>>
      %dma_start3A_75 = tpu.memref_squeeze %dma_start3A_74 : memref<1x28x128xi32, #tpu.memory_space<hbm>> -> memref<28x128xi32, #tpu.memory_space<hbm>>
      %dma_start3A_76 = arith.constant 0 : i32
      %dma_start3A_77 = arith.constant 0 : i32
      %dma_start3A_78 = tpu.memref_slice %arg4[%add3A_50, %dma_start3A_76, %dma_start3A_77] : memref<96x28x128xi32, #tpu.memory_space<hbm>> -> memref<1x28x128xi32, #tpu.memory_space<hbm>>
      %dma_start3A_79 = tpu.memref_squeeze %dma_start3A_78 : memref<1x28x128xi32, #tpu.memory_space<hbm>> -> memref<28x128xi32, #tpu.memory_space<hbm>>
      tpu.enqueue_dma source(%dma_start3A_79 : memref<28x128xi32, #tpu.memory_space<hbm>>) target(%arg8 : memref<28x128xi32, #tpu.memory_space<vmem>>) target_semaphore(%run_scoped3A : memref<!tpu.dma_semaphore, #tpu.memory_space<semaphore_mem>>)
      %dma_wait3A = arith.constant 0 : i32
      %dma_wait3A_80 = arith.constant 0 : i32
      %dma_wait3A_81 = tpu.memref_slice %arg4[%add3A_50, %dma_wait3A, %dma_wait3A_80] : memref<96x28x128xi32, #tpu.memory_space<hbm>> -> memref<1x28x128xi32, #tpu.memory_space<hbm>>
      %dma_wait3A_82 = tpu.memref_squeeze %dma_wait3A_81 : memref<1x28x128xi32, #tpu.memory_space<hbm>> -> memref<28x128xi32, #tpu.memory_space<hbm>>
      %dma_wait3A_83 = arith.constant 0 : i32
      %dma_wait3A_84 = arith.constant 0 : i32
      %dma_wait3A_85 = tpu.memref_slice %arg4[%add3A_50, %dma_wait3A_83, %dma_wait3A_84] : memref<96x28x128xi32, #tpu.memory_space<hbm>> -> memref<1x28x128xi32, #tpu.memory_space<hbm>>
      %dma_wait3A_86 = tpu.memref_squeeze %dma_wait3A_85 : memref<1x28x128xi32, #tpu.memory_space<hbm>> -> memref<28x128xi32, #tpu.memory_space<hbm>>
      tpu.wait_dma2 semaphore(%run_scoped3A : memref<!tpu.dma_semaphore, #tpu.memory_space<semaphore_mem>>) src(%dma_wait3A_86 : memref<28x128xi32, #tpu.memory_space<hbm>>) dst(%arg8 : memref<28x128xi32, #tpu.memory_space<vmem>>)
      tpu.yield
    }) : () -> ()
    %dma_start3A_51 = arith.constant 0 : i32
    %dma_start3A_52 = arith.constant 0 : i32
    %dma_start3A_53 = tpu.memref_slice %arg7[%dma_start3A_51, %dma_start3A_52] : memref<28x128xi32, #tpu.memory_space<vmem>> -> memref<1x128xi32, #tpu.memory_space<vmem>>
    %dma_start3A_54 = tpu.memref_squeeze %dma_start3A_53 : memref<1x128xi32, #tpu.memory_space<vmem>> -> memref<128xi32, #tpu.memory_space<vmem>>
    %dma_start3A_55 = arith.constant 0 : i32
    %dma_start3A_56 = arith.constant 0 : i32
    %dma_start3A_57 = tpu.memref_slice %arg2[%dma_start3A_55, %dma_start3A_56] : memref<10000x128xf32, #tpu.memory_space<hbm>> -> memref<10000x128xf32, #tpu.memory_space<hbm>>
    tpu.enqueue_indirect_dma source(%dma_start3A_57 : memref<10000x128xf32, #tpu.memory_space<hbm>>) target(%arg9 : memref<128x128xf32, #tpu.memory_space<vmem>>) offsets(%dma_start3A_54 : memref<128xi32, #tpu.memory_space<vmem>>) semaphore(%arg12 : memref<!tpu.dma_semaphore, #tpu.memory_space<semaphore_mem>>)
    %scan3A_58 = arith.constant 0 : i32
    %scan3A_59 = arith.constant 14 : i32
    %scan3A_60 = arith.addi %scan3A_58, %scan3A_59 : i32
    %scan3A_61 = arith.constant 1 : i32
    scf.for %scan3A_72 = %scan3A_58 to %scan3A_60 step %scan3A_61  : i32 {
      %mul3A_73 = arith.constant 1 : i32
      %mul3A_74 = arith.muli %scan3A_72, %mul3A_73 : i32
      %add3A_75 = arith.constant 0 : i32
      %add3A_76 = arith.addi %add3A_75, %mul3A_74 : i32
      %mul3A_77 = arith.constant 2 : i32
      %mul3A_78 = arith.muli %mul3A_77, %add3A_76 : i32
      %add3A_79 = arith.constant 1 : i32
      %add3A_80 = arith.addi %mul3A_78, %add3A_79 : i32
      %dma_wait3A = arith.constant 0 : i32
      %dma_wait3A_81 = arith.constant 0 : i32
      %dma_wait3A_82 = tpu.memref_slice %arg2[%dma_wait3A, %dma_wait3A_81] : memref<10000x128xf32, #tpu.memory_space<hbm>> -> memref<128x128xf32, #tpu.memory_space<hbm>>
      %dma_wait3A_83 = arith.constant 0 : i32
      %dma_wait3A_84 = arith.constant 0 : i32
      %dma_wait3A_85 = tpu.memref_slice %arg2[%dma_wait3A_83, %dma_wait3A_84] : memref<10000x128xf32, #tpu.memory_space<hbm>> -> memref<128x128xf32, #tpu.memory_space<hbm>>
      tpu.wait_dma2 semaphore(%arg12 : memref<!tpu.dma_semaphore, #tpu.memory_space<semaphore_mem>>) src(%dma_wait3A_85 : memref<128x128xf32, #tpu.memory_space<hbm>>) dst(%arg9 : memref<128x128xf32, #tpu.memory_space<vmem>>)
      %dma_start3A_86 = arith.constant 0 : i32
      %dma_start3A_87 = tpu.memref_slice %arg7[%add3A_80, %dma_start3A_86] : memref<28x128xi32, #tpu.memory_space<vmem>> -> memref<1x128xi32, #tpu.memory_space<vmem>>
      %dma_start3A_88 = tpu.memref_squeeze %dma_start3A_87 : memref<1x128xi32, #tpu.memory_space<vmem>> -> memref<128xi32, #tpu.memory_space<vmem>>
      %dma_start3A_89 = arith.constant 0 : i32
      %dma_start3A_90 = arith.constant 0 : i32
      %dma_start3A_91 = tpu.memref_slice %arg2[%dma_start3A_89, %dma_start3A_90] : memref<10000x128xf32, #tpu.memory_space<hbm>> -> memref<10000x128xf32, #tpu.memory_space<hbm>>
      tpu.enqueue_indirect_dma source(%dma_start3A_91 : memref<10000x128xf32, #tpu.memory_space<hbm>>) target(%arg10 : memref<128x128xf32, #tpu.memory_space<vmem>>) offsets(%dma_start3A_88 : memref<128xi32, #tpu.memory_space<vmem>>) semaphore(%arg12 : memref<!tpu.dma_semaphore, #tpu.memory_space<semaphore_mem>>)
      "tpu.region"() ({
        %run_scoped3A = tpu.sem_alloc : memref<!tpu.dma_semaphore, #tpu.memory_space<semaphore_mem>>
        %dma_start3A_104 = arith.constant 0 : i32
        %dma_start3A_105 = tpu.memref_slice %arg8[%mul3A_78, %dma_start3A_104] : memref<28x128xi32, #tpu.memory_space<vmem>> -> memref<1x128xi32, #tpu.memory_space<vmem>>
        %dma_start3A_106 = tpu.memref_squeeze %dma_start3A_105 : memref<1x128xi32, #tpu.memory_space<vmem>> -> memref<128xi32, #tpu.memory_space<vmem>>
        %dma_start3A_107 = arith.constant 0 : i32
        %dma_start3A_108 = arith.constant 0 : i32
        %dma_start3A_109 = tpu.memref_slice %arg11[%dma_start3A_107, %dma_start3A_108] : memref<10008x128xf32, #tpu.memory_space<vmem_shared>> -> memref<10008x128xf32, #tpu.memory_space<vmem_shared>>
        tpu.enqueue_indirect_dma source(%arg9 : memref<128x128xf32, #tpu.memory_space<vmem>>) target(%dma_start3A_109 : memref<10008x128xf32, #tpu.memory_space<vmem_shared>>) offsets(%dma_start3A_106 : memref<128xi32, #tpu.memory_space<vmem>>) semaphore(%run_scoped3A : memref<!tpu.dma_semaphore, #tpu.memory_space<semaphore_mem>>) {add = true}
        %dma_wait3A_110 = arith.constant 0 : i32
        %dma_wait3A_111 = tpu.memref_slice %arg8[%mul3A_78, %dma_wait3A_110] : memref<28x128xi32, #tpu.memory_space<vmem>> -> memref<1x128xi32, #tpu.memory_space<vmem>>
        %dma_wait3A_112 = tpu.memref_squeeze %dma_wait3A_111 : memref<1x128xi32, #tpu.memory_space<vmem>> -> memref<128xi32, #tpu.memory_space<vmem>>
        %dma_wait3A_113 = arith.constant 0 : i32
        %dma_wait3A_114 = arith.constant 0 : i32
        %dma_wait3A_115 = tpu.memref_slice %arg11[%dma_wait3A_113, %dma_wait3A_114] : memref<10008x128xf32, #tpu.memory_space<vmem_shared>> -> memref<10008x128xf32, #tpu.memory_space<vmem_shared>>
        tpu.wait_indirect_dma semaphore(%run_scoped3A : memref<!tpu.dma_semaphore, #tpu.memory_space<semaphore_mem>>) src(%arg9 : memref<128x128xf32, #tpu.memory_space<vmem>>) dst(%dma_wait3A_115 : memref<10008x128xf32, #tpu.memory_space<vmem_shared>>)
        tpu.yield
      }) : () -> ()
      %dma_wait3A_92 = arith.constant 0 : i32
      %dma_wait3A_93 = tpu.memref_slice %arg7[%add3A_80, %dma_wait3A_92] : memref<28x128xi32, #tpu.memory_space<vmem>> -> memref<1x128xi32, #tpu.memory_space<vmem>>
      %dma_wait3A_94 = tpu.memref_squeeze %dma_wait3A_93 : memref<1x128xi32, #tpu.memory_space<vmem>> -> memref<128xi32, #tpu.memory_space<vmem>>
      %dma_wait3A_95 = arith.constant 0 : i32
      %dma_wait3A_96 = arith.constant 0 : i32
      %dma_wait3A_97 = tpu.memref_slice %arg2[%dma_wait3A_95, %dma_wait3A_96] : memref<10000x128xf32, #tpu.memory_space<hbm>> -> memref<10000x128xf32, #tpu.memory_space<hbm>>
      tpu.wait_indirect_dma semaphore(%arg12 : memref<!tpu.dma_semaphore, #tpu.memory_space<semaphore_mem>>) src(%dma_wait3A_97 : memref<10000x128xf32, #tpu.memory_space<hbm>>) dst(%arg10 : memref<128x128xf32, #tpu.memory_space<vmem>>)
      %add3A_98 = arith.constant 1 : i32
      %add3A_99 = arith.addi %add3A_80, %add3A_98 : i32
      %lt3A = arith.constant 28 : i32
      %lt3A_100 = arith.cmpi slt, %add3A_99, %lt3A : i32
      %convert_element_type3A_101 = arith.extui %lt3A_100 : i1 to i32
      %cond3A_102 = arith.constant 0 : i32
      %cond3A_103 = arith.cmpi ne, %convert_element_type3A_101, %cond3A_102 : i32
      scf.if %cond3A_103 {
        %add3A_104 = arith.constant 1 : i32
        %add3A_105 = arith.addi %add3A_80, %add3A_104 : i32
        %dma_start3A_106 = arith.constant 0 : i32
        %dma_start3A_107 = tpu.memref_slice %arg7[%add3A_105, %dma_start3A_106] : memref<28x128xi32, #tpu.memory_space<vmem>> -> memref<1x128xi32, #tpu.memory_space<vmem>>
        %dma_start3A_108 = tpu.memref_squeeze %dma_start3A_107 : memref<1x128xi32, #tpu.memory_space<vmem>> -> memref<128xi32, #tpu.memory_space<vmem>>
        %dma_start3A_109 = arith.constant 0 : i32
        %dma_start3A_110 = arith.constant 0 : i32
        %dma_start3A_111 = tpu.memref_slice %arg2[%dma_start3A_109, %dma_start3A_110] : memref<10000x128xf32, #tpu.memory_space<hbm>> -> memref<10000x128xf32, #tpu.memory_space<hbm>>
        tpu.enqueue_indirect_dma source(%dma_start3A_111 : memref<10000x128xf32, #tpu.memory_space<hbm>>) target(%arg9 : memref<128x128xf32, #tpu.memory_space<vmem>>) offsets(%dma_start3A_108 : memref<128xi32, #tpu.memory_space<vmem>>) semaphore(%arg12 : memref<!tpu.dma_semaphore, #tpu.memory_space<semaphore_mem>>)
      } else {
      }
      "tpu.region"() ({
        %run_scoped3A = tpu.sem_alloc : memref<!tpu.dma_semaphore, #tpu.memory_space<semaphore_mem>>
        %dma_start3A_104 = arith.constant 0 : i32
        %dma_start3A_105 = tpu.memref_slice %arg8[%add3A_80, %dma_start3A_104] : memref<28x128xi32, #tpu.memory_space<vmem>> -> memref<1x128xi32, #tpu.memory_space<vmem>>
        %dma_start3A_106 = tpu.memref_squeeze %dma_start3A_105 : memref<1x128xi32, #tpu.memory_space<vmem>> -> memref<128xi32, #tpu.memory_space<vmem>>
        %dma_start3A_107 = arith.constant 0 : i32
        %dma_start3A_108 = arith.constant 0 : i32
        %dma_start3A_109 = tpu.memref_slice %arg11[%dma_start3A_107, %dma_start3A_108] : memref<10008x128xf32, #tpu.memory_space<vmem_shared>> -> memref<10008x128xf32, #tpu.memory_space<vmem_shared>>
        tpu.enqueue_indirect_dma source(%arg10 : memref<128x128xf32, #tpu.memory_space<vmem>>) target(%dma_start3A_109 : memref<10008x128xf32, #tpu.memory_space<vmem_shared>>) offsets(%dma_start3A_106 : memref<128xi32, #tpu.memory_space<vmem>>) semaphore(%run_scoped3A : memref<!tpu.dma_semaphore, #tpu.memory_space<semaphore_mem>>) {add = true}
        %dma_wait3A_110 = arith.constant 0 : i32
        %dma_wait3A_111 = tpu.memref_slice %arg8[%add3A_80, %dma_wait3A_110] : memref<28x128xi32, #tpu.memory_space<vmem>> -> memref<1x128xi32, #tpu.memory_space<vmem>>
        %dma_wait3A_112 = tpu.memref_squeeze %dma_wait3A_111 : memref<1x128xi32, #tpu.memory_space<vmem>> -> memref<128xi32, #tpu.memory_space<vmem>>
        %dma_wait3A_113 = arith.constant 0 : i32
        %dma_wait3A_114 = arith.constant 0 : i32
        %dma_wait3A_115 = tpu.memref_slice %arg11[%dma_wait3A_113, %dma_wait3A_114] : memref<10008x128xf32, #tpu.memory_space<vmem_shared>> -> memref<10008x128xf32, #tpu.memory_space<vmem_shared>>
        tpu.wait_indirect_dma semaphore(%run_scoped3A : memref<!tpu.dma_semaphore, #tpu.memory_space<semaphore_mem>>) src(%arg10 : memref<128x128xf32, #tpu.memory_space<vmem>>) dst(%dma_wait3A_115 : memref<10008x128xf32, #tpu.memory_space<vmem_shared>>)
        tpu.yield
      }) : () -> ()
    }
    %scan3A_62 = arith.constant 14 : i32
    %barrier3A_63 = arith.constant 0 : index
    tpu.barrier barrier_id(%barrier3A_63)
    %mul3A_64 = arith.constant 10240 : i32
    %mul3A_65 = arith.muli %arg0, %mul3A_64 : i32
    %add3A_66 = arith.addi %mul3A_65, %mul3A_2 : i32
    "tpu.region"() ({
      %run_scoped3A = tpu.sem_alloc : memref<!tpu.dma_semaphore, #tpu.memory_space<semaphore_mem>>
      %dma_start3A_72 = arith.constant 0 : i32
      %dma_start3A_73 = tpu.memref_slice %arg6[%add3A_66, %dma_start3A_72] : memref<20480x128xf32, #tpu.memory_space<hbm>> -> memref<624x128xf32, #tpu.memory_space<hbm>>
      %dma_start3A_74 = arith.constant 0 : i32
      %dma_start3A_75 = tpu.memref_slice %arg11[%mul3A_2, %dma_start3A_74] : memref<10008x128xf32, #tpu.memory_space<vmem_shared>> -> memref<624x128xf32, #tpu.memory_space<vmem_shared>>
      tpu.enqueue_dma source(%dma_start3A_75 : memref<624x128xf32, #tpu.memory_space<vmem_shared>>) target(%dma_start3A_73 : memref<624x128xf32, #tpu.memory_space<hbm>>) target_semaphore(%run_scoped3A : memref<!tpu.dma_semaphore, #tpu.memory_space<semaphore_mem>>)
      %dma_wait3A = arith.constant 0 : i32
      %dma_wait3A_76 = tpu.memref_slice %arg6[%add3A_66, %dma_wait3A] : memref<20480x128xf32, #tpu.memory_space<hbm>> -> memref<624x128xf32, #tpu.memory_space<hbm>>
      %dma_wait3A_77 = arith.constant 0 : i32
      %dma_wait3A_78 = tpu.memref_slice %arg11[%mul3A_2, %dma_wait3A_77] : memref<10008x128xf32, #tpu.memory_space<vmem_shared>> -> memref<624x128xf32, #tpu.memory_space<vmem_shared>>
      tpu.wait_dma2 semaphore(%run_scoped3A : memref<!tpu.dma_semaphore, #tpu.memory_space<semaphore_mem>>) src(%dma_wait3A_78 : memref<624x128xf32, #tpu.memory_space<vmem_shared>>) dst(%dma_wait3A_76 : memref<624x128xf32, #tpu.memory_space<hbm>>)
      tpu.yield
    }) : () -> ()
    %eq3A_67 = arith.constant 15 : i32
    %eq3A_68 = arith.cmpi eq, %arg1, %eq3A_67 : i32
    %convert_element_type3A_69 = arith.extui %eq3A_68 : i1 to i32
    %cond3A_70 = arith.constant 0 : i32
    %cond3A_71 = arith.cmpi ne, %convert_element_type3A_69, %cond3A_70 : i32
    scf.if %cond3A_71 {
      %mul3A_72 = arith.constant 10240 : i32
      %mul3A_73 = arith.muli %arg0, %mul3A_72 : i32
      %add3A_74 = arith.constant 9984 : i32
      %add3A_75 = arith.addi %mul3A_73, %add3A_74 : i32
      "tpu.region"() ({
        %run_scoped3A = tpu.sem_alloc : memref<!tpu.dma_semaphore, #tpu.memory_space<semaphore_mem>>
        %dma_start3A_76 = arith.constant 0 : i32
        %dma_start3A_77 = tpu.memref_slice %arg6[%add3A_75, %dma_start3A_76] : memref<20480x128xf32, #tpu.memory_space<hbm>> -> memref<16x128xf32, #tpu.memory_space<hbm>>
        %dma_start3A_78 = arith.constant 9984 : i32
        %dma_start3A_79 = arith.constant 0 : i32
        %dma_start3A_80 = tpu.memref_slice %arg11[%dma_start3A_78, %dma_start3A_79] : memref<10008x128xf32, #tpu.memory_space<vmem_shared>> -> memref<16x128xf32, #tpu.memory_space<vmem_shared>>
        tpu.enqueue_dma source(%dma_start3A_80 : memref<16x128xf32, #tpu.memory_space<vmem_shared>>) target(%dma_start3A_77 : memref<16x128xf32, #tpu.memory_space<hbm>>) target_semaphore(%run_scoped3A : memref<!tpu.dma_semaphore, #tpu.memory_space<semaphore_mem>>)
        %dma_wait3A = arith.constant 0 : i32
        %dma_wait3A_81 = tpu.memref_slice %arg6[%add3A_75, %dma_wait3A] : memref<20480x128xf32, #tpu.memory_space<hbm>> -> memref<16x128xf32, #tpu.memory_space<hbm>>
        %dma_wait3A_82 = arith.constant 9984 : i32
        %dma_wait3A_83 = arith.constant 0 : i32
        %dma_wait3A_84 = tpu.memref_slice %arg11[%dma_wait3A_82, %dma_wait3A_83] : memref<10008x128xf32, #tpu.memory_space<vmem_shared>> -> memref<16x128xf32, #tpu.memory_space<vmem_shared>>
        tpu.wait_dma2 semaphore(%run_scoped3A : memref<!tpu.dma_semaphore, #tpu.memory_space<semaphore_mem>>) src(%dma_wait3A_84 : memref<16x128xf32, #tpu.memory_space<vmem_shared>>) dst(%dma_wait3A_81 : memref<16x128xf32, #tpu.memory_space<hbm>>)
        tpu.yield
      }) : () -> ()
    } else {
    }
    return
  }
}

module attributes {stable_mosaic.version = 14 : i64} {
  func.func @_layer1_body(%arg0: i32, %arg1: memref<1024x128xf32, #tpu.memory_space<vmem>>, %arg2: memref<1024x128xf32, #tpu.memory_space<vmem>>, %arg3: memref<1024xf32, #tpu.memory_space<vmem>>, %arg4: memref<1024xf32, #tpu.memory_space<vmem>>, %arg5: memref<1024x128xf32, #tpu.memory_space<vmem>>, %arg6: memref<128x256xf32, #tpu.memory_space<vmem>>, %arg7: memref<128x256xf32, #tpu.memory_space<vmem>>, %arg8: memref<256x128xf32, #tpu.memory_space<vmem>>, %arg9: memref<256x128xf32, #tpu.memory_space<vmem>>, %arg10: memref<1x256xf32, #tpu.memory_space<vmem>>, %arg11: memref<1x128xf32, #tpu.memory_space<vmem>>, %arg12: memref<1024x128xf32, #tpu.memory_space<vmem>>, %arg13: memref<1024x128xf32, #tpu.memory_space<vmem>>) attributes {dimension_semantics = [#tpu.dimension_semantics<arbitrary>], iteration_bounds = array<i64: 10>, scalar_prefetch = 0 : i64, scratch_operands = 0 : i64, tpu.core_type = #tpu.core_type<tc>, window_params = [{transform_indices = @transform_0, window_bounds = array<i64: 1024, 128>}, {transform_indices = @transform_1, window_bounds = array<i64: 1024, 128>}, {transform_indices = @transform_2, window_bounds = array<i64: 1024>}, {transform_indices = @transform_3, window_bounds = array<i64: 1024>}, {transform_indices = @transform_4, window_bounds = array<i64: 1024, 128>}, {pipeline_mode = #tpu.pipeline_mode<synchronous>, transform_indices = @transform_5, window_bounds = array<i64: 128, 256>}, {pipeline_mode = #tpu.pipeline_mode<synchronous>, transform_indices = @transform_6, window_bounds = array<i64: 128, 256>}, {pipeline_mode = #tpu.pipeline_mode<synchronous>, transform_indices = @transform_7, window_bounds = array<i64: 256, 128>}, {pipeline_mode = #tpu.pipeline_mode<synchronous>, transform_indices = @transform_8, window_bounds = array<i64: 256, 128>}, {pipeline_mode = #tpu.pipeline_mode<synchronous>, transform_indices = @transform_9, window_bounds = array<i64: 1, 256>}, {pipeline_mode = #tpu.pipeline_mode<synchronous>, transform_indices = @transform_10, window_bounds = array<i64: 1, 128>}, {transform_indices = @transform_11, window_bounds = array<i64: 1024, 128>}, {transform_indices = @transform_12, window_bounds = array<i64: 1024, 128>}]} {
    %get3A = arith.constant 0 : index
    %get3A_0 = arith.constant 0 : index
    %get3A_1 = vector.load %arg1[%get3A, %get3A_0] : memref<1024x128xf32, #tpu.memory_space<vmem>>, vector<1024x128xf32>
    %get3A_2 = arith.constant 0 : index
    %get3A_3 = arith.constant 0 : index
    %get3A_4 = vector.load %arg2[%get3A_2, %get3A_3] : memref<1024x128xf32, #tpu.memory_space<vmem>>, vector<1024x128xf32>
    %add3A = arith.addf %get3A_1, %get3A_4 : vector<1024x128xf32>
    %get3A_5 = arith.constant 0 : index
    %get3A_6 = vector.load %arg3[%get3A_5] : memref<1024xf32, #tpu.memory_space<vmem>>, vector<1024xf32>
    %get3A_7 = arith.constant 0 : index
    %get3A_8 = vector.load %arg4[%get3A_7] : memref<1024xf32, #tpu.memory_space<vmem>>, vector<1024xf32>
    %add3A_9 = arith.addf %get3A_6, %get3A_8 : vector<1024xf32>
    %max3A = arith.constant 1.000000e+00 : f32
    %max3A_10 = vector.broadcast %max3A : f32 to vector<1024xf32>
    %max3A_11 = arith.maximumf %add3A_9, %max3A_10 : vector<1024xf32>
    %div3A = arith.constant 1.000000e+00 : f32
    %div3A_12 = vector.broadcast %div3A : f32 to vector<1024xf32>
    %div3A_13 = arith.divf %div3A_12, %max3A_11 : vector<1024xf32>
    %broadcast_in_dim3A = vector.shape_cast %div3A_13 : vector<1024xf32> to vector<1024x1xf32>
    %mul3A = vector.broadcast %broadcast_in_dim3A : vector<1024x1xf32> to vector<1024x128xf32>
    %mul3A_14 = arith.mulf %add3A, %mul3A : vector<1024x128xf32>
    %get3A_15 = arith.constant 0 : index
    %get3A_16 = arith.constant 0 : index
    %get3A_17 = vector.load %arg6[%get3A_15, %get3A_16] : memref<128x256xf32, #tpu.memory_space<vmem>>, vector<128x256xf32>
    %dot_general3A = arith.constant dense<0.000000e+00> : vector<1024x256xf32>
    %dot_general3A_18 = tpu.matmul %mul3A_14, %get3A_17, %dot_general3A {dimension_numbers = #tpu.dot_dimension_numbers<[1], [0], [0], [1], [0, 0, 1, 1], [], []>, transpose_lhs_hint = false} : vector<1024x128xf32>, vector<128x256xf32>, vector<1024x256xf32> -> vector<1024x256xf32>
    %get3A_19 = arith.constant 0 : index
    %get3A_20 = arith.constant 0 : index
    %get3A_21 = vector.load %arg5[%get3A_19, %get3A_20] : memref<1024x128xf32, #tpu.memory_space<vmem>>, vector<1024x128xf32>
    %get3A_22 = arith.constant 0 : index
    %get3A_23 = arith.constant 0 : index
    %get3A_24 = vector.load %arg7[%get3A_22, %get3A_23] : memref<128x256xf32, #tpu.memory_space<vmem>>, vector<128x256xf32>
    %dot_general3A_25 = arith.constant dense<0.000000e+00> : vector<1024x256xf32>
    %dot_general3A_26 = tpu.matmul %get3A_21, %get3A_24, %dot_general3A_25 {dimension_numbers = #tpu.dot_dimension_numbers<[1], [0], [0], [1], [0, 0, 1, 1], [], []>, transpose_lhs_hint = false} : vector<1024x128xf32>, vector<128x256xf32>, vector<1024x256xf32> -> vector<1024x256xf32>
    %add3A_27 = arith.addf %dot_general3A_18, %dot_general3A_26 : vector<1024x256xf32>
    %get3A_28 = arith.constant 0 : index
    %get3A_29 = arith.constant 0 : index
    %get3A_30 = vector.load %arg10[%get3A_28, %get3A_29] : memref<1x256xf32, #tpu.memory_space<vmem>>, vector<1x256xf32>
    %add3A_31 = vector.broadcast %get3A_30 : vector<1x256xf32> to vector<1024x256xf32>
    %add3A_32 = arith.addf %add3A_27, %add3A_31 : vector<1024x256xf32>
    %max3A_33 = arith.constant 0.000000e+00 : f32
    %max3A_34 = vector.broadcast %max3A_33 : f32 to vector<1024x256xf32>
    %max3A_35 = arith.maximumf %add3A_32, %max3A_34 : vector<1024x256xf32>
    %get3A_36 = arith.constant 0 : index
    %get3A_37 = arith.constant 0 : index
    %get3A_38 = vector.load %arg8[%get3A_36, %get3A_37] : memref<256x128xf32, #tpu.memory_space<vmem>>, vector<256x128xf32>
    %dot_general3A_39 = arith.constant dense<0.000000e+00> : vector<1024x128xf32>
    %dot_general3A_40 = tpu.matmul %max3A_35, %get3A_38, %dot_general3A_39 {dimension_numbers = #tpu.dot_dimension_numbers<[1], [0], [0], [1], [0, 0, 1, 1], [], []>, transpose_lhs_hint = false} : vector<1024x256xf32>, vector<256x128xf32>, vector<1024x128xf32> -> vector<1024x128xf32>
    %swap3A = arith.constant 0 : index
    %swap3A_41 = arith.constant 0 : index
    %swap3A_42 = vector.load %arg12[%swap3A, %swap3A_41] : memref<1024x128xf32, #tpu.memory_space<vmem>>, vector<1024x128xf32>
    tpu.vector_store %arg12[%swap3A, %swap3A_41], %dot_general3A_40 {strides = array<i32>} : memref<1024x128xf32, #tpu.memory_space<vmem>>, vector<1024x128xf32>,
    %get3A_43 = arith.constant 0 : index
    %get3A_44 = arith.constant 0 : index
    %get3A_45 = vector.load %arg9[%get3A_43, %get3A_44] : memref<256x128xf32, #tpu.memory_space<vmem>>, vector<256x128xf32>
    %dot_general3A_46 = arith.constant dense<0.000000e+00> : vector<1024x128xf32>
    %dot_general3A_47 = tpu.matmul %max3A_35, %get3A_45, %dot_general3A_46 {dimension_numbers = #tpu.dot_dimension_numbers<[1], [0], [0], [1], [0, 0, 1, 1], [], []>, transpose_lhs_hint = false} : vector<1024x256xf32>, vector<256x128xf32>, vector<1024x128xf32> -> vector<1024x128xf32>
    %get3A_48 = arith.constant 0 : index
    %get3A_49 = arith.constant 0 : index
    %get3A_50 = vector.load %arg11[%get3A_48, %get3A_49] : memref<1x128xf32, #tpu.memory_space<vmem>>, vector<1x128xf32>
    %add3A_51 = vector.broadcast %get3A_50 : vector<1x128xf32> to vector<1024x128xf32>
    %add3A_52 = arith.addf %dot_general3A_47, %add3A_51 : vector<1024x128xf32>
    %swap3A_53 = arith.constant 0 : index
    %swap3A_54 = arith.constant 0 : index
    %swap3A_55 = vector.load %arg13[%swap3A_53, %swap3A_54] : memref<1024x128xf32, #tpu.memory_space<vmem>>, vector<1024x128xf32>
    tpu.vector_store %arg13[%swap3A_53, %swap3A_54], %add3A_52 {strides = array<i32>} : memref<1024x128xf32, #tpu.memory_space<vmem>>, vector<1024x128xf32>,
    return
  }
  func.func @transform_0(%arg0: i32) -> (i32, i32) {
    %c0_i32 = arith.constant 0 : i32
    %c0_i32_0 = arith.constant 0 : i32
    return %arg0, %c0_i32 : i32, i32
  }
  func.func @transform_1(%arg0: i32) -> (i32, i32) {
    %add3A = arith.constant 10 : i32
    %add3A_0 = arith.addi %add3A, %arg0 : i32
    %c0_i32 = arith.constant 0 : i32
    %c0_i32_1 = arith.constant 0 : i32
    return %add3A_0, %c0_i32 : i32, i32
  }
  func.func @transform_2(%arg0: i32) -> i32 {
    %c0_i32 = arith.constant 0 : i32
    return %arg0 : i32
  }
  func.func @transform_3(%arg0: i32) -> i32 {
    %add3A = arith.constant 10 : i32
    %add3A_0 = arith.addi %add3A, %arg0 : i32
    %c0_i32 = arith.constant 0 : i32
    return %add3A_0 : i32
  }
  func.func @transform_4(%arg0: i32) -> (i32, i32) {
    %c0_i32 = arith.constant 0 : i32
    %c0_i32_0 = arith.constant 0 : i32
    return %arg0, %c0_i32 : i32, i32
  }
  func.func @transform_5(%arg0: i32) -> (i32, i32) {
    %c0_i32 = arith.constant 0 : i32
    %c0_i32_0 = arith.constant 0 : i32
    %c0_i32_1 = arith.constant 0 : i32
    return %c0_i32, %c0_i32_0 : i32, i32
  }
  func.func @transform_6(%arg0: i32) -> (i32, i32) {
    %c0_i32 = arith.constant 0 : i32
    %c0_i32_0 = arith.constant 0 : i32
    %c0_i32_1 = arith.constant 0 : i32
    return %c0_i32, %c0_i32_0 : i32, i32
  }
  func.func @transform_7(%arg0: i32) -> (i32, i32) {
    %c0_i32 = arith.constant 0 : i32
    %c0_i32_0 = arith.constant 0 : i32
    %c0_i32_1 = arith.constant 0 : i32
    return %c0_i32, %c0_i32_0 : i32, i32
  }
  func.func @transform_8(%arg0: i32) -> (i32, i32) {
    %c0_i32 = arith.constant 0 : i32
    %c0_i32_0 = arith.constant 0 : i32
    %c0_i32_1 = arith.constant 0 : i32
    return %c0_i32, %c0_i32_0 : i32, i32
  }
  func.func @transform_9(%arg0: i32) -> (i32, i32) {
    %c0_i32 = arith.constant 0 : i32
    %c0_i32_0 = arith.constant 0 : i32
    %c0_i32_1 = arith.constant 0 : i32
    return %c0_i32, %c0_i32_0 : i32, i32
  }
  func.func @transform_10(%arg0: i32) -> (i32, i32) {
    %c0_i32 = arith.constant 0 : i32
    %c0_i32_0 = arith.constant 0 : i32
    %c0_i32_1 = arith.constant 0 : i32
    return %c0_i32, %c0_i32_0 : i32, i32
  }
  func.func @transform_11(%arg0: i32) -> (i32, i32) {
    %c0_i32 = arith.constant 0 : i32
    %c0_i32_0 = arith.constant 0 : i32
    return %arg0, %c0_i32 : i32, i32
  }
  func.func @transform_12(%arg0: i32) -> (i32, i32) {
    %c0_i32 = arith.constant 0 : i32
    %c0_i32_0 = arith.constant 0 : i32
    return %arg0, %c0_i32 : i32, i32
  }
}

module attributes {stable_mosaic.version = 14 : i64} {
  func.func @_final_body(%arg0: i32, %arg1: memref<1024x128xf32, #tpu.memory_space<vmem>>, %arg2: memref<1024x128xf32, #tpu.memory_space<vmem>>, %arg3: memref<1024xf32, #tpu.memory_space<vmem>>, %arg4: memref<1024xf32, #tpu.memory_space<vmem>>, %arg5: memref<1024x128xf32, #tpu.memory_space<vmem>>, %arg6: memref<1024x128xf32, #tpu.memory_space<vmem>>, %arg7: memref<1024x128xf32, #tpu.memory_space<vmem>>) attributes {dimension_semantics = [#tpu.dimension_semantics<arbitrary>], iteration_bounds = array<i64: 10>, scalar_prefetch = 0 : i64, scratch_operands = 0 : i64, tpu.core_type = #tpu.core_type<tc>, window_params = [{transform_indices = @transform_0, window_bounds = array<i64: 1024, 128>}, {transform_indices = @transform_1, window_bounds = array<i64: 1024, 128>}, {transform_indices = @transform_2, window_bounds = array<i64: 1024>}, {transform_indices = @transform_3, window_bounds = array<i64: 1024>}, {transform_indices = @transform_4, window_bounds = array<i64: 1024, 128>}, {transform_indices = @transform_5, window_bounds = array<i64: 1024, 128>}, {transform_indices = @transform_6, window_bounds = array<i64: 1024, 128>}]} {
    %get3A = arith.constant 0 : index
    %get3A_0 = arith.constant 0 : index
    %get3A_1 = vector.load %arg1[%get3A, %get3A_0] : memref<1024x128xf32, #tpu.memory_space<vmem>>, vector<1024x128xf32>
    %get3A_2 = arith.constant 0 : index
    %get3A_3 = arith.constant 0 : index
    %get3A_4 = vector.load %arg2[%get3A_2, %get3A_3] : memref<1024x128xf32, #tpu.memory_space<vmem>>, vector<1024x128xf32>
    %add3A = arith.addf %get3A_1, %get3A_4 : vector<1024x128xf32>
    %get3A_5 = arith.constant 0 : index
    %get3A_6 = vector.load %arg3[%get3A_5] : memref<1024xf32, #tpu.memory_space<vmem>>, vector<1024xf32>
    %get3A_7 = arith.constant 0 : index
    %get3A_8 = vector.load %arg4[%get3A_7] : memref<1024xf32, #tpu.memory_space<vmem>>, vector<1024xf32>
    %add3A_9 = arith.addf %get3A_6, %get3A_8 : vector<1024xf32>
    %max3A = arith.constant 1.000000e+00 : f32
    %max3A_10 = vector.broadcast %max3A : f32 to vector<1024xf32>
    %max3A_11 = arith.maximumf %add3A_9, %max3A_10 : vector<1024xf32>
    %div3A = arith.constant 1.000000e+00 : f32
    %div3A_12 = vector.broadcast %div3A : f32 to vector<1024xf32>
    %div3A_13 = arith.divf %div3A_12, %max3A_11 : vector<1024xf32>
    %broadcast_in_dim3A = vector.shape_cast %div3A_13 : vector<1024xf32> to vector<1024x1xf32>
    %mul3A = vector.broadcast %broadcast_in_dim3A : vector<1024x1xf32> to vector<1024x128xf32>
    %mul3A_14 = arith.mulf %add3A, %mul3A : vector<1024x128xf32>
    %get3A_15 = arith.constant 0 : index
    %get3A_16 = arith.constant 0 : index
    %get3A_17 = vector.load %arg5[%get3A_15, %get3A_16] : memref<1024x128xf32, #tpu.memory_space<vmem>>, vector<1024x128xf32>
    %add3A_18 = arith.addf %mul3A_14, %get3A_17 : vector<1024x128xf32>
    %reduce_max3A = arith.constant dense<0xFF800000> : vector<1024xf32>
    %reduce_max3A_19 = vector.multi_reduction <maximumf>, %add3A_18, %reduce_max3A [1] : vector<1024x128xf32> to vector<1024xf32>
    %broadcast_in_dim3A_20 = vector.shape_cast %reduce_max3A_19 : vector<1024xf32> to vector<1024x1xf32>
    %sub3A = vector.broadcast %broadcast_in_dim3A_20 : vector<1024x1xf32> to vector<1024x128xf32>
    %sub3A_21 = arith.subf %add3A_18, %sub3A : vector<1024x128xf32>
    %exp3A = math.exp %sub3A_21 : vector<1024x128xf32>
    %reduce_sum3A = arith.constant dense<0.000000e+00> : vector<1024xf32>
    %reduce_sum3A_22 = vector.multi_reduction <add>, %exp3A, %reduce_sum3A [1] : vector<1024x128xf32> to vector<1024xf32>
    %broadcast_in_dim3A_23 = vector.shape_cast %reduce_sum3A_22 : vector<1024xf32> to vector<1024x1xf32>
    %swap3A = arith.constant 0 : index
    %swap3A_24 = arith.constant 0 : index
    %swap3A_25 = vector.load %arg6[%swap3A, %swap3A_24] : memref<1024x128xf32, #tpu.memory_space<vmem>>, vector<1024x128xf32>
    tpu.vector_store %arg6[%swap3A, %swap3A_24], %add3A_18 {strides = array<i32>} : memref<1024x128xf32, #tpu.memory_space<vmem>>, vector<1024x128xf32>,
    %sub3A_26 = vector.broadcast %broadcast_in_dim3A_20 : vector<1024x1xf32> to vector<1024x128xf32>
    %sub3A_27 = arith.subf %add3A_18, %sub3A_26 : vector<1024x128xf32>
    %log3A = math.log %broadcast_in_dim3A_23 : vector<1024x1xf32>
    %sub3A_28 = vector.broadcast %log3A : vector<1024x1xf32> to vector<1024x128xf32>
    %sub3A_29 = arith.subf %sub3A_27, %sub3A_28 : vector<1024x128xf32>
    %swap3A_30 = arith.constant 0 : index
    %swap3A_31 = arith.constant 0 : index
    %swap3A_32 = vector.load %arg7[%swap3A_30, %swap3A_31] : memref<1024x128xf32, #tpu.memory_space<vmem>>, vector<1024x128xf32>
    tpu.vector_store %arg7[%swap3A_30, %swap3A_31], %sub3A_29 {strides = array<i32>} : memref<1024x128xf32, #tpu.memory_space<vmem>>, vector<1024x128xf32>,
    return
  }
  func.func @transform_0(%arg0: i32) -> (i32, i32) {
    %c0_i32 = arith.constant 0 : i32
    %c0_i32_0 = arith.constant 0 : i32
    return %arg0, %c0_i32 : i32, i32
  }
  func.func @transform_1(%arg0: i32) -> (i32, i32) {
    %add3A = arith.constant 10 : i32
    %add3A_0 = arith.addi %add3A, %arg0 : i32
    %c0_i32 = arith.constant 0 : i32
    %c0_i32_1 = arith.constant 0 : i32
    return %add3A_0, %c0_i32 : i32, i32
  }
  func.func @transform_2(%arg0: i32) -> i32 {
    %c0_i32 = arith.constant 0 : i32
    return %arg0 : i32
  }
  func.func @transform_3(%arg0: i32) -> i32 {
    %add3A = arith.constant 10 : i32
    %add3A_0 = arith.addi %add3A, %arg0 : i32
    %c0_i32 = arith.constant 0 : i32
    return %add3A_0 : i32
  }
  func.func @transform_4(%arg0: i32) -> (i32, i32) {
    %c0_i32 = arith.constant 0 : i32
    %c0_i32_0 = arith.constant 0 : i32
    return %arg0, %c0_i32 : i32, i32
  }
  func.func @transform_5(%arg0: i32) -> (i32, i32) {
    %c0_i32 = arith.constant 0 : i32
    %c0_i32_0 = arith.constant 0 : i32
    return %arg0, %c0_i32 : i32, i32
  }
  func.func @transform_6(%arg0: i32) -> (i32, i32) {
    %c0_i32 = arith.constant 0 : i32
    %c0_i32_0 = arith.constant 0 : i32
    return %arg0, %c0_i32 : i32, i32
  }
}

</mosaic_0001>

<sc_bundles>
// kernel: kernel.6.cloned.1.call-start
scs
__scs_entry_jumppad:
0x0: {  	(pc) =	sbr.rel $0x88, $3  }
0x1: {  	(tag) =	ssettag $0x0;
	lr =	simm.s32 $0x1  }
0x2: {  	[smem:$0x3F99] =	sst lr;
	_ =	strace $0xD0000000  }
0x3: {  	_ = 	snop  }
0x4: {  	_ = 	snop  }
0x5: {  	_ = 	snop  }
0x6: {  	_ = 	snop  }
0x7: {  	_ = 	snop  }
__scs_overlays_trampoline_lowered:
0x8: {  	[smem:$0x3FA8] =	sst s0  }
0x9: {  	[smem:$0x3FA9] =	sst s1  }
0xa: {  	[smem:$0x3FAA] =	sst s2  }
0xb: {  	[smem:$0x3FAB] =	sst s3  }
0xc: {  	[smem:$0x3FAC] =	sst s4  }
0xd: {  	[smem:$0x3FAD] =	sst s5  }
0xe: {  	[smem:$0x3FAE] =	sst s6  }
0xf: {  	[smem:$0x3FAF] =	sst s7  }
0x10: {  	[smem:$0x3FB0] =	sst s8  }
0x11: {  	[smem:$0x3FB1] =	sst s9;
	s0 =	simm.s32 @!p0 $0x0  }
0x12: {  	s1 =	sld [smem:$0x3F97];
	s0 =	simm.s32 @p0 $0x1  }
0x13: {  	[smem:$0x3FB2] =	sst s0;
	s0 =	simm.s32 @!p1 $0x0  }
0x14: {  	s2 =	sld [smem:$0x3F96];
	s0 =	simm.s32 @p1 $0x1  }
0x15: {  	[smem:$0x3FB3] =	sst s0;
	s0 =	simm.s32 @!p2 $0x0  }
0x16: {  	s3 =	sld [smem:$0x3FDB];
	s0 =	simm.s32 @p2 $0x1  }
0x17: {  	s4 =	simm.s32 $0x1BF5;
	[smem:$0x3FB5] =	sst s0  }
0x18: {  	s0 =	sld [smem:$0x3F98];
	_ =	swait.ge [sflag:s4], $0x0  }
0x19: {  	s7 =	sld [smem:$0x3F99]  }
0x1a: {  	s8 =	sadd.s32 $0xFFFFE003, lr  }
0x1b: {  	s9 =	sadd.s32 $0xFFFFFEF7, lr;
	s5 =	simm.s32 $0xFFFFFFFF;
	p2 =	slt.u32 s8, $0xFFFFF086  }
0x1c: {  	p1 =	slt.u32 s9, $0xF7A;
	s5 =	simm.s32 @!p2 $0x0  }
0x1d: {  	s5 =	simm.s32 @p1 $0x1;
	p0 =	seq.s32 s7, s2  }
0x1e: {  	s7 =	smul.u32 @!p0 $0xF7A, s2;
	p2 =	seq.s32 @!p0 s5, $0x0  }
0x1f: {  	s9 =	smul.u32 $0xF7A, s1;
	s8 =	simm.s32 @!p0 $0x1BF5;
	p2 =	por !p2, p0  }
0x20: {  	[sflag:s8] =	ssyncset.s32 @!p0 $0xFFFFF086;
	s6 =	sadd.s32 @!p0 s3, s7;
	s7 =	simm.s32 @!p0 $0x108  }
0x21: {  	s3 =	sadd.s32 s3, s9;
	s6 =	sadd.s32 @!p0 $0x88, s6;
	s7 =	simm.s32 @p2 $0x1082  }
0x22: {  	[simem:s7], [sflag:s8] =	dma.local @!p0 [hbm:s6], $0xF7A  }
0x23: {  	s9 =	sor.u32 $0xD0000000, s2;
	s6 =	simm.s32 $0x108;
	_ =	swait.ge @!p0 [sflag:s8], $0x0  }
0x24: {  	s3 =	sadd.s32 $0x88, s3;
	s6 =	simm.s32 @!p1 $0x1082;
	[sflag:s4] =	ssyncset.s32 $0xFFFFF086  }
0x25: {  	[simem:s6], [sflag:s4] =	dma.local [hbm:s3], $0xF7A  }
0x26: {  	[smem:$0x3F99] =	sst s1;
	(tag) =	ssettag s2;
	_ =	strace s9  }
0x27: {  	s1 =	sld [smem:$0x3FA9]  }
0x28: {  	s2 =	sld [smem:$0x3FAA]  }
0x29: {  	s4 =	sld [smem:$0x3FAC]  }
0x2a: {  	p0 =	seq.s32 s5, $0x0;
	s5 =	sld [smem:$0x3FAD]  }
0x2b: {  	s6 =	sld [smem:$0x3FAE]  }
0x2c: {  	s7 =	sld [smem:$0x3FAF]  }
0x2d: {  	s3 =	simm.s32 $0x108;
	s8 =	sld [smem:$0x3FB0]  }
0x2e: {  	s3 =	simm.s32 @!p0 $0x1082;
	s9 =	sld [smem:$0x3FB1]  }
0x2f: {  	lr =	sadd.s32 s0, s3;
	s0 =	sld [smem:$0x3FA8]  }
0x30: {  	s3 =	sld [smem:$0x3FAB]  }
0x31: {  	[smem:$0x3FB4] =	sst s10  }
0x32: {  	s10 =	sld [smem:$0x3FB2];
	_ =	sdelay $0x3  }
0x33: {  	p0 =	seq.s32 s10, $0x1;
	s10 =	sld [smem:$0x3FB4];
	_ =	sdelay $0x3  }
0x34: {  	[smem:$0x3FB4] =	sst s10  }
0x35: {  	s10 =	sld [smem:$0x3FB3];
	_ =	sdelay $0x3  }
0x36: {  	p1 =	seq.s32 s10, $0x1;
	s10 =	sld [smem:$0x3FB4];
	_ =	sdelay $0x3  }
0x37: {  	[smem:$0x3FB4] =	sst s10  }
0x38: {  	s10 =	sld [smem:$0x3FB5]  }
0x39: {  	_ = 	snop;
	(pc) =	sbr.ind lr, $3  }
0x3a: {  	_ = 	snop  }
0x3b: {  	_ = 	snop  }
0x3c: {  	p2 =	seq.s32 s10, $0x1;
	s10 =	sld [smem:$0x3FB4]  }
0x3d: {  	_ =	shalt  }
0x3e: {  	_ =	shalt  }
0x3f: {  	_ =	shalt  }
0x40: {  	_ =	shalt  }
0x41: {  	_ =	shalt  }
0x42: {  	_ =	shalt  }
0x43: {  	_ =	shalt  }
0x44: {  	_ =	shalt  }
0x45: {  	_ =	shalt  }
0x46: {  	_ =	shalt  }
0x47: {  	_ =	shalt  }
0x48: {  	_ =	shalt  }
0x49: {  	_ =	shalt  }
0x4a: {  	_ =	shalt  }
0x4b: {  	_ =	shalt  }
0x4c: {  	_ =	shalt  }
0x4d: {  	_ =	shalt  }
0x4e: {  	_ =	shalt  }
0x4f: {  	_ =	shalt  }
0x50: {  	_ =	shalt  }
0x51: {  	_ =	shalt  }
0x52: {  	_ =	shalt  }
0x53: {  	_ =	shalt  }
0x54: {  	_ =	shalt  }
0x55: {  	_ =	shalt  }
0x56: {  	_ =	shalt  }
0x57: {  	_ =	shalt  }
0x58: {  	_ =	shalt  }
0x59: {  	_ =	shalt  }
0x5a: {  	_ =	shalt  }
0x5b: {  	_ =	shalt  }
0x5c: {  	_ =	shalt  }
0x5d: {  	_ =	shalt  }
0x5e: {  	_ =	shalt  }
0x5f: {  	_ =	shalt  }
0x60: {  	_ =	shalt  }
0x61: {  	_ =	shalt  }
0x62: {  	_ =	shalt  }
0x63: {  	_ =	shalt  }
0x64: {  	_ =	shalt  }
0x65: {  	_ =	shalt  }
0x66: {  	_ =	shalt  }
0x67: {  	_ =	shalt  }
0x68: {  	_ =	shalt  }
0x69: {  	_ =	shalt  }
0x6a: {  	_ =	shalt  }
0x6b: {  	_ =	shalt  }
0x6c: {  	_ =	shalt  }
0x6d: {  	_ =	shalt  }
0x6e: {  	_ =	shalt  }
0x6f: {  	_ =	shalt  }
0x70: {  	_ =	shalt  }
0x71: {  	_ =	shalt  }
0x72: {  	_ =	shalt  }
0x73: {  	_ =	shalt  }
0x74: {  	_ =	shalt  }
0x75: {  	_ =	shalt  }
0x76: {  	_ =	shalt  }
0x77: {  	_ =	shalt  }
0x78: {  	_ =	shalt  }
0x79: {  	_ =	shalt  }
0x7a: {  	_ =	shalt  }
0x7b: {  	_ =	shalt  }
0x7c: {  	_ =	shalt  }
0x7d: {  	_ =	shalt  }
0x7e: {  	_ =	shalt  }
0x7f: {  	_ =	shalt  }
0x80: {  	_ =	shalt  }
0x81: {  	_ =	shalt  }
0x82: {  	_ =	shalt  }
0x83: {  	_ =	shalt  }
0x84: {  	_ =	shalt  }
0x85: {  	_ =	shalt  }
0x86: {  	_ =	shalt  }
0x87: {  	_ =	shalt  }
.Lfunc_end0:
.L_simem_size_0:
called_computation_lowered:
.L_overlay_start_0:
0x88: {  	s2 =	sld [smem:$0x3FD9]  }
0x89: {  	s3 =	sld [smem:$0x3FFE];
	_ =	sdelay $0x1  }
0x8a: {  	s1 =	srdreg.scid  }
0x8b: {  	s0 =	sand.u32 $0x1, s1  }
0x8c: {  	s14 =	sshll.u32 s0, $0xA;
	s2 =	sadd.s32 s3, s2  }
0x8d: {  	s2 =	sadd.s32 s2, s14  }
0x8e: {  	[smem:$0x3FC0] =	sst s2  }
0x8f: {  	_ = 	snop  }
0x90: {  	s2 =	sld [smem:$0x3FD0];
	_ =	sdelay $0x2  }
0x91: {  	s4 =	simm.s32 $0xA;
	s5 =	simm.s32 $0x10;
	s15 =	sld [smem:$0x3FC9]  }
0x92: {  	[smem:s5], [sflag:s4] =	dma.local [hbm:s2], $0x1  }
0x93: {  	_ =	swait.eq [sflag:s4], $0x1  }
0x94: {  	[sflag:s4] =	ssyncset.done $0x0  }
0x95: {  	s16 =	sld [smem:$0x10];
	[sflag:s4] =	ssyncadd.s32 $0xFFFFFFFF  }
0x96: {  	s17 =	sld [smem:$0x11];
	(tm) =	ssettm $0x1  }
0x97: {  	s18 =	sld [smem:$0x3FFB];
	_ =	sdelay $0x3  }
0x98: {  	_ =	strace s18  }
0x99: {  	s5 =	sld [smem:$0x3FFC];
	_ =	sdelay $0x3  }
0x9a: {  	_ =	strace s5  }
0x9b: {  	s5 =	sld [smem:$0x3FFD];
	_ =	sdelay $0x3  }
0x9c: {  	_ =	strace s5  }
0x9d: {  	_ =	strace $0x8FFFFFFF  }
0x9e: {  	s19 =	sld [smem:$0x3FDB];
	_ =	sdelay $0x1  }
0x9f: {  	s6 =	simm.s32 $_scs_section_size  }
0xa0: {  	s7 =	simm.s32 $_size__tile_overlayer_lowered;
	s8 =	simm.s32 $_tile_overlayer_lowered  }
0xa1: {  	s22 =	simm.s32 $0x1BFF;
	s21 =	sshll.u32 s8, $0x1;
	s5 =	sadd.s32 s6, s19  }
0xa2: {  	s9 =	simm.s32 $0x0;
	s20 =	sshll.u32 s7, $0x1;
	s7 =	sadd.s32 s21, s5  }
0xa3: {  	[timem:s9], [sflag:s22] =	dma.local [hbm:s7], s20  }
0xa4: {  	_ =	swait.ge [sflag:s22], s20  }
0xa5: {  	s6 =	ssub.s32 $0x0, s20;
	[sflag:s22] =	ssyncset.done $0x0  }
0xa6: {  	[sflag:s22] =	ssyncadd.s32 s6;
	_ =	sdelay $0x1  }
0xa7: {  	s23 =	simm.s32 $0x1B8B  }
0xa8: {  	_ =	swait.ge [sflag:s23], $0x1  }
0xa9: {  	[sflag:s23] =	ssyncset.done $0x0  }
0xaa: {  	s25 =	simm.s32 $0x1B8E;
	s24 =	sld [smem:$0x3FFE];
	[sflag:s23] =	ssyncadd.s32 $0xFFFFFFFF  }
0xab: {  	s26 =	simm.s32 $execute0_lowered;
	[smem:$0x3FD2] =	sst s25  }
0xac: {  	s7 =	sshll.u32 s26, $0x1;
	_ =	strace $0x80000046;
	[dreg:$0x1] =	wrdreg $0xFFFFFFFF  }
0xad: {  	s28 =	simm.s32 $_size_execute0_lowered;
	s5 =	sadd.s32 s5, s7;
	[dreg:$0x0] =	wrdreg $0x0  }
0xae: {  	s7 =	sshll.u32 s28, $0x1;
	[dreg:$0x2] =	wrdreg s5  }
0xaf: {  	[dreg:$0x3] =	wrdreg s7  }
0xb0: {  	[dreg:$0x4] =	wrdreg $0xC0  }
0xb1: {  	_ =	task [dreg:s9], $0x5FFFF  }
0xb2: {  	[dreg:$0x1] =	wrdreg $0xFFFFFFFF  }
0xb3: {  	[dreg:$0x0] =	wrdreg $0x60  }
0xb4: {  	[dreg:$0x2] =	wrdreg s15  }
0xb5: {  	[dreg:$0x3] =	wrdreg s16  }
0xb6: {  	[dreg:$0x4] =	wrdreg s24  }
0xb7: {  	[dreg:$0x5] =	wrdreg s17  }
0xb8: {  	[dreg:$0x6] =	wrdreg $0xA3000  }
0xb9: {  	[dreg:$0x7] =	wrdreg $0x1DBC00  }
0xba: {  	[dreg:$0x8] =	wrdreg $0x9  }
0xbb: {  	_ =	task.clear_ibuf [dreg:s9], $0x9FFFF;
	_ =	strace $0x90000046  }
0xbc: {  	s29 =	simm.s32 $0x9;
	_ =	strace $0x80000048  }
0xbd: {  	_ =	swait.ge [sflag:s29], $0x1  }
0xbe: {  	[sflag:s29] =	ssyncadd.s32 $0xFFFFFFFF  }
0xbf: {  	_ =	strace $0x90000048  }
0xc0: {  	_ =	sfence  }
0xc1: {  	s30 =	sld [smem:$0x0];
	_ =	sdelay $0x2  }
0xc2: {  	s31 =	sshll.u32 s1, $0xD;
	s1 =	sshrl.u32 s1, $0x2  }
0xc3: {  	s3 =	sand.u32 $0x4000, s31;
	s1 =	sadd.s32 s1, s30  }
0xc4: {  	s0 =	sor.u32 s3, s0;
	s1 =	sshll.u32 s1, $0x11  }
0xc5: {  	s0 =	sor.u32 s1, s0  }
0xc6: {  	s0 =	sadd.s32 $0x8F2B, s0  }
0xc7: {  	[sflag:s0] =	ssyncadd.remote.s32 $0x1  }
0xc8: {  	_ =	sfence.sel $0xFFFF  }
0xc9: {  	[dreg:$0x0] =	wrdreg $0xFFFFFFFF;
	(pc) =	sbr.abs _section_cstart, $3  }
0xca: {  	[dreg:$0x1] =	wrdreg $0xFFFFFFFF  }
0xcb: {  	_ =	task.clear_ibuf [dreg:s9], $0x2FFFF;
	_ =	strace $0x9FFFFFFF  }
0xcc: {  	(tm) =	ssettm $0x7FFFFFFF  }
0xcd: {  	_ =	shalt  }
tec
execute0_lowered:
.L_overlay_start_1:
0x0: {  	(tag) =	ssettag $0x1  }
0x1: {  	s1 =	rddreg [dreg:$0x0]  }
0x2: {  	s0 =	rddreg [dreg:$0x1]  }
0x3: {  	s2 =	rddreg [dreg:$0x2]  }
0x4: {  	s4 =	rddreg [dreg:$0x4]  }
0x5: {  	s5 =	rddreg [dreg:$0x5];
	s6 =	simm.s32 $0x0;
	s16 =	stileid.u32  }
0x6: {  	s7 =	srdreg.scid;
	s28 =	simm.s32 $0xA000;
	s29 =	simm.s32 $0x1000  }
0x7: {  	s30 =	simm.s32 $0x80;
	s31 =	simm.s32 $0x2000;
	[smem:$0x7FF] =	sst s6  }
0x8: {  	s3 =	smul.u32 $0x2700, s16;
	s8 =	sadd.s32 $0x2400, s2;
	s7 =	sand.u32 $0x1, s7  }
0x9: {  	s11 =	sadd.s32 $0x35600, s2;
	s10 =	smul.u32 $0x4E000, s16;
	s12 =	sadd.s32 $0x85600, s2  }
0xa: {  	s14 =	sshll.u32 s16, $0x1;
	s18 =	smul.u32 $0x270, s16;
	s25 =	sshll.u32 s16, $0x6  }
0xb: {  	s26 =	sadd.s32 $0x138000, s4;
	p0 =	sne.s32 s16, $0xF;
	_ =	strace $0x80000047  }
0xc: {  	s9 =	ssub.s32 $0x2, s7;
	s14 =	sor.u32 s7, s14;
	s7 =	smul.u32 $0x2800, s7  }
0xd: {  	[dreg:$0x9] =	wrdreg s26;
	s3 =	sadd.s32 s3, s2;
	s15 =	smul.u32 $0x600, s14  }
0xe: {  	s13 =	sshrl.u32 s9, $0x1;
	s10 =	sshrl.u32 s10, $0x2;
	s14 =	smul.u32 $0x3000, s14  }
0xf: {  	s2 =	sadd.s32 $0x35400, s2;
	s13 =	ssub.s32 s9, s13;
	s24 =	sadd.s32 s10, s4  }
0x10: {  	s3 =	sadd.s32 $0xE400, s3;
	s9 =	sor.u32 $0x1C02, s25;
	[dreg:$0xa] =	wrdreg s2  }
0x11: {  	s10 =	sadd.s32 s18, s5;
	s23 =	sadd.s32 s18, s7;
	[dreg:$0x7] =	wrdreg s24  }
0x12: {  	[dreg:$0x8] =	wrdreg s3;
	s17 =	sadd.s32 s0, s15;
	s19 =	sshrl.u32 s14, $0x3  }
0x13: {  	s20 =	sadd.s32 s8, s15;
	s24 =	sadd.s32 $0x2700, s7;
	[dreg:$0xb] =	wrdreg s17  }
0x14: {  	s25 =	sshll.u32 s23, $0x4;
	[dreg:$0xc] =	wrdreg s20;
	s21 =	sadd.s32 $0x200, s19  }
0x15: {  	s2 =	sadd.s32 $0x400, s19;
	s7 =	sshll.u32 s24, $0x4;
	s19 =	sadd.s32 s11, s25  }
0x16: {  	s26 =	sshrl.u32 s24, $0x3;
	s24 =	smax.u32 s13, $0x1;
	s25 =	simm.s32 $0x2  }
0x17: {  	s22 =	sadd.s32 s0, s21;
	s3 =	sadd.s32 s8, s21;
	s17 =	sadd.s32 s0, s2  }
0x18: {  	s18 =	sadd.s32 s8, s2;
	s0 =	sshrl.u32 s23, $0x3;
	s20 =	sadd.s32 s11, s7  }
0x19: {  	s21 =	sadd.s32 $0x2700, s5;
	s23 =	sadd.s32 s12, s26;
	s26 =	simm.s32 $0xA080  }
0x1a: {  	s2 =	simm.s32 $0xD80;
	s7 =	simm.s32 $0x1D00;
	[dreg:$0xd] =	wrdreg s22  }
0x1b: {  	s8 =	simm.s32 $0x1D80;
	s11 =	simm.s32 $0x0;
	[dreg:$0xe] =	wrdreg s3  }
0x1c: {  	v0 =	vimm.f32 $0.0e+00;
	s22 =	sadd.s32 s12, s0;
	s0 =	simm.s32 $0x1;
	s3 =	simm.s32 $0x6000  }
.LBB2_1:
0x1d: {  	s12 =	rddreg [dreg:$0x7]  }
0x1e: {  	s13 =	rddreg [dreg:$0x8];
	s12 =	sshrl.u32 s12, $0x3  }
0x1f: {  	[spmem:s12], [sflag:s9] =	dma.local [hbm:s13], $0x2700  }
0x20: {  	_ =	swait.ge [sflag:s25], $0x2700  }
0x21: {  	[sflag:s25] =	ssyncset.done $0x0  }
0x22: {  	[sflag:s25] =	ssyncadd.s32 $0xFFFFD900  }
0x23: {  	[tilespmem:$0xA080] =	vst v0  }
0x24: {  	[tilespmem:$0xA090] =	vst v0  }
0x25: {  	[tilespmem:$0xA0A0] =	vst v0  }
0x26: {  	[tilespmem:$0xA0B0] =	vst v0  }
0x27: {  	[tilespmem:$0xA0C0] =	vst v0  }
0x28: {  	[tilespmem:$0xA0D0] =	vst v0  }
0x29: {  	[tilespmem:$0xA0E0] =	vst v0  }
0x2a: {  	[tilespmem:$0xA0F0] =	vst v0  }
0x2b: {  	[tilespmem:$0xA100] =	vst v0  }
0x2c: {  	[tilespmem:$0xA110] =	vst v0  }
0x2d: {  	[tilespmem:$0xA120] =	vst v0  }
0x2e: {  	[tilespmem:$0xA130] =	vst v0  }
0x2f: {  	[tilespmem:$0xA140] =	vst v0  }
0x30: {  	[tilespmem:$0xA150] =	vst v0  }
0x31: {  	[tilespmem:$0xA160] =	vst v0  }
0x32: {  	[tilespmem:$0xA170] =	vst v0  }
0x33: {  	[tilespmem:$0xA180] =	vst v0  }
0x34: {  	[tilespmem:$0xA190] =	vst v0  }
0x35: {  	[tilespmem:$0xA1A0] =	vst v0  }
0x36: {  	[tilespmem:$0xA1B0] =	vst v0  }
0x37: {  	[tilespmem:$0xA1C0] =	vst v0  }
0x38: {  	[tilespmem:$0xA1D0] =	vst v0  }
0x39: {  	[tilespmem:$0xA1E0] =	vst v0  }
0x3a: {  	[tilespmem:$0xA1F0] =	vst v0  }
0x3b: {  	[tilespmem:$0xA200] =	vst v0  }
0x3c: {  	[tilespmem:$0xA210] =	vst v0  }
0x3d: {  	[tilespmem:$0xA220] =	vst v0  }
0x3e: {  	[tilespmem:$0xA230] =	vst v0  }
0x3f: {  	[tilespmem:$0xA240] =	vst v0  }
0x40: {  	[tilespmem:$0xA250] =	vst v0  }
0x41: {  	[tilespmem:$0xA260] =	vst v0  }
0x42: {  	[tilespmem:$0xA270] =	vst v0  }
0x43: {  	[tilespmem:$0xA280] =	vst v0  }
0x44: {  	[tilespmem:$0xA290] =	vst v0  }
0x45: {  	[tilespmem:$0xA2A0] =	vst v0  }
0x46: {  	[tilespmem:$0xA2B0] =	vst v0  }
0x47: {  	[tilespmem:$0xA2C0] =	vst v0  }
0x48: {  	[tilespmem:$0xA2D0] =	vst v0  }
0x49: {  	[tilespmem:$0xA2E0] =	vst v0  }
0x4a: {  	[spmem:s10] =	stream.linear.scatter [tilespmem:s26], [sflag:$0x2], $0x270, $0x38;
	[tilespmem:$0x1DE38] =	vst v63  }
0x4b: {  	_ =	swait.ge [sflag:s25], $0x270  }
0x4c: {  	[sflag:s25] =	ssyncset.done $0x0;
	s13 =	rddreg [dreg:$0x9]  }
0x4d: {  	s14 =	rddreg [dreg:$0xa];
	[sflag:s25] =	ssyncadd.s32 $0xFFFFFD90;
	s13 =	sshrl.u32 @!p0 s13, $0x3  }
0x4e: {  	[spmem:s13], [sflag:s9] =	dma.local @!p0 [hbm:s14], $0x180  }
0x4f: {  	s14 =	simm.s32 @!p0 $0x2  }
0x50: {  	_ =	swait.ge @!p0 [sflag:s14], $0x180  }
0x51: {  	[sflag:s14] =	ssyncset.done @!p0 $0x0  }
0x52: {  	s15 =	simm.s32 @!p0 $0xA080;
	[sflag:s14] =	ssyncadd.s32 @!p0 $0xFFFFFE80  }
0x53: {  	[spmem:s21] =	stream.linear.scatter @!p0 [tilespmem:s15], [sflag:$0x2], $0x18, $0x38;
	[tilespmem:$0x1DE38] =	vst v63  }
0x54: {  	_ =	swait.ge @!p0 [sflag:s14], $0x18  }
0x55: {  	[sflag:s14] =	ssyncset.done @!p0 $0x0  }
0x56: {  	[sflag:s14] =	ssyncadd.s32 @!p0 $0xFFFFFFE8  }
0x57: {  	s14 =	rddreg [dreg:$0x3]  }
0x58: {  	[tilespmem:s28], [sflag:$0x2] =	stream.linear.gather [hbm4b:s14+s6], $0x80, $0x38;
	[tilespmem:$0x1DE38] =	vst v63  }
0x59: {  	_ =	swait.ge [sflag:s25], $0x80  }
0x5a: {  	[sflag:s25] =	ssyncset.done $0x0  }
0x5b: {  	[sflag:s25] =	ssyncadd.s32 $0xFFFFFF80  }
0x5c: {  	[bflag:$0x0] =	sbarrier.arrive $0xFFFF  }
0x5d: {  	s15 =	rddreg [dreg:$0xb]  }
0x5e: {  	[tilespmem:s6], [sflag:$0x2] =	stream.linear.gather [hbm4b:s15+s6], $0xE00, $0x38;
	[tilespmem:$0x1DE38] =	vst v63  }
0x5f: {  	_ =	swait.ge [sflag:s25], $0xE00  }
0x60: {  	[sflag:s25] =	ssyncset.done $0x0  }
0x61: {  	s16 =	rddreg [dreg:$0xc];
	[sflag:s25] =	ssyncadd.s32 $0xFFFFF200  }
0x62: {  	[tilespmem:s29], [sflag:$0x2] =	stream.linear.gather [hbm4b:s16+s6], $0xE00, $0x38;
	[tilespmem:$0x1DE38] =	vst v63  }
0x63: {  	_ =	swait.ge [sflag:s25], $0xE00  }
0x64: {  	[sflag:s25] =	ssyncset.done $0x0  }
0x65: {  	[sflag:s25] =	ssyncadd.s32 $0xFFFFF200  }
0x66: {  	[tilespmem:s31], [sflag:$0x1] =	stream.indirect.gather [hbm4b:s1+s30], $0x80, s6, s30, $0xb8;
	[tilespmem:$0x1DE38] =	vst v63  }
0x67: {  	_ =	swait.ge [sflag:s0], $0x4000  }
0x68: {  	[sflag:s0] =	ssyncset.done $0x0  }
0x69: {  	s15 =	simm.s32 $0x80;
	[sflag:s0] =	ssyncadd.s32 $0xFFFFC000  }
0x6a: {  	[tilespmem:s3], [sflag:$0x1] =	stream.indirect.gather [hbm4b:s1+s30], $0x80, s15, s30, $0xb8;
	[tilespmem:$0x1DE38] =	vst v63  }
0x6b: {  	s16 =	simm.s32 $0x1000  }
0x6c: {  	[spmem:s4] =	stream.indirect.scatter.add.f32 [tilespmem:s31], [sflag:$0x2], $0x80, s16, s30, $0xb8;
	[tilespmem:$0x1DE38] =	vst v63  }
0x6d: {  	_ =	swait.ge [sflag:s25], $0x4000  }
0x6e: {  	[sflag:s25] =	ssyncset.done $0x0  }
0x6f: {  	[sflag:s25] =	ssyncadd.s32 $0xFFFFC000  }
0x70: {  	[spmem:s5] =	stream.indirect.scatter.add.f32 [tilespmem:s28], [sflag:$0x2], $0x1, s16, s30, $0xb8;
	[tilespmem:$0x1DE38] =	vst v63  }
0x71: {  	_ =	swait.ge [sflag:s25], $0x80  }
0x72: {  	[sflag:s25] =	ssyncset.done $0x0  }
0x73: {  	[sflag:s25] =	ssyncadd.s32 $0xFFFFFF80  }
0x74: {  	_ =	swait.ge [sflag:s0], $0x4000  }
0x75: {  	[sflag:s0] =	ssyncset.done $0x0  }
0x76: {  	s15 =	simm.s32 $0x100;
	[sflag:s0] =	ssyncadd.s32 $0xFFFFC000  }
0x77: {  	[tilespmem:s31], [sflag:$0x1] =	stream.indirect.gather [hbm4b:s1+s30], $0x80, s15, s30, $0xb8;
	[tilespmem:$0x1DE38] =	vst v63  }
0x78: {  	s16 =	simm.s32 $0x1080  }
0x79: {  	[spmem:s4] =	stream.indirect.scatter.add.f32 [tilespmem:s3], [sflag:$0x2], $0x80, s16, s30, $0xb8;
	[tilespmem:$0x1DE38] =	vst v63  }
0x7a: {  	_ =	swait.ge [sflag:s25], $0x4000  }
0x7b: {  	[sflag:s25] =	ssyncset.done $0x0  }
0x7c: {  	[sflag:s25] =	ssyncadd.s32 $0xFFFFC000  }
0x7d: {  	[spmem:s5] =	stream.indirect.scatter.add.f32 [tilespmem:s28], [sflag:$0x2], $0x1, s16, s30, $0xb8;
	[tilespmem:$0x1DE38] =	vst v63  }
0x7e: {  	_ =	swait.ge [sflag:s25], $0x80  }
0x7f: {  	s14 =	simm.s32 $0x400;
	[sflag:s25] =	ssyncset.done $0x0  }
.LBB2_2:
0x80: {  	p1 =	sne.s32 s14, $0x3000  }
0x81: {  	[sflag:s25] =	ssyncadd.s32 $0xFFFFFF80;
	s15 =	smov.u32 s14;
	s14 =	sadd.s32 $0x400, s14  }
0x82: {  	_ =	swait.ge [sflag:s0], $0x4000  }
0x83: {  	s15 =	sshra.s32 s15, $0x2;
	[sflag:s0] =	ssyncset.done $0x0  }
0x84: {  	s16 =	sadd.s32 $0x80, s15;
	[sflag:s0] =	ssyncadd.s32 $0xFFFFC000  }
0x85: {  	[tilespmem:s3], [sflag:$0x1] =	stream.indirect.gather [hbm4b:s1+s30], $0x80, s16, s30, $0xb8;
	[tilespmem:$0x1DE38] =	vst v63  }
0x86: {  	s16 =	sadd.s32 $0x1000, s15  }
0x87: {  	[spmem:s4] =	stream.indirect.scatter.add.f32 [tilespmem:s31], [sflag:$0x2], $0x80, s16, s30, $0xb8;
	[tilespmem:$0x1DE38] =	vst v63  }
0x88: {  	_ =	swait.ge [sflag:s25], $0x4000  }
0x89: {  	[sflag:s25] =	ssyncset.done $0x0  }
0x8a: {  	[sflag:s25] =	ssyncadd.s32 $0xFFFFC000  }
0x8b: {  	[spmem:s5] =	stream.indirect.scatter.add.f32 [tilespmem:s28], [sflag:$0x2], $0x1, s16, s30, $0xb8;
	[tilespmem:$0x1DE38] =	vst v63  }
0x8c: {  	_ =	swait.ge [sflag:s25], $0x80  }
0x8d: {  	[sflag:s25] =	ssyncset.done $0x0  }
0x8e: {  	[sflag:s25] =	ssyncadd.s32 $0xFFFFFF80  }
0x8f: {  	_ =	swait.ge [sflag:s0], $0x4000  }
0x90: {  	[sflag:s0] =	ssyncset.done $0x0  }
0x91: {  	s16 =	sadd.s32 $0x100, s15;
	[sflag:s0] =	ssyncadd.s32 $0xFFFFC000  }
0x92: {  	[tilespmem:s31], [sflag:$0x1] =	stream.indirect.gather [hbm4b:s1+s30], $0x80, s16, s30, $0xb8;
	[tilespmem:$0x1DE38] =	vst v63  }
0x93: {  	s15 =	sadd.s32 $0x1080, s15  }
0x94: {  	[spmem:s4] =	stream.indirect.scatter.add.f32 [tilespmem:s3], [sflag:$0x2], $0x80, s15, s30, $0xb8;
	[tilespmem:$0x1DE38] =	vst v63  }
0x95: {  	_ =	swait.ge [sflag:s25], $0x4000  }
.Ltmp0:
0x96: {  	[sflag:s25] =	ssyncset.done $0x0;
	(pc) =	sbr.rel @p1 .LBB2_2-.Ltmp0, $4  }
0x97: {  	[sflag:s25] =	ssyncadd.s32 $0xFFFFC000  }
0x98: {  	[spmem:s5] =	stream.indirect.scatter.add.f32 [tilespmem:s28], [sflag:$0x2], $0x1, s15, s30, $0xb8;
	[tilespmem:$0x1DE38] =	vst v63  }
0x99: {  	_ =	swait.ge [sflag:s25], $0x80  }
0x9a: {  	[sflag:s25] =	ssyncset.done $0x0  }
0x9b: {  	[sflag:s25] =	ssyncadd.s32 $0xFFFFFF80  }
0x9c: {  	_ =	swait.ge [sflag:s0], $0x4000  }
0x9d: {  	[sflag:s0] =	ssyncset.done $0x0  }
0x9e: {  	[sflag:s0] =	ssyncadd.s32 $0xFFFFC000  }
0x9f: {  	[tilespmem:s3], [sflag:$0x1] =	stream.indirect.gather [hbm4b:s1+s30], $0x80, s2, s30, $0xb8;
	[tilespmem:$0x1DE38] =	vst v63  }
0xa0: {  	_ = 	snop  }
0xa1: {  	[spmem:s4] =	stream.indirect.scatter.add.f32 [tilespmem:s31], [sflag:$0x2], $0x80, s7, s30, $0xb8;
	[tilespmem:$0x1DE38] =	vst v63  }
0xa2: {  	_ =	swait.ge [sflag:s25], $0x4000  }
0xa3: {  	[sflag:s25] =	ssyncset.done $0x0  }
0xa4: {  	[sflag:s25] =	ssyncadd.s32 $0xFFFFC000  }
0xa5: {  	[spmem:s5] =	stream.indirect.scatter.add.f32 [tilespmem:s28], [sflag:$0x2], $0x1, s7, s30, $0xb8;
	[tilespmem:$0x1DE38] =	vst v63  }
0xa6: {  	_ =	swait.ge [sflag:s25], $0x80  }
0xa7: {  	[sflag:s25] =	ssyncset.done $0x0  }
0xa8: {  	[sflag:s25] =	ssyncadd.s32 $0xFFFFFF80  }
0xa9: {  	_ =	swait.ge [sflag:s0], $0x4000  }
0xaa: {  	[sflag:s0] =	ssyncset.done $0x0  }
0xab: {  	[sflag:s0] =	ssyncadd.s32 $0xFFFFC000  }
0xac: {  	[spmem:s4] =	stream.indirect.scatter.add.f32 [tilespmem:s3], [sflag:$0x2], $0x80, s8, s30, $0xb8;
	[tilespmem:$0x1DE38] =	vst v63  }
0xad: {  	_ =	swait.ge [sflag:s25], $0x4000  }
0xae: {  	[sflag:s25] =	ssyncset.done $0x0  }
0xaf: {  	[sflag:s25] =	ssyncadd.s32 $0xFFFFC000  }
0xb0: {  	[spmem:s5] =	stream.indirect.scatter.add.f32 [tilespmem:s28], [sflag:$0x2], $0x1, s8, s30, $0xb8;
	[tilespmem:$0x1DE38] =	vst v63  }
0xb1: {  	_ =	swait.ge [sflag:s25], $0x80  }
0xb2: {  	[sflag:s25] =	ssyncset.done $0x0  }
0xb3: {  	s14 =	simm.s32 $0x0;
	s15 =	rddreg [dreg:$0xd];
	[sflag:s25] =	ssyncadd.s32 $0xFFFFFF80  }
0xb4: {  	[tilespmem:s14], [sflag:$0x2] =	stream.linear.gather [hbm4b:s15+s14], $0xE00, $0x38;
	[tilespmem:$0x1DE38] =	vst v63  }
0xb5: {  	_ =	swait.ge [sflag:s25], $0xE00  }
0xb6: {  	[sflag:s25] =	ssyncset.done $0x0  }
0xb7: {  	s16 =	rddreg [dreg:$0xe];
	[sflag:s25] =	ssyncadd.s32 $0xFFFFF200  }
0xb8: {  	[tilespmem:s29], [sflag:$0x2] =	stream.linear.gather [hbm4b:s16+s14], $0xE00, $0x38;
	[tilespmem:$0x1DE38] =	vst v63  }
0xb9: {  	_ =	swait.ge [sflag:s25], $0xE00  }
0xba: {  	[sflag:s25] =	ssyncset.done $0x0  }
0xbb: {  	[sflag:s25] =	ssyncadd.s32 $0xFFFFF200  }
0xbc: {  	[tilespmem:s31], [sflag:$0x1] =	stream.indirect.gather [hbm4b:s1+s30], $0x80, s14, s30, $0xb8;
	[tilespmem:$0x1DE38] =	vst v63  }
0xbd: {  	_ =	swait.ge [sflag:s0], $0x4000  }
0xbe: {  	[sflag:s0] =	ssyncset.done $0x0  }
0xbf: {  	s15 =	simm.s32 $0x80;
	[sflag:s0] =	ssyncadd.s32 $0xFFFFC000  }
0xc0: {  	[tilespmem:s3], [sflag:$0x1] =	stream.indirect.gather [hbm4b:s1+s30], $0x80, s15, s30, $0xb8;
	[tilespmem:$0x1DE38] =	vst v63  }
0xc1: {  	s16 =	simm.s32 $0x1000  }
0xc2: {  	[spmem:s4] =	stream.indirect.scatter.add.f32 [tilespmem:s31], [sflag:$0x2], $0x80, s16, s30, $0xb8;
	[tilespmem:$0x1DE38] =	vst v63  }
0xc3: {  	_ =	swait.ge [sflag:s25], $0x4000  }
0xc4: {  	[sflag:s25] =	ssyncset.done $0x0  }
0xc5: {  	[sflag:s25] =	ssyncadd.s32 $0xFFFFC000  }
0xc6: {  	[spmem:s5] =	stream.indirect.scatter.add.f32 [tilespmem:s28], [sflag:$0x2], $0x1, s16, s30, $0xb8;
	[tilespmem:$0x1DE38] =	vst v63  }
0xc7: {  	_ =	swait.ge [sflag:s25], $0x80  }
0xc8: {  	[sflag:s25] =	ssyncset.done $0x0  }
0xc9: {  	[sflag:s25] =	ssyncadd.s32 $0xFFFFFF80  }
0xca: {  	_ =	swait.ge [sflag:s0], $0x4000  }
0xcb: {  	[sflag:s0] =	ssyncset.done $0x0  }
0xcc: {  	s15 =	simm.s32 $0x100;
	[sflag:s0] =	ssyncadd.s32 $0xFFFFC000  }
0xcd: {  	[tilespmem:s31], [sflag:$0x1] =	stream.indirect.gather [hbm4b:s1+s30], $0x80, s15, s30, $0xb8;
	[tilespmem:$0x1DE38] =	vst v63  }
0xce: {  	s16 =	simm.s32 $0x1080  }
0xcf: {  	[spmem:s4] =	stream.indirect.scatter.add.f32 [tilespmem:s3], [sflag:$0x2], $0x80, s16, s30, $0xb8;
	[tilespmem:$0x1DE38] =	vst v63  }
0xd0: {  	_ =	swait.ge [sflag:s25], $0x4000  }
0xd1: {  	[sflag:s25] =	ssyncset.done $0x0  }
0xd2: {  	[sflag:s25] =	ssyncadd.s32 $0xFFFFC000  }
0xd3: {  	[spmem:s5] =	stream.indirect.scatter.add.f32 [tilespmem:s28], [sflag:$0x2], $0x1, s16, s30, $0xb8;
	[tilespmem:$0x1DE38] =	vst v63  }
0xd4: {  	_ =	swait.ge [sflag:s25], $0x80  }
0xd5: {  	s14 =	simm.s32 $0x400;
	[sflag:s25] =	ssyncset.done $0x0  }
.LBB2_4:
0xd6: {  	p1 =	sne.s32 s14, $0x3000  }
0xd7: {  	[sflag:s25] =	ssyncadd.s32 $0xFFFFFF80;
	s15 =	smov.u32 s14;
	s14 =	sadd.s32 $0x400, s14  }
0xd8: {  	_ =	swait.ge [sflag:s0], $0x4000  }
0xd9: {  	s15 =	sshra.s32 s15, $0x2;
	[sflag:s0] =	ssyncset.done $0x0  }
0xda: {  	s16 =	sadd.s32 $0x80, s15;
	[sflag:s0] =	ssyncadd.s32 $0xFFFFC000  }
0xdb: {  	[tilespmem:s3], [sflag:$0x1] =	stream.indirect.gather [hbm4b:s1+s30], $0x80, s16, s30, $0xb8;
	[tilespmem:$0x1DE38] =	vst v63  }
0xdc: {  	s16 =	sadd.s32 $0x1000, s15  }
0xdd: {  	[spmem:s4] =	stream.indirect.scatter.add.f32 [tilespmem:s31], [sflag:$0x2], $0x80, s16, s30, $0xb8;
	[tilespmem:$0x1DE38] =	vst v63  }
0xde: {  	_ =	swait.ge [sflag:s25], $0x4000  }
0xdf: {  	[sflag:s25] =	ssyncset.done $0x0  }
0xe0: {  	[sflag:s25] =	ssyncadd.s32 $0xFFFFC000  }
0xe1: {  	[spmem:s5] =	stream.indirect.scatter.add.f32 [tilespmem:s28], [sflag:$0x2], $0x1, s16, s30, $0xb8;
	[tilespmem:$0x1DE38] =	vst v63  }
0xe2: {  	_ =	swait.ge [sflag:s25], $0x80  }
0xe3: {  	[sflag:s25] =	ssyncset.done $0x0  }
0xe4: {  	[sflag:s25] =	ssyncadd.s32 $0xFFFFFF80  }
0xe5: {  	_ =	swait.ge [sflag:s0], $0x4000  }
0xe6: {  	[sflag:s0] =	ssyncset.done $0x0  }
0xe7: {  	s16 =	sadd.s32 $0x100, s15;
	[sflag:s0] =	ssyncadd.s32 $0xFFFFC000  }
0xe8: {  	[tilespmem:s31], [sflag:$0x1] =	stream.indirect.gather [hbm4b:s1+s30], $0x80, s16, s30, $0xb8;
	[tilespmem:$0x1DE38] =	vst v63  }
0xe9: {  	s15 =	sadd.s32 $0x1080, s15  }
0xea: {  	[spmem:s4] =	stream.indirect.scatter.add.f32 [tilespmem:s3], [sflag:$0x2], $0x80, s15, s30, $0xb8;
	[tilespmem:$0x1DE38] =	vst v63  }
0xeb: {  	_ =	swait.ge [sflag:s25], $0x4000  }
.Ltmp1:
0xec: {  	[sflag:s25] =	ssyncset.done $0x0;
	(pc) =	sbr.rel @p1 .LBB2_4-.Ltmp1, $4  }
0xed: {  	[sflag:s25] =	ssyncadd.s32 $0xFFFFC000  }
0xee: {  	[spmem:s5] =	stream.indirect.scatter.add.f32 [tilespmem:s28], [sflag:$0x2], $0x1, s15, s30, $0xb8;
	[tilespmem:$0x1DE38] =	vst v63  }
0xef: {  	_ =	swait.ge [sflag:s25], $0x80  }
0xf0: {  	[sflag:s25] =	ssyncset.done $0x0  }
0xf1: {  	[sflag:s25] =	ssyncadd.s32 $0xFFFFFF80  }
0xf2: {  	_ =	swait.ge [sflag:s0], $0x4000  }
0xf3: {  	[sflag:s0] =	ssyncset.done $0x0  }
0xf4: {  	[sflag:s0] =	ssyncadd.s32 $0xFFFFC000  }
0xf5: {  	[tilespmem:s3], [sflag:$0x1] =	stream.indirect.gather [hbm4b:s1+s30], $0x80, s2, s30, $0xb8;
	[tilespmem:$0x1DE38] =	vst v63  }
0xf6: {  	_ = 	snop  }
0xf7: {  	[spmem:s4] =	stream.indirect.scatter.add.f32 [tilespmem:s31], [sflag:$0x2], $0x80, s7, s30, $0xb8;
	[tilespmem:$0x1DE38] =	vst v63  }
0xf8: {  	_ =	swait.ge [sflag:s25], $0x4000  }
0xf9: {  	[sflag:s25] =	ssyncset.done $0x0  }
0xfa: {  	[sflag:s25] =	ssyncadd.s32 $0xFFFFC000  }
0xfb: {  	[spmem:s5] =	stream.indirect.scatter.add.f32 [tilespmem:s28], [sflag:$0x2], $0x1, s7, s30, $0xb8;
	[tilespmem:$0x1DE38] =	vst v63  }
0xfc: {  	_ =	swait.ge [sflag:s25], $0x80  }
0xfd: {  	[sflag:s25] =	ssyncset.done $0x0  }
0xfe: {  	[sflag:s25] =	ssyncadd.s32 $0xFFFFFF80  }
0xff: {  	_ =	swait.ge [sflag:s0], $0x4000  }
0x100: {  	[sflag:s0] =	ssyncset.done $0x0  }
0x101: {  	[sflag:s0] =	ssyncadd.s32 $0xFFFFC000  }
0x102: {  	[spmem:s4] =	stream.indirect.scatter.add.f32 [tilespmem:s3], [sflag:$0x2], $0x80, s8, s30, $0xb8;
	[tilespmem:$0x1DE38] =	vst v63  }
0x103: {  	_ =	swait.ge [sflag:s25], $0x4000  }
0x104: {  	[sflag:s25] =	ssyncset.done $0x0  }
0x105: {  	[sflag:s25] =	ssyncadd.s32 $0xFFFFC000  }
0x106: {  	[spmem:s5] =	stream.indirect.scatter.add.f32 [tilespmem:s28], [sflag:$0x2], $0x1, s8, s30, $0xb8;
	[tilespmem:$0x1DE38] =	vst v63  }
0x107: {  	_ =	swait.ge [sflag:s25], $0x80  }
0x108: {  	[sflag:s25] =	ssyncset.done $0x0  }
0x109: {  	s14 =	simm.s32 $0x0;
	[sflag:s25] =	ssyncadd.s32 $0xFFFFFF80  }
0x10a: {  	[tilespmem:s14], [sflag:$0x2] =	stream.linear.gather [hbm4b:s17+s14], $0xE00, $0x38;
	[tilespmem:$0x1DE38] =	vst v63  }
0x10b: {  	_ =	swait.ge [sflag:s25], $0xE00  }
0x10c: {  	[sflag:s25] =	ssyncset.done $0x0  }
0x10d: {  	[sflag:s25] =	ssyncadd.s32 $0xFFFFF200  }
0x10e: {  	[tilespmem:s29], [sflag:$0x2] =	stream.linear.gather [hbm4b:s18+s14], $0xE00, $0x38;
	[tilespmem:$0x1DE38] =	vst v63  }
0x10f: {  	_ =	swait.ge [sflag:s25], $0xE00  }
0x110: {  	[sflag:s25] =	ssyncset.done $0x0  }
0x111: {  	[sflag:s25] =	ssyncadd.s32 $0xFFFFF200  }
0x112: {  	[tilespmem:s31], [sflag:$0x1] =	stream.indirect.gather [hbm4b:s1+s30], $0x80, s14, s30, $0xb8;
	[tilespmem:$0x1DE38] =	vst v63  }
0x113: {  	_ =	swait.ge [sflag:s0], $0x4000  }
0x114: {  	[sflag:s0] =	ssyncset.done $0x0  }
0x115: {  	s15 =	simm.s32 $0x80;
	[sflag:s0] =	ssyncadd.s32 $0xFFFFC000  }
0x116: {  	[tilespmem:s3], [sflag:$0x1] =	stream.indirect.gather [hbm4b:s1+s30], $0x80, s15, s30, $0xb8;
	[tilespmem:$0x1DE38] =	vst v63  }
0x117: {  	s16 =	simm.s32 $0x1000  }
0x118: {  	[spmem:s4] =	stream.indirect.scatter.add.f32 [tilespmem:s31], [sflag:$0x2], $0x80, s16, s30, $0xb8;
	[tilespmem:$0x1DE38] =	vst v63  }
0x119: {  	_ =	swait.ge [sflag:s25], $0x4000  }
0x11a: {  	[sflag:s25] =	ssyncset.done $0x0  }
0x11b: {  	[sflag:s25] =	ssyncadd.s32 $0xFFFFC000  }
0x11c: {  	[spmem:s5] =	stream.indirect.scatter.add.f32 [tilespmem:s28], [sflag:$0x2], $0x1, s16, s30, $0xb8;
	[tilespmem:$0x1DE38] =	vst v63  }
0x11d: {  	_ =	swait.ge [sflag:s25], $0x80  }
0x11e: {  	[sflag:s25] =	ssyncset.done $0x0  }
0x11f: {  	[sflag:s25] =	ssyncadd.s32 $0xFFFFFF80  }
0x120: {  	_ =	swait.ge [sflag:s0], $0x4000  }
0x121: {  	[sflag:s0] =	ssyncset.done $0x0  }
0x122: {  	s15 =	simm.s32 $0x100;
	[sflag:s0] =	ssyncadd.s32 $0xFFFFC000  }
0x123: {  	[tilespmem:s31], [sflag:$0x1] =	stream.indirect.gather [hbm4b:s1+s30], $0x80, s15, s30, $0xb8;
	[tilespmem:$0x1DE38] =	vst v63  }
0x124: {  	s16 =	simm.s32 $0x1080  }
0x125: {  	[spmem:s4] =	stream.indirect.scatter.add.f32 [tilespmem:s3], [sflag:$0x2], $0x80, s16, s30, $0xb8;
	[tilespmem:$0x1DE38] =	vst v63  }
0x126: {  	_ =	swait.ge [sflag:s25], $0x4000  }
0x127: {  	[sflag:s25] =	ssyncset.done $0x0  }
0x128: {  	[sflag:s25] =	ssyncadd.s32 $0xFFFFC000  }
0x129: {  	[spmem:s5] =	stream.indirect.scatter.add.f32 [tilespmem:s28], [sflag:$0x2], $0x1, s16, s30, $0xb8;
	[tilespmem:$0x1DE38] =	vst v63  }
0x12a: {  	_ =	swait.ge [sflag:s25], $0x80  }
0x12b: {  	s14 =	simm.s32 $0x400;
	[sflag:s25] =	ssyncset.done $0x0  }
.LBB2_6:
0x12c: {  	p1 =	sne.s32 s14, $0x3000  }
0x12d: {  	[sflag:s25] =	ssyncadd.s32 $0xFFFFFF80;
	s15 =	smov.u32 s14;
	s14 =	sadd.s32 $0x400, s14  }
0x12e: {  	_ =	swait.ge [sflag:s0], $0x4000  }
0x12f: {  	s15 =	sshra.s32 s15, $0x2;
	[sflag:s0] =	ssyncset.done $0x0  }
0x130: {  	s16 =	sadd.s32 $0x80, s15;
	[sflag:s0] =	ssyncadd.s32 $0xFFFFC000  }
0x131: {  	[tilespmem:s3], [sflag:$0x1] =	stream.indirect.gather [hbm4b:s1+s30], $0x80, s16, s30, $0xb8;
	[tilespmem:$0x1DE38] =	vst v63  }
0x132: {  	s16 =	sadd.s32 $0x1000, s15  }
0x133: {  	[spmem:s4] =	stream.indirect.scatter.add.f32 [tilespmem:s31], [sflag:$0x2], $0x80, s16, s30, $0xb8;
	[tilespmem:$0x1DE38] =	vst v63  }
0x134: {  	_ =	swait.ge [sflag:s25], $0x4000  }
0x135: {  	[sflag:s25] =	ssyncset.done $0x0  }
0x136: {  	[sflag:s25] =	ssyncadd.s32 $0xFFFFC000  }
0x137: {  	[spmem:s5] =	stream.indirect.scatter.add.f32 [tilespmem:s28], [sflag:$0x2], $0x1, s16, s30, $0xb8;
	[tilespmem:$0x1DE38] =	vst v63  }
0x138: {  	_ =	swait.ge [sflag:s25], $0x80  }
0x139: {  	[sflag:s25] =	ssyncset.done $0x0  }
0x13a: {  	[sflag:s25] =	ssyncadd.s32 $0xFFFFFF80  }
0x13b: {  	_ =	swait.ge [sflag:s0], $0x4000  }
0x13c: {  	[sflag:s0] =	ssyncset.done $0x0  }
0x13d: {  	s16 =	sadd.s32 $0x100, s15;
	[sflag:s0] =	ssyncadd.s32 $0xFFFFC000  }
0x13e: {  	[tilespmem:s31], [sflag:$0x1] =	stream.indirect.gather [hbm4b:s1+s30], $0x80, s16, s30, $0xb8;
	[tilespmem:$0x1DE38] =	vst v63  }
0x13f: {  	s15 =	sadd.s32 $0x1080, s15  }
0x140: {  	[spmem:s4] =	stream.indirect.scatter.add.f32 [tilespmem:s3], [sflag:$0x2], $0x80, s15, s30, $0xb8;
	[tilespmem:$0x1DE38] =	vst v63  }
0x141: {  	_ =	swait.ge [sflag:s25], $0x4000  }
.Ltmp2:
0x142: {  	[sflag:s25] =	ssyncset.done $0x0;
	(pc) =	sbr.rel @p1 .LBB2_6-.Ltmp2, $4  }
0x143: {  	[sflag:s25] =	ssyncadd.s32 $0xFFFFC000  }
0x144: {  	[spmem:s5] =	stream.indirect.scatter.add.f32 [tilespmem:s28], [sflag:$0x2], $0x1, s15, s30, $0xb8;
	[tilespmem:$0x1DE38] =	vst v63  }
0x145: {  	_ =	swait.ge [sflag:s25], $0x80  }
0x146: {  	[sflag:s25] =	ssyncset.done $0x0  }
0x147: {  	[sflag:s25] =	ssyncadd.s32 $0xFFFFFF80  }
0x148: {  	_ =	swait.ge [sflag:s0], $0x4000  }
0x149: {  	[sflag:s0] =	ssyncset.done $0x0  }
0x14a: {  	[sflag:s0] =	ssyncadd.s32 $0xFFFFC000  }
0x14b: {  	[tilespmem:s3], [sflag:$0x1] =	stream.indirect.gather [hbm4b:s1+s30], $0x80, s2, s30, $0xb8;
	[tilespmem:$0x1DE38] =	vst v63  }
0x14c: {  	_ = 	snop  }
0x14d: {  	[spmem:s4] =	stream.indirect.scatter.add.f32 [tilespmem:s31], [sflag:$0x2], $0x80, s7, s30, $0xb8;
	[tilespmem:$0x1DE38] =	vst v63  }
0x14e: {  	_ =	swait.ge [sflag:s25], $0x4000  }
0x14f: {  	[sflag:s25] =	ssyncset.done $0x0  }
0x150: {  	[sflag:s25] =	ssyncadd.s32 $0xFFFFC000  }
0x151: {  	[spmem:s5] =	stream.indirect.scatter.add.f32 [tilespmem:s28], [sflag:$0x2], $0x1, s7, s30, $0xb8;
	[tilespmem:$0x1DE38] =	vst v63  }
0x152: {  	_ =	swait.ge [sflag:s25], $0x80  }
0x153: {  	[sflag:s25] =	ssyncset.done $0x0  }
0x154: {  	[sflag:s25] =	ssyncadd.s32 $0xFFFFFF80  }
0x155: {  	_ =	swait.ge [sflag:s0], $0x4000  }
0x156: {  	[sflag:s0] =	ssyncset.done $0x0  }
0x157: {  	[sflag:s0] =	ssyncadd.s32 $0xFFFFC000  }
0x158: {  	[spmem:s4] =	stream.indirect.scatter.add.f32 [tilespmem:s3], [sflag:$0x2], $0x80, s8, s30, $0xb8;
	[tilespmem:$0x1DE38] =	vst v63  }
0x159: {  	_ =	swait.ge [sflag:s25], $0x4000  }
0x15a: {  	[sflag:s25] =	ssyncset.done $0x0  }
0x15b: {  	[sflag:s25] =	ssyncadd.s32 $0xFFFFC000  }
0x15c: {  	[spmem:s5] =	stream.indirect.scatter.add.f32 [tilespmem:s28], [sflag:$0x2], $0x1, s8, s30, $0xb8;
	[tilespmem:$0x1DE38] =	vst v63  }
0x15d: {  	_ =	swait.ge [sflag:s25], $0x80  }
0x15e: {  	[sflag:s25] =	ssyncset.done $0x0  }
0x15f: {  	[sflag:s25] =	ssyncadd.s32 $0xFFFFFF80  }
0x160: {  	[bflag:$0x0] =	sbarrier.arrive $0xFFFF  }
0x161: {  	[hbm:s19], [sflag:s9] =	dma.local [spmem:s12], $0x2700  }
0x162: {  	_ =	swait.ge [sflag:s25], $0x2700  }
0x163: {  	[sflag:s25] =	ssyncset.done $0x0  }
0x164: {  	[sflag:s25] =	ssyncadd.s32 $0xFFFFD900  }
0x165: {  	[tilespmem:s26], [sflag:$0x2] =	stream.linear.gather [spmem:s10], $0x270, $0x38;
	[tilespmem:$0x1DE38] =	vst v63  }
0x166: {  	_ =	swait.ge [sflag:s25], $0x270  }
0x167: {  	[sflag:s25] =	ssyncset.done $0x0  }
0x168: {  	[sflag:s25] =	ssyncadd.s32 $0xFFFFFD90  }
0x169: {  	[hbm4b:s22+s6] =	stream.linear.scatter [tilespmem:s26], [sflag:$0x2], $0x270, $0x38;
	[tilespmem:$0x1DE38] =	vst v63  }
0x16a: {  	_ =	swait.ge [sflag:s25], $0x270  }
0x16b: {  	[sflag:s25] =	ssyncset.done $0x0  }
0x16c: {  	s12 =	simm.s32 @!p0 $0x2;
	[sflag:s25] =	ssyncadd.s32 $0xFFFFFD90  }
0x16d: {  	[hbm:s20], [sflag:s9] =	dma.local @!p0 [spmem:s13], $0x100  }
0x16e: {  	_ =	swait.ge @!p0 [sflag:s12], $0x100  }
0x16f: {  	[sflag:s12] =	ssyncset.done @!p0 $0x0  }
0x170: {  	s13 =	simm.s32 @!p0 $0xA080;
	[sflag:s12] =	ssyncadd.s32 @!p0 $0xFFFFFF00  }
0x171: {  	[tilespmem:s13], [sflag:$0x2] =	stream.linear.gather @!p0 [spmem:s21], $0x10, $0x38;
	[tilespmem:$0x1DE38] =	vst v63  }
0x172: {  	s11 =	sadd.s32 $0x1, s11;
	_ =	swait.ge @!p0 [sflag:s12], $0x10  }
0x173: {  	p1 =	sne.s32 s11, s24;
	[sflag:s12] =	ssyncset.done @!p0 $0x0  }
.Ltmp3:
0x174: {  	s14 =	simm.s32 @!p0 $0x0;
	[sflag:s12] =	ssyncadd.s32 @!p0 $0xFFFFFFF0;
	(pc) =	sbr.rel @p1 .LBB2_1-.Ltmp3, $4  }
0x175: {  	[hbm4b:s23+s14] =	stream.linear.scatter @!p0 [tilespmem:s13], [sflag:$0x2], $0x10, $0x38;
	[tilespmem:$0x1DE38] =	vst v63  }
0x176: {  	_ =	swait.ge @!p0 [sflag:s12], $0x10  }
0x177: {  	[sflag:s12] =	ssyncset.done @!p0 $0x0  }
0x178: {  	[sflag:s12] =	ssyncadd.s32 @!p0 $0xFFFFFFF0  }
0x179: {  	_ =	sfence.sel $0x180000  }
0x17a: {  	[bflag:$0x0] =	sbarrier.arrive $0xFFFF  }
0x17b: {  	_ =	strace $0x90000047  }
0x17c: {  	s0 =	stileid.u32;
	[bflag:$0x2] =	sbarrier.arrive $0xFFFF  }
0x17d: {  	p0 =	sne.s32 s0, $0x0;
	s0 =	rddreg [dreg:$0x6]  }
0x17e: {  	s0 =	sadd.s32 @!p0 $0x100000, s0  }
0x17f: {  	[sflag:s0] =	ssyncadd.tile.s32 @!p0 $0x1;
	_ =	shalt  }
.Lfunc_end2:
_tile_overlayer_lowered:
.L_overlay_start_2:
0x180: {  	(tag) =	ssettag $0x2  }
0x181: {  	s0 =	rddreg [dreg:$0x0];
	s2 =	stileid.u32  }
0x182: {  	s1 =	rddreg [dreg:$0x1];
	p0 =	sne.s32 s2, $0x0  }
0x183: {  	s3 =	rddreg [dreg:$0x2];
	[bflag:$0x3] =	sbarrier.arrive $0xFFFF;
	s2 =	simm.s32 @!p0 $0x1C02  }
0x184: {  	[timem:s3], [sflag:s2] =	dma.local @!p0 [hbm:s0], s1  }
0x185: {  	s0 =	simm.s32 @!p0 $0x2  }
0x186: {  	_ =	swait.ge @!p0 [sflag:s0], s1  }
0x187: {  	s1 =	ssub.s32 @!p0 $0x0, s1;
	[sflag:s0] =	ssyncset.done @!p0 $0x0  }
0x188: {  	[sflag:s0] =	ssyncadd.s32 @!p0 s1  }
0x189: {  	[bflag:$0x3] =	sbarrier.arrive $0xFFFF  }
0x18a: {  	_ =	shalt  }

// kernel: kernel.9.cloned.1.call-start
scs
__scs_entry_jumppad:
0x0: {  	(pc) =	sbr.rel $0x88, $3  }
0x1: {  	(tag) =	ssettag $0x0;
	lr =	simm.s32 $0x1  }
0x2: {  	[smem:$0x3F99] =	sst lr;
	_ =	strace $0xD0000000  }
0x3: {  	_ = 	snop  }
0x4: {  	_ = 	snop  }
0x5: {  	_ = 	snop  }
0x6: {  	_ = 	snop  }
0x7: {  	_ = 	snop  }
__scs_overlays_trampoline_lowered:
0x8: {  	[smem:$0x3FA8] =	sst s0  }
0x9: {  	[smem:$0x3FA9] =	sst s1  }
0xa: {  	[smem:$0x3FAA] =	sst s2  }
0xb: {  	[smem:$0x3FAB] =	sst s3  }
0xc: {  	[smem:$0x3FAC] =	sst s4  }
0xd: {  	[smem:$0x3FAD] =	sst s5  }
0xe: {  	[smem:$0x3FAE] =	sst s6  }
0xf: {  	[smem:$0x3FAF] =	sst s7  }
0x10: {  	[smem:$0x3FB0] =	sst s8  }
0x11: {  	[smem:$0x3FB1] =	sst s9;
	s0 =	simm.s32 @!p0 $0x0  }
0x12: {  	s1 =	sld [smem:$0x3F97];
	s0 =	simm.s32 @p0 $0x1  }
0x13: {  	[smem:$0x3FB2] =	sst s0;
	s0 =	simm.s32 @!p1 $0x0  }
0x14: {  	s2 =	sld [smem:$0x3F96];
	s0 =	simm.s32 @p1 $0x1  }
0x15: {  	[smem:$0x3FB3] =	sst s0;
	s0 =	simm.s32 @!p2 $0x0  }
0x16: {  	s3 =	sld [smem:$0x3FDB];
	s0 =	simm.s32 @p2 $0x1  }
0x17: {  	s4 =	simm.s32 $0x1BF5;
	[smem:$0x3FB5] =	sst s0  }
0x18: {  	s0 =	sld [smem:$0x3F98];
	_ =	swait.ge [sflag:s4], $0x0  }
0x19: {  	s7 =	sld [smem:$0x3F99]  }
0x1a: {  	s8 =	sadd.s32 $0xFFFFE003, lr  }
0x1b: {  	s9 =	sadd.s32 $0xFFFFFEF7, lr;
	s5 =	simm.s32 $0xFFFFFFFF;
	p2 =	slt.u32 s8, $0xFFFFF086  }
0x1c: {  	p1 =	slt.u32 s9, $0xF7A;
	s5 =	simm.s32 @!p2 $0x0  }
0x1d: {  	s5 =	simm.s32 @p1 $0x1;
	p0 =	seq.s32 s7, s2  }
0x1e: {  	s7 =	smul.u32 @!p0 $0xF7A, s2;
	p2 =	seq.s32 @!p0 s5, $0x0  }
0x1f: {  	s9 =	smul.u32 $0xF7A, s1;
	s8 =	simm.s32 @!p0 $0x1BF5;
	p2 =	por !p2, p0  }
0x20: {  	[sflag:s8] =	ssyncset.s32 @!p0 $0xFFFFF086;
	s6 =	sadd.s32 @!p0 s3, s7;
	s7 =	simm.s32 @!p0 $0x108  }
0x21: {  	s3 =	sadd.s32 s3, s9;
	s6 =	sadd.s32 @!p0 $0x88, s6;
	s7 =	simm.s32 @p2 $0x1082  }
0x22: {  	[simem:s7], [sflag:s8] =	dma.local @!p0 [hbm:s6], $0xF7A  }
0x23: {  	s9 =	sor.u32 $0xD0000000, s2;
	s6 =	simm.s32 $0x108;
	_ =	swait.ge @!p0 [sflag:s8], $0x0  }
0x24: {  	s3 =	sadd.s32 $0x88, s3;
	s6 =	simm.s32 @!p1 $0x1082;
	[sflag:s4] =	ssyncset.s32 $0xFFFFF086  }
0x25: {  	[simem:s6], [sflag:s4] =	dma.local [hbm:s3], $0xF7A  }
0x26: {  	[smem:$0x3F99] =	sst s1;
	(tag) =	ssettag s2;
	_ =	strace s9  }
0x27: {  	s1 =	sld [smem:$0x3FA9]  }
0x28: {  	s2 =	sld [smem:$0x3FAA]  }
0x29: {  	s4 =	sld [smem:$0x3FAC]  }
0x2a: {  	p0 =	seq.s32 s5, $0x0;
	s5 =	sld [smem:$0x3FAD]  }
0x2b: {  	s6 =	sld [smem:$0x3FAE]  }
0x2c: {  	s7 =	sld [smem:$0x3FAF]  }
0x2d: {  	s3 =	simm.s32 $0x108;
	s8 =	sld [smem:$0x3FB0]  }
0x2e: {  	s3 =	simm.s32 @!p0 $0x1082;
	s9 =	sld [smem:$0x3FB1]  }
0x2f: {  	lr =	sadd.s32 s0, s3;
	s0 =	sld [smem:$0x3FA8]  }
0x30: {  	s3 =	sld [smem:$0x3FAB]  }
0x31: {  	[smem:$0x3FB4] =	sst s10  }
0x32: {  	s10 =	sld [smem:$0x3FB2];
	_ =	sdelay $0x3  }
0x33: {  	p0 =	seq.s32 s10, $0x1;
	s10 =	sld [smem:$0x3FB4];
	_ =	sdelay $0x3  }
0x34: {  	[smem:$0x3FB4] =	sst s10  }
0x35: {  	s10 =	sld [smem:$0x3FB3];
	_ =	sdelay $0x3  }
0x36: {  	p1 =	seq.s32 s10, $0x1;
	s10 =	sld [smem:$0x3FB4];
	_ =	sdelay $0x3  }
0x37: {  	[smem:$0x3FB4] =	sst s10  }
0x38: {  	s10 =	sld [smem:$0x3FB5]  }
0x39: {  	_ = 	snop;
	(pc) =	sbr.ind lr, $3  }
0x3a: {  	_ = 	snop  }
0x3b: {  	_ = 	snop  }
0x3c: {  	p2 =	seq.s32 s10, $0x1;
	s10 =	sld [smem:$0x3FB4]  }
0x3d: {  	_ =	shalt  }
0x3e: {  	_ =	shalt  }
0x3f: {  	_ =	shalt  }
0x40: {  	_ =	shalt  }
0x41: {  	_ =	shalt  }
0x42: {  	_ =	shalt  }
0x43: {  	_ =	shalt  }
0x44: {  	_ =	shalt  }
0x45: {  	_ =	shalt  }
0x46: {  	_ =	shalt  }
0x47: {  	_ =	shalt  }
0x48: {  	_ =	shalt  }
0x49: {  	_ =	shalt  }
0x4a: {  	_ =	shalt  }
0x4b: {  	_ =	shalt  }
0x4c: {  	_ =	shalt  }
0x4d: {  	_ =	shalt  }
0x4e: {  	_ =	shalt  }
0x4f: {  	_ =	shalt  }
0x50: {  	_ =	shalt  }
0x51: {  	_ =	shalt  }
0x52: {  	_ =	shalt  }
0x53: {  	_ =	shalt  }
0x54: {  	_ =	shalt  }
0x55: {  	_ =	shalt  }
0x56: {  	_ =	shalt  }
0x57: {  	_ =	shalt  }
0x58: {  	_ =	shalt  }
0x59: {  	_ =	shalt  }
0x5a: {  	_ =	shalt  }
0x5b: {  	_ =	shalt  }
0x5c: {  	_ =	shalt  }
0x5d: {  	_ =	shalt  }
0x5e: {  	_ =	shalt  }
0x5f: {  	_ =	shalt  }
0x60: {  	_ =	shalt  }
0x61: {  	_ =	shalt  }
0x62: {  	_ =	shalt  }
0x63: {  	_ =	shalt  }
0x64: {  	_ =	shalt  }
0x65: {  	_ =	shalt  }
0x66: {  	_ =	shalt  }
0x67: {  	_ =	shalt  }
0x68: {  	_ =	shalt  }
0x69: {  	_ =	shalt  }
0x6a: {  	_ =	shalt  }
0x6b: {  	_ =	shalt  }
0x6c: {  	_ =	shalt  }
0x6d: {  	_ =	shalt  }
0x6e: {  	_ =	shalt  }
0x6f: {  	_ =	shalt  }
0x70: {  	_ =	shalt  }
0x71: {  	_ =	shalt  }
0x72: {  	_ =	shalt  }
0x73: {  	_ =	shalt  }
0x74: {  	_ =	shalt  }
0x75: {  	_ =	shalt  }
0x76: {  	_ =	shalt  }
0x77: {  	_ =	shalt  }
0x78: {  	_ =	shalt  }
0x79: {  	_ =	shalt  }
0x7a: {  	_ =	shalt  }
0x7b: {  	_ =	shalt  }
0x7c: {  	_ =	shalt  }
0x7d: {  	_ =	shalt  }
0x7e: {  	_ =	shalt  }
0x7f: {  	_ =	shalt  }
0x80: {  	_ =	shalt  }
0x81: {  	_ =	shalt  }
0x82: {  	_ =	shalt  }
0x83: {  	_ =	shalt  }
0x84: {  	_ =	shalt  }
0x85: {  	_ =	shalt  }
0x86: {  	_ =	shalt  }
0x87: {  	_ =	shalt  }
.Lfunc_end0:
.L_simem_size_0:
called_computation.1_lowered:
.L_overlay_start_0:
0x88: {  	s2 =	sld [smem:$0x3FD9]  }
0x89: {  	s3 =	sld [smem:$0x3FFE];
	_ =	sdelay $0x1  }
0x8a: {  	s1 =	srdreg.scid  }
0x8b: {  	s0 =	sand.u32 $0x1, s1  }
0x8c: {  	s14 =	sshll.u32 s0, $0xA;
	s2 =	sadd.s32 s3, s2  }
0x8d: {  	s2 =	sadd.s32 s2, s14  }
0x8e: {  	[smem:$0x3FC0] =	sst s2  }
0x8f: {  	_ = 	snop  }
0x90: {  	s2 =	sld [smem:$0x3FD0];
	_ =	sdelay $0x2  }
0x91: {  	s15 =	simm.s32 $0xA;
	s4 =	simm.s32 $0x10  }
0x92: {  	[smem:s4], [sflag:s15] =	dma.local [hbm:s2], $0x1  }
0x93: {  	_ =	swait.eq [sflag:s15], $0x1  }
0x94: {  	[sflag:s15] =	ssyncset.done $0x0  }
0x95: {  	s16 =	sld [smem:$0x10];
	[sflag:s15] =	ssyncadd.s32 $0xFFFFFFFF  }
0x96: {  	s17 =	sld [smem:$0x11];
	(tm) =	ssettm $0x1  }
0x97: {  	s18 =	sld [smem:$0x3FFB];
	_ =	sdelay $0x3  }
0x98: {  	_ =	strace s18  }
0x99: {  	s4 =	sld [smem:$0x3FFC];
	_ =	sdelay $0x3  }
0x9a: {  	_ =	strace s4  }
0x9b: {  	s4 =	sld [smem:$0x3FFD];
	_ =	sdelay $0x3  }
0x9c: {  	_ =	strace s4  }
0x9d: {  	_ =	strace $0x8FFFFFFF  }
0x9e: {  	s19 =	sld [smem:$0x3FDB];
	_ =	sdelay $0x1  }
0x9f: {  	s5 =	simm.s32 $_scs_section_size  }
0xa0: {  	s6 =	simm.s32 $_size__tile_overlayer_lowered;
	s7 =	simm.s32 $_tile_overlayer_lowered  }
0xa1: {  	s22 =	simm.s32 $0x1BFF;
	s21 =	sshll.u32 s7, $0x1;
	s4 =	sadd.s32 s5, s19  }
0xa2: {  	s8 =	simm.s32 $0x0;
	s20 =	sshll.u32 s6, $0x1;
	s6 =	sadd.s32 s21, s4  }
0xa3: {  	[timem:s8], [sflag:s22] =	dma.local [hbm:s6], s20  }
0xa4: {  	_ =	swait.ge [sflag:s22], s20  }
0xa5: {  	s5 =	ssub.s32 $0x0, s20;
	[sflag:s22] =	ssyncset.done $0x0  }
0xa6: {  	[sflag:s22] =	ssyncadd.s32 s5;
	_ =	sdelay $0x1  }
0xa7: {  	s23 =	simm.s32 $0x1B8B  }
0xa8: {  	_ =	swait.ge [sflag:s23], $0x1  }
0xa9: {  	[sflag:s23] =	ssyncset.done $0x0  }
0xaa: {  	s25 =	simm.s32 $0x1B8E;
	s24 =	sld [smem:$0x3FFE];
	[sflag:s23] =	ssyncadd.s32 $0xFFFFFFFF  }
0xab: {  	s26 =	simm.s32 $execute0_lowered;
	[smem:$0x3FD2] =	sst s25  }
0xac: {  	s6 =	sshll.u32 s26, $0x1;
	_ =	strace $0x80000049;
	[dreg:$0x1] =	wrdreg $0xFFFFFFFF  }
0xad: {  	s28 =	simm.s32 $_size_execute0_lowered;
	s4 =	sadd.s32 s4, s6;
	[dreg:$0x0] =	wrdreg $0x0  }
0xae: {  	s6 =	sshll.u32 s28, $0x1;
	[dreg:$0x2] =	wrdreg s4  }
0xaf: {  	[dreg:$0x3] =	wrdreg s6  }
0xb0: {  	[dreg:$0x4] =	wrdreg $0xC0  }
0xb1: {  	_ =	task [dreg:s8], $0x5FFFF  }
0xb2: {  	[dreg:$0x1] =	wrdreg $0xFFFFFFFF  }
0xb3: {  	[dreg:$0x0] =	wrdreg $0x60  }
0xb4: {  	[dreg:$0x2] =	wrdreg s17  }
0xb5: {  	[dreg:$0x3] =	wrdreg s16  }
0xb6: {  	[dreg:$0x4] =	wrdreg s24  }
0xb7: {  	[dreg:$0x5] =	wrdreg $0xA0000  }
0xb8: {  	[dreg:$0x6] =	wrdreg $0x9  }
0xb9: {  	_ =	task.clear_ibuf [dreg:s8], $0x7FFFF;
	_ =	strace $0x90000049  }
0xba: {  	s29 =	simm.s32 $0x9;
	_ =	strace $0x8000004B  }
0xbb: {  	_ =	swait.ge [sflag:s29], $0x1  }
0xbc: {  	[sflag:s29] =	ssyncadd.s32 $0xFFFFFFFF  }
0xbd: {  	_ =	strace $0x9000004B  }
0xbe: {  	_ =	sfence  }
0xbf: {  	s30 =	sld [smem:$0x0];
	_ =	sdelay $0x2  }
0xc0: {  	s31 =	sshll.u32 s1, $0xD;
	s1 =	sshrl.u32 s1, $0x2  }
0xc1: {  	s3 =	sand.u32 $0x4000, s31;
	s1 =	sadd.s32 s1, s30  }
0xc2: {  	s0 =	sor.u32 s3, s0;
	s1 =	sshll.u32 s1, $0x11  }
0xc3: {  	s0 =	sor.u32 s1, s0  }
0xc4: {  	s0 =	sadd.s32 $0x8F2B, s0  }
0xc5: {  	[sflag:s0] =	ssyncadd.remote.s32 $0x1  }
0xc6: {  	_ =	sfence.sel $0xFFFF  }
0xc7: {  	[dreg:$0x0] =	wrdreg $0xFFFFFFFF;
	(pc) =	sbr.abs _section_cstart, $3  }
0xc8: {  	[dreg:$0x1] =	wrdreg $0xFFFFFFFF  }
0xc9: {  	_ =	task.clear_ibuf [dreg:s8], $0x2FFFF;
	_ =	strace $0x9FFFFFFF  }
0xca: {  	(tm) =	ssettm $0x7FFFFFFF  }
0xcb: {  	_ =	shalt  }
tec
execute0_lowered:
.L_overlay_start_1:
0x0: {  	(tag) =	ssettag $0x1  }
0x1: {  	s1 =	rddreg [dreg:$0x0]  }
0x2: {  	s0 =	rddreg [dreg:$0x1]  }
0x3: {  	s9 =	rddreg [dreg:$0x2]  }
0x4: {  	s3 =	rddreg [dreg:$0x3]  }
0x5: {  	s4 =	simm.s32 $0x0;
	s2 =	stileid.u32;
	s5 =	srdreg.scid  }
0x6: {  	s22 =	simm.s32 $0x2000;
	s23 =	simm.s32 $0x1;
	s28 =	simm.s32 $0x1D80  }
0x7: {  	s29 =	simm.s32 $0x0;
	[smem:$0x7FF] =	sst s4;
	s15 =	smul.u32 $0x2700, s2  }
0x8: {  	s16 =	sadd.s32 $0x2400, s9;
	s13 =	sand.u32 $0x1, s5;
	s7 =	smul.u32 $0x4E000, s2  }
0x9: {  	s17 =	sadd.s32 $0x35600, s9;
	s10 =	sshll.u32 s2, $0x1;
	s26 =	sshll.u32 s2, $0x6  }
0xa: {  	p0 =	sne.s32 s2, $0xF;
	_ =	strace $0x8000004A;
	s20 =	smul.u32 $0x140000, s13  }
0xb: {  	s5 =	ssub.s32 $0x2, s13;
	s24 =	sor.u32 s13, s10;
	s21 =	smul.u32 $0x28000, s13  }
0xc: {  	s6 =	sadd.s32 s15, s9;
	s8 =	sshrl.u32 s5, $0x1;
	s10 =	smul.u32 $0x3000, s24  }
0xd: {  	s25 =	sshrl.u32 s7, $0x2;
	s7 =	sor.u32 $0x1C02, s26;
	s11 =	smul.u32 $0x600, s24  }
0xe: {  	s9 =	sadd.s32 $0x35400, s9;
	s24 =	simm.s32 $0x6000;
	s26 =	simm.s32 $0x1D00  }
0xf: {  	s18 =	ssub.s32 s5, s8;
	s5 =	sadd.s32 s25, s3;
	s6 =	sadd.s32 $0xE400, s6  }
0x10: {  	s8 =	sadd.s32 $0x138000, s3;
	s20 =	sshrl.u32 s20, $0x3;
	s31 =	sadd.s32 s15, s21  }
0x11: {  	s21 =	simm.s32 $0x80;
	s25 =	simm.s32 $0xD80;
	[dreg:$0x5] =	wrdreg s5  }
0x12: {  	s14 =	sshrl.u32 s10, $0x3;
	s10 =	sadd.s32 s0, s11;
	s11 =	sadd.s32 s16, s11  }
0x13: {  	s20 =	sadd.s32 s17, s20;
	s18 =	smax.u32 s18, $0x1;
	s19 =	sadd.s32 $0x200, s14  }
0x14: {  	s30 =	sadd.s32 $0x400, s14;
	s12 =	sadd.s32 s0, s19;
	s13 =	sadd.s32 s16, s19  }
0x15: {  	s14 =	sadd.s32 s0, s30;
	s15 =	sadd.s32 s16, s30;
	s16 =	sadd.s32 s17, s31  }
0x16: {  	s17 =	sadd.s32 $0x27000, s20;
	s19 =	simm.s32 $0x2;
	s20 =	simm.s32 $0x1000  }
.LBB2_1:
0x17: {  	s0 =	rddreg [dreg:$0x5]  }
0x18: {  	s30 =	sshrl.u32 s0, $0x3  }
0x19: {  	[spmem:s30], [sflag:s7] =	dma.local [hbm:s6], $0x2700  }
0x1a: {  	_ =	swait.ge [sflag:s19], $0x2700  }
0x1b: {  	[sflag:s19] =	ssyncset.done $0x0  }
0x1c: {  	s31 =	sshrl.u32 @!p0 s8, $0x3;
	s0 =	simm.s32 @!p0 $0x2;
	[sflag:s19] =	ssyncadd.s32 $0xFFFFD900  }
0x1d: {  	[spmem:s31], [sflag:s7] =	dma.local @!p0 [hbm:s9], $0x180  }
0x1e: {  	_ =	swait.ge @!p0 [sflag:s0], $0x180  }
0x1f: {  	[sflag:s0] =	ssyncset.done @!p0 $0x0  }
0x20: {  	[sflag:s0] =	ssyncadd.s32 @!p0 $0xFFFFFE80  }
0x21: {  	[bflag:$0x0] =	sbarrier.arrive $0xFFFF  }
0x22: {  	[tilespmem:s4], [sflag:$0x2] =	stream.linear.gather [hbm4b:s10+s4], $0xE00, $0x38;
	[tilespmem:$0x1D8C0] =	vst v63  }
0x23: {  	_ =	swait.ge [sflag:s19], $0xE00  }
0x24: {  	[sflag:s19] =	ssyncset.done $0x0  }
0x25: {  	[sflag:s19] =	ssyncadd.s32 $0xFFFFF200  }
0x26: {  	[tilespmem:s20], [sflag:$0x2] =	stream.linear.gather [hbm4b:s11+s4], $0xE00, $0x38;
	[tilespmem:$0x1D8C0] =	vst v63  }
0x27: {  	_ =	swait.ge [sflag:s19], $0xE00  }
0x28: {  	[sflag:s19] =	ssyncset.done $0x0  }
0x29: {  	[sflag:s19] =	ssyncadd.s32 $0xFFFFF200  }
0x2a: {  	[tilespmem:s22], [sflag:$0x1] =	stream.indirect.gather [hbm4b:s1+s21], $0x80, s4, s21, $0xb8;
	[tilespmem:$0x1D8C0] =	vst v63  }
0x2b: {  	_ =	swait.ge [sflag:s23], $0x4000  }
0x2c: {  	[sflag:s23] =	ssyncset.done $0x0  }
0x2d: {  	s2 =	simm.s32 $0x80;
	[sflag:s23] =	ssyncadd.s32 $0xFFFFC000  }
0x2e: {  	[tilespmem:s24], [sflag:$0x1] =	stream.indirect.gather [hbm4b:s1+s21], $0x80, s2, s21, $0xb8;
	[tilespmem:$0x1D8C0] =	vst v63  }
0x2f: {  	s5 =	simm.s32 $0x1000  }
0x30: {  	[spmem:s3] =	stream.indirect.scatter.add.f32 [tilespmem:s22], [sflag:$0x2], $0x80, s5, s21, $0xb8;
	[tilespmem:$0x1D8C0] =	vst v63  }
0x31: {  	_ =	swait.ge [sflag:s19], $0x4000  }
0x32: {  	[sflag:s19] =	ssyncset.done $0x0  }
0x33: {  	[sflag:s19] =	ssyncadd.s32 $0xFFFFC000  }
0x34: {  	_ =	swait.ge [sflag:s23], $0x4000  }
0x35: {  	[sflag:s23] =	ssyncset.done $0x0  }
0x36: {  	s2 =	simm.s32 $0x100;
	[sflag:s23] =	ssyncadd.s32 $0xFFFFC000  }
0x37: {  	[tilespmem:s22], [sflag:$0x1] =	stream.indirect.gather [hbm4b:s1+s21], $0x80, s2, s21, $0xb8;
	[tilespmem:$0x1D8C0] =	vst v63  }
0x38: {  	s5 =	simm.s32 $0x1080  }
0x39: {  	[spmem:s3] =	stream.indirect.scatter.add.f32 [tilespmem:s24], [sflag:$0x2], $0x80, s5, s21, $0xb8;
	[tilespmem:$0x1D8C0] =	vst v63  }
0x3a: {  	_ =	swait.ge [sflag:s19], $0x4000  }
0x3b: {  	s0 =	simm.s32 $0x400;
	[sflag:s19] =	ssyncset.done $0x0  }
.LBB2_2:
0x3c: {  	p1 =	sne.s32 s0, $0x3000  }
0x3d: {  	[sflag:s19] =	ssyncadd.s32 $0xFFFFC000;
	s2 =	smov.u32 s0;
	s0 =	sadd.s32 $0x400, s0  }
0x3e: {  	_ = 	snop  }
0x3f: {  	_ =	swait.ge [sflag:s23], $0x4000  }
0x40: {  	s2 =	sshra.s32 s2, $0x2;
	[sflag:s23] =	ssyncset.done $0x0  }
0x41: {  	s5 =	sadd.s32 $0x80, s2;
	[sflag:s23] =	ssyncadd.s32 $0xFFFFC000  }
0x42: {  	[tilespmem:s24], [sflag:$0x1] =	stream.indirect.gather [hbm4b:s1+s21], $0x80, s5, s21, $0xb8;
	[tilespmem:$0x1D8C0] =	vst v63  }
0x43: {  	s5 =	sadd.s32 $0x1000, s2  }
0x44: {  	[spmem:s3] =	stream.indirect.scatter.add.f32 [tilespmem:s22], [sflag:$0x2], $0x80, s5, s21, $0xb8;
	[tilespmem:$0x1D8C0] =	vst v63  }
0x45: {  	_ =	swait.ge [sflag:s19], $0x4000  }
0x46: {  	[sflag:s19] =	ssyncset.done $0x0  }
0x47: {  	[sflag:s19] =	ssyncadd.s32 $0xFFFFC000  }
0x48: {  	_ =	swait.ge [sflag:s23], $0x4000  }
0x49: {  	[sflag:s23] =	ssyncset.done $0x0  }
0x4a: {  	s5 =	sadd.s32 $0x100, s2;
	[sflag:s23] =	ssyncadd.s32 $0xFFFFC000  }
0x4b: {  	[tilespmem:s22], [sflag:$0x1] =	stream.indirect.gather [hbm4b:s1+s21], $0x80, s5, s21, $0xb8;
	[tilespmem:$0x1D8C0] =	vst v63  }
.Ltmp0:
0x4c: {  	_ = 	snop;
	(pc) =	sbr.rel @p1 .LBB2_2-.Ltmp0, $4  }
0x4d: {  	s2 =	sadd.s32 $0x1080, s2  }
0x4e: {  	[spmem:s3] =	stream.indirect.scatter.add.f32 [tilespmem:s24], [sflag:$0x2], $0x80, s2, s21, $0xb8;
	[tilespmem:$0x1D8C0] =	vst v63  }
0x4f: {  	_ =	swait.ge [sflag:s19], $0x4000  }
0x50: {  	[sflag:s19] =	ssyncset.done $0x0  }
0x51: {  	[sflag:s19] =	ssyncadd.s32 $0xFFFFC000  }
0x52: {  	_ =	swait.ge [sflag:s23], $0x4000  }
0x53: {  	[sflag:s23] =	ssyncset.done $0x0  }
0x54: {  	[sflag:s23] =	ssyncadd.s32 $0xFFFFC000  }
0x55: {  	[tilespmem:s24], [sflag:$0x1] =	stream.indirect.gather [hbm4b:s1+s21], $0x80, s25, s21, $0xb8;
	[tilespmem:$0x1D8C0] =	vst v63  }
0x56: {  	_ = 	snop  }
0x57: {  	[spmem:s3] =	stream.indirect.scatter.add.f32 [tilespmem:s22], [sflag:$0x2], $0x80, s26, s21, $0xb8;
	[tilespmem:$0x1D8C0] =	vst v63  }
0x58: {  	_ =	swait.ge [sflag:s19], $0x4000  }
0x59: {  	[sflag:s19] =	ssyncset.done $0x0  }
0x5a: {  	[sflag:s19] =	ssyncadd.s32 $0xFFFFC000  }
0x5b: {  	_ =	swait.ge [sflag:s23], $0x4000  }
0x5c: {  	[sflag:s23] =	ssyncset.done $0x0  }
0x5d: {  	[sflag:s23] =	ssyncadd.s32 $0xFFFFC000  }
0x5e: {  	[spmem:s3] =	stream.indirect.scatter.add.f32 [tilespmem:s24], [sflag:$0x2], $0x80, s28, s21, $0xb8;
	[tilespmem:$0x1D8C0] =	vst v63  }
0x5f: {  	_ =	swait.ge [sflag:s19], $0x4000  }
0x60: {  	[sflag:s19] =	ssyncset.done $0x0  }
0x61: {  	s0 =	simm.s32 $0x0;
	[sflag:s19] =	ssyncadd.s32 $0xFFFFC000  }
0x62: {  	[tilespmem:s0], [sflag:$0x2] =	stream.linear.gather [hbm4b:s12+s0], $0xE00, $0x38;
	[tilespmem:$0x1D8C0] =	vst v63  }
0x63: {  	_ =	swait.ge [sflag:s19], $0xE00  }
0x64: {  	[sflag:s19] =	ssyncset.done $0x0  }
0x65: {  	[sflag:s19] =	ssyncadd.s32 $0xFFFFF200  }
0x66: {  	[tilespmem:s20], [sflag:$0x2] =	stream.linear.gather [hbm4b:s13+s0], $0xE00, $0x38;
	[tilespmem:$0x1D8C0] =	vst v63  }
0x67: {  	_ =	swait.ge [sflag:s19], $0xE00  }
0x68: {  	[sflag:s19] =	ssyncset.done $0x0  }
0x69: {  	[sflag:s19] =	ssyncadd.s32 $0xFFFFF200  }
0x6a: {  	[tilespmem:s22], [sflag:$0x1] =	stream.indirect.gather [hbm4b:s1+s21], $0x80, s0, s21, $0xb8;
	[tilespmem:$0x1D8C0] =	vst v63  }
0x6b: {  	_ =	swait.ge [sflag:s23], $0x4000  }
0x6c: {  	[sflag:s23] =	ssyncset.done $0x0  }
0x6d: {  	s2 =	simm.s32 $0x80;
	[sflag:s23] =	ssyncadd.s32 $0xFFFFC000  }
0x6e: {  	[tilespmem:s24], [sflag:$0x1] =	stream.indirect.gather [hbm4b:s1+s21], $0x80, s2, s21, $0xb8;
	[tilespmem:$0x1D8C0] =	vst v63  }
0x6f: {  	s5 =	simm.s32 $0x1000  }
0x70: {  	[spmem:s3] =	stream.indirect.scatter.add.f32 [tilespmem:s22], [sflag:$0x2], $0x80, s5, s21, $0xb8;
	[tilespmem:$0x1D8C0] =	vst v63  }
0x71: {  	_ =	swait.ge [sflag:s19], $0x4000  }
0x72: {  	[sflag:s19] =	ssyncset.done $0x0  }
0x73: {  	[sflag:s19] =	ssyncadd.s32 $0xFFFFC000  }
0x74: {  	_ =	swait.ge [sflag:s23], $0x4000  }
0x75: {  	[sflag:s23] =	ssyncset.done $0x0  }
0x76: {  	s2 =	simm.s32 $0x100;
	[sflag:s23] =	ssyncadd.s32 $0xFFFFC000  }
0x77: {  	[tilespmem:s22], [sflag:$0x1] =	stream.indirect.gather [hbm4b:s1+s21], $0x80, s2, s21, $0xb8;
	[tilespmem:$0x1D8C0] =	vst v63  }
0x78: {  	s5 =	simm.s32 $0x1080  }
0x79: {  	[spmem:s3] =	stream.indirect.scatter.add.f32 [tilespmem:s24], [sflag:$0x2], $0x80, s5, s21, $0xb8;
	[tilespmem:$0x1D8C0] =	vst v63  }
0x7a: {  	_ =	swait.ge [sflag:s19], $0x4000  }
0x7b: {  	s0 =	simm.s32 $0x400;
	[sflag:s19] =	ssyncset.done $0x0  }
.LBB2_4:
0x7c: {  	p1 =	sne.s32 s0, $0x3000  }
0x7d: {  	[sflag:s19] =	ssyncadd.s32 $0xFFFFC000;
	s2 =	smov.u32 s0;
	s0 =	sadd.s32 $0x400, s0  }
0x7e: {  	_ = 	snop  }
0x7f: {  	_ =	swait.ge [sflag:s23], $0x4000  }
0x80: {  	s2 =	sshra.s32 s2, $0x2;
	[sflag:s23] =	ssyncset.done $0x0  }
0x81: {  	s5 =	sadd.s32 $0x80, s2;
	[sflag:s23] =	ssyncadd.s32 $0xFFFFC000  }
0x82: {  	[tilespmem:s24], [sflag:$0x1] =	stream.indirect.gather [hbm4b:s1+s21], $0x80, s5, s21, $0xb8;
	[tilespmem:$0x1D8C0] =	vst v63  }
0x83: {  	s5 =	sadd.s32 $0x1000, s2  }
0x84: {  	[spmem:s3] =	stream.indirect.scatter.add.f32 [tilespmem:s22], [sflag:$0x2], $0x80, s5, s21, $0xb8;
	[tilespmem:$0x1D8C0] =	vst v63  }
0x85: {  	_ =	swait.ge [sflag:s19], $0x4000  }
0x86: {  	[sflag:s19] =	ssyncset.done $0x0  }
0x87: {  	[sflag:s19] =	ssyncadd.s32 $0xFFFFC000  }
0x88: {  	_ =	swait.ge [sflag:s23], $0x4000  }
0x89: {  	[sflag:s23] =	ssyncset.done $0x0  }
0x8a: {  	s5 =	sadd.s32 $0x100, s2;
	[sflag:s23] =	ssyncadd.s32 $0xFFFFC000  }
0x8b: {  	[tilespmem:s22], [sflag:$0x1] =	stream.indirect.gather [hbm4b:s1+s21], $0x80, s5, s21, $0xb8;
	[tilespmem:$0x1D8C0] =	vst v63  }
.Ltmp1:
0x8c: {  	_ = 	snop;
	(pc) =	sbr.rel @p1 .LBB2_4-.Ltmp1, $4  }
0x8d: {  	s2 =	sadd.s32 $0x1080, s2  }
0x8e: {  	[spmem:s3] =	stream.indirect.scatter.add.f32 [tilespmem:s24], [sflag:$0x2], $0x80, s2, s21, $0xb8;
	[tilespmem:$0x1D8C0] =	vst v63  }
0x8f: {  	_ =	swait.ge [sflag:s19], $0x4000  }
0x90: {  	[sflag:s19] =	ssyncset.done $0x0  }
0x91: {  	[sflag:s19] =	ssyncadd.s32 $0xFFFFC000  }
0x92: {  	_ =	swait.ge [sflag:s23], $0x4000  }
0x93: {  	[sflag:s23] =	ssyncset.done $0x0  }
0x94: {  	[sflag:s23] =	ssyncadd.s32 $0xFFFFC000  }
0x95: {  	[tilespmem:s24], [sflag:$0x1] =	stream.indirect.gather [hbm4b:s1+s21], $0x80, s25, s21, $0xb8;
	[tilespmem:$0x1D8C0] =	vst v63  }
0x96: {  	_ = 	snop  }
0x97: {  	[spmem:s3] =	stream.indirect.scatter.add.f32 [tilespmem:s22], [sflag:$0x2], $0x80, s26, s21, $0xb8;
	[tilespmem:$0x1D8C0] =	vst v63  }
0x98: {  	_ =	swait.ge [sflag:s19], $0x4000  }
0x99: {  	[sflag:s19] =	ssyncset.done $0x0  }
0x9a: {  	[sflag:s19] =	ssyncadd.s32 $0xFFFFC000  }
0x9b: {  	_ =	swait.ge [sflag:s23], $0x4000  }
0x9c: {  	[sflag:s23] =	ssyncset.done $0x0  }
0x9d: {  	[sflag:s23] =	ssyncadd.s32 $0xFFFFC000  }
0x9e: {  	[spmem:s3] =	stream.indirect.scatter.add.f32 [tilespmem:s24], [sflag:$0x2], $0x80, s28, s21, $0xb8;
	[tilespmem:$0x1D8C0] =	vst v63  }
0x9f: {  	_ =	swait.ge [sflag:s19], $0x4000  }
0xa0: {  	[sflag:s19] =	ssyncset.done $0x0  }
0xa1: {  	s0 =	simm.s32 $0x0;
	[sflag:s19] =	ssyncadd.s32 $0xFFFFC000  }
0xa2: {  	[tilespmem:s0], [sflag:$0x2] =	stream.linear.gather [hbm4b:s14+s0], $0xE00, $0x38;
	[tilespmem:$0x1D8C0] =	vst v63  }
0xa3: {  	_ =	swait.ge [sflag:s19], $0xE00  }
0xa4: {  	[sflag:s19] =	ssyncset.done $0x0  }
0xa5: {  	[sflag:s19] =	ssyncadd.s32 $0xFFFFF200  }
0xa6: {  	[tilespmem:s20], [sflag:$0x2] =	stream.linear.gather [hbm4b:s15+s0], $0xE00, $0x38;
	[tilespmem:$0x1D8C0] =	vst v63  }
0xa7: {  	_ =	swait.ge [sflag:s19], $0xE00  }
0xa8: {  	[sflag:s19] =	ssyncset.done $0x0  }
0xa9: {  	[sflag:s19] =	ssyncadd.s32 $0xFFFFF200  }
0xaa: {  	[tilespmem:s22], [sflag:$0x1] =	stream.indirect.gather [hbm4b:s1+s21], $0x80, s0, s21, $0xb8;
	[tilespmem:$0x1D8C0] =	vst v63  }
0xab: {  	_ =	swait.ge [sflag:s23], $0x4000  }
0xac: {  	[sflag:s23] =	ssyncset.done $0x0  }
0xad: {  	s2 =	simm.s32 $0x80;
	[sflag:s23] =	ssyncadd.s32 $0xFFFFC000  }
0xae: {  	[tilespmem:s24], [sflag:$0x1] =	stream.indirect.gather [hbm4b:s1+s21], $0x80, s2, s21, $0xb8;
	[tilespmem:$0x1D8C0] =	vst v63  }
0xaf: {  	s5 =	simm.s32 $0x1000  }
0xb0: {  	[spmem:s3] =	stream.indirect.scatter.add.f32 [tilespmem:s22], [sflag:$0x2], $0x80, s5, s21, $0xb8;
	[tilespmem:$0x1D8C0] =	vst v63  }
0xb1: {  	_ =	swait.ge [sflag:s19], $0x4000  }
0xb2: {  	[sflag:s19] =	ssyncset.done $0x0  }
0xb3: {  	[sflag:s19] =	ssyncadd.s32 $0xFFFFC000  }
0xb4: {  	_ =	swait.ge [sflag:s23], $0x4000  }
0xb5: {  	[sflag:s23] =	ssyncset.done $0x0  }
0xb6: {  	s2 =	simm.s32 $0x100;
	[sflag:s23] =	ssyncadd.s32 $0xFFFFC000  }
0xb7: {  	[tilespmem:s22], [sflag:$0x1] =	stream.indirect.gather [hbm4b:s1+s21], $0x80, s2, s21, $0xb8;
	[tilespmem:$0x1D8C0] =	vst v63  }
0xb8: {  	s5 =	simm.s32 $0x1080  }
0xb9: {  	[spmem:s3] =	stream.indirect.scatter.add.f32 [tilespmem:s24], [sflag:$0x2], $0x80, s5, s21, $0xb8;
	[tilespmem:$0x1D8C0] =	vst v63  }
0xba: {  	_ =	swait.ge [sflag:s19], $0x4000  }
0xbb: {  	s0 =	simm.s32 $0x400;
	[sflag:s19] =	ssyncset.done $0x0  }
.LBB2_6:
0xbc: {  	p1 =	sne.s32 s0, $0x3000  }
0xbd: {  	[sflag:s19] =	ssyncadd.s32 $0xFFFFC000;
	s2 =	smov.u32 s0;
	s0 =	sadd.s32 $0x400, s0  }
0xbe: {  	_ = 	snop  }
0xbf: {  	_ =	swait.ge [sflag:s23], $0x4000  }
0xc0: {  	s2 =	sshra.s32 s2, $0x2;
	[sflag:s23] =	ssyncset.done $0x0  }
0xc1: {  	s5 =	sadd.s32 $0x80, s2;
	[sflag:s23] =	ssyncadd.s32 $0xFFFFC000  }
0xc2: {  	[tilespmem:s24], [sflag:$0x1] =	stream.indirect.gather [hbm4b:s1+s21], $0x80, s5, s21, $0xb8;
	[tilespmem:$0x1D8C0] =	vst v63  }
0xc3: {  	s5 =	sadd.s32 $0x1000, s2  }
0xc4: {  	[spmem:s3] =	stream.indirect.scatter.add.f32 [tilespmem:s22], [sflag:$0x2], $0x80, s5, s21, $0xb8;
	[tilespmem:$0x1D8C0] =	vst v63  }
0xc5: {  	_ =	swait.ge [sflag:s19], $0x4000  }
0xc6: {  	[sflag:s19] =	ssyncset.done $0x0  }
0xc7: {  	[sflag:s19] =	ssyncadd.s32 $0xFFFFC000  }
0xc8: {  	_ =	swait.ge [sflag:s23], $0x4000  }
0xc9: {  	[sflag:s23] =	ssyncset.done $0x0  }
0xca: {  	s5 =	sadd.s32 $0x100, s2;
	[sflag:s23] =	ssyncadd.s32 $0xFFFFC000  }
0xcb: {  	[tilespmem:s22], [sflag:$0x1] =	stream.indirect.gather [hbm4b:s1+s21], $0x80, s5, s21, $0xb8;
	[tilespmem:$0x1D8C0] =	vst v63  }
.Ltmp2:
0xcc: {  	_ = 	snop;
	(pc) =	sbr.rel @p1 .LBB2_6-.Ltmp2, $4  }
0xcd: {  	s2 =	sadd.s32 $0x1080, s2  }
0xce: {  	[spmem:s3] =	stream.indirect.scatter.add.f32 [tilespmem:s24], [sflag:$0x2], $0x80, s2, s21, $0xb8;
	[tilespmem:$0x1D8C0] =	vst v63  }
0xcf: {  	_ =	swait.ge [sflag:s19], $0x4000  }
0xd0: {  	[sflag:s19] =	ssyncset.done $0x0  }
0xd1: {  	[sflag:s19] =	ssyncadd.s32 $0xFFFFC000  }
0xd2: {  	_ =	swait.ge [sflag:s23], $0x4000  }
0xd3: {  	[sflag:s23] =	ssyncset.done $0x0  }
0xd4: {  	[sflag:s23] =	ssyncadd.s32 $0xFFFFC000  }
0xd5: {  	[tilespmem:s24], [sflag:$0x1] =	stream.indirect.gather [hbm4b:s1+s21], $0x80, s25, s21, $0xb8;
	[tilespmem:$0x1D8C0] =	vst v63  }
0xd6: {  	_ = 	snop  }
0xd7: {  	[spmem:s3] =	stream.indirect.scatter.add.f32 [tilespmem:s22], [sflag:$0x2], $0x80, s26, s21, $0xb8;
	[tilespmem:$0x1D8C0] =	vst v63  }
0xd8: {  	_ =	swait.ge [sflag:s19], $0x4000  }
0xd9: {  	[sflag:s19] =	ssyncset.done $0x0  }
0xda: {  	[sflag:s19] =	ssyncadd.s32 $0xFFFFC000  }
0xdb: {  	_ =	swait.ge [sflag:s23], $0x4000  }
0xdc: {  	[sflag:s23] =	ssyncset.done $0x0  }
0xdd: {  	[sflag:s23] =	ssyncadd.s32 $0xFFFFC000  }
0xde: {  	[spmem:s3] =	stream.indirect.scatter.add.f32 [tilespmem:s24], [sflag:$0x2], $0x80, s28, s21, $0xb8;
	[tilespmem:$0x1D8C0] =	vst v63  }
0xdf: {  	_ =	swait.ge [sflag:s19], $0x4000  }
0xe0: {  	[sflag:s19] =	ssyncset.done $0x0  }
0xe1: {  	[sflag:s19] =	ssyncadd.s32 $0xFFFFC000  }
0xe2: {  	[bflag:$0x0] =	sbarrier.arrive $0xFFFF  }
0xe3: {  	[hbm:s16], [sflag:s7] =	dma.local [spmem:s30], $0x2700  }
0xe4: {  	s29 =	sadd.s32 $0x1, s29;
	_ =	swait.ge [sflag:s19], $0x2700  }
0xe5: {  	p1 =	sne.s32 s29, s18;
	[sflag:s19] =	ssyncset.done $0x0  }
.Ltmp3:
0xe6: {  	s0 =	simm.s32 @!p0 $0x2;
	[sflag:s19] =	ssyncadd.s32 $0xFFFFD900;
	(pc) =	sbr.rel @p1 .LBB2_1-.Ltmp3, $4  }
0xe7: {  	[hbm:s17], [sflag:s7] =	dma.local @!p0 [spmem:s31], $0x100  }
0xe8: {  	_ =	swait.ge @!p0 [sflag:s0], $0x100  }
0xe9: {  	[sflag:s0] =	ssyncset.done @!p0 $0x0  }
0xea: {  	[sflag:s0] =	ssyncadd.s32 @!p0 $0xFFFFFF00  }
0xeb: {  	_ =	sfence.sel $0x180000  }
0xec: {  	[bflag:$0x0] =	sbarrier.arrive $0xFFFF  }
0xed: {  	_ =	strace $0x9000004A  }
0xee: {  	s0 =	stileid.u32;
	[bflag:$0x2] =	sbarrier.arrive $0xFFFF  }
0xef: {  	p0 =	sne.s32 s0, $0x0;
	s0 =	rddreg [dreg:$0x4]  }
0xf0: {  	s0 =	sadd.s32 @!p0 $0x100000, s0  }
0xf1: {  	[sflag:s0] =	ssyncadd.tile.s32 @!p0 $0x1;
	_ =	shalt  }
.Lfunc_end2:
_tile_overlayer_lowered:
.L_overlay_start_2:
0xf2: {  	(tag) =	ssettag $0x2  }
0xf3: {  	s0 =	rddreg [dreg:$0x0];
	s2 =	stileid.u32  }
0xf4: {  	s1 =	rddreg [dreg:$0x1];
	p0 =	sne.s32 s2, $0x0  }
0xf5: {  	s3 =	rddreg [dreg:$0x2];
	[bflag:$0x3] =	sbarrier.arrive $0xFFFF;
	s2 =	simm.s32 @!p0 $0x1C02  }
0xf6: {  	[timem:s3], [sflag:s2] =	dma.local @!p0 [hbm:s0], s1  }
0xf7: {  	s0 =	simm.s32 @!p0 $0x2  }
0xf8: {  	_ =	swait.ge @!p0 [sflag:s0], s1  }
0xf9: {  	s1 =	ssub.s32 @!p0 $0x0, s1;
	[sflag:s0] =	ssyncset.done @!p0 $0x0  }
0xfa: {  	[sflag:s0] =	ssyncadd.s32 @!p0 s1  }
0xfb: {  	[bflag:$0x3] =	sbarrier.arrive $0xFFFF  }
0xfc: {  	_ =	shalt  }

</sc_bundles>
